<compile_context>
chip_gen: v7x
topology: tpu7x:2x2x1
jax: 0.10.2.dev20260603
libtpu: 0.0.44.dev20260713+nightly
codegen_flags: <defaults>
</compile_context>

<pallas_src>
import functools

import jax
import jax.numpy as jnp
from jax import lax
from jax.experimental import pallas as pl
from jax.experimental.pallas import tpu as pltpu
from jax.experimental.pallas import tpu_sc as plsc

_N = 10000
_E = 160000
_W = 16

_NC = 2
_NS = 16
_NW = _NC * _NS
_EPW = _E // _NW
_CH = 40
_NCH = _EPW // _CH
_GRP = 5
_RPT = _N // _NS

_mesh = plsc.VectorSubcoreMesh(core_axis_name="c", subcore_axis_name="s")
_sc_params = pltpu.CompilerParams(use_tc_tiling_on_sc=False)


@functools.partial(
    pl.kernel,
    out_type=jax.ShapeDtypeStruct((_E, _W), jnp.float32),
    mesh=_mesh,
    compiler_params=_sc_params,
    scratch_types=[
        pltpu.VMEM((_NCH, _CH), jnp.int32),
        pltpu.VMEM((_EPW, _W), jnp.float32),
        pltpu.SemaphoreType.DMA,
    ],
)
def _sc_gather(tbl_hbm, idx_hbm, out_hbm, idx_v, rows_v, sem):
    wid = lax.axis_index("s") * _NC + lax.axis_index("c")
    pltpu.sync_copy(idx_hbm.at[wid], idx_v)

    def grp(g, carry):
        for k in range(_GRP):
            j = g * _GRP + k
            pltpu.make_async_copy(
                tbl_hbm.at[idx_v.at[j]], rows_v.at[pl.ds(j * _CH, _CH)], sem
            ).start()
        for k in range(_GRP):
            j = g * _GRP + k
            pltpu.make_async_copy(
                tbl_hbm.at[idx_v.at[j]], rows_v.at[pl.ds(j * _CH, _CH)], sem
            ).wait()
        return carry

    lax.fori_loop(0, _NCH // _GRP, grp, 0)
    pltpu.sync_copy(rows_v, out_hbm.at[pl.ds(wid * _EPW, _EPW)])


@functools.partial(
    pl.kernel,
    out_type=jax.ShapeDtypeStruct((_NC, _N, _W), jnp.float32),
    mesh=_mesh,
    compiler_params=_sc_params,
    scratch_types=[
        pltpu.VMEM((_NCH, _CH), jnp.int32),
        pltpu.VMEM((_EPW, _W), jnp.float32),
        pltpu.VMEM_SHARED((_N, _W), jnp.float32),
        pltpu.SemaphoreType.DMA,
    ],
)
def _sc_scatter(msg_hbm, idx_hbm, zeros_hbm, out_hbm, idx_v, rows_v, acc, sem):
    cid = lax.axis_index("c")
    sid = lax.axis_index("s")
    wid = sid * _NC + cid
    pltpu.sync_copy(zeros_hbm.at[pl.ds(sid * _RPT, _RPT)],
                    acc.at[pl.ds(sid * _RPT, _RPT)])
    pltpu.sync_copy(idx_hbm.at[wid], idx_v)
    pltpu.sync_copy(msg_hbm.at[pl.ds(wid * _EPW, _EPW)], rows_v)
    plsc.subcore_barrier()

    def grp(g, carry):
        for k in range(_GRP):
            j = g * _GRP + k
            pltpu.make_async_copy(
                rows_v.at[pl.ds(j * _CH, _CH)], acc.at[idx_v.at[j]], sem
            ).start(add=True)
        for k in range(_GRP):
            j = g * _GRP + k
            pltpu.make_async_copy(
                rows_v.at[pl.ds(j * _CH, _CH)], acc.at[idx_v.at[j]], sem
            ).wait()
        return carry

    lax.fori_loop(0, _NCH // _GRP, grp, 0)
    plsc.subcore_barrier()
    pltpu.sync_copy(acc.at[pl.ds(sid * _RPT, _RPT)],
                    out_hbm.at[cid, pl.ds(sid * _RPT, _RPT)])


@functools.partial(
    pl.kernel,
    out_type=(jax.ShapeDtypeStruct((_NC, _N, _W), jnp.float32),
              jax.ShapeDtypeStruct((_NC, _N, _W), jnp.float32)),
    mesh=_mesh,
    compiler_params=_sc_params,
    scratch_types=[
        pltpu.VMEM((_NCH, _CH), jnp.int32),
        pltpu.VMEM((_EPW, _W), jnp.float32),
        pltpu.VMEM((_CH, _W), jnp.float32),
        pltpu.VMEM_SHARED((_N, _W), jnp.float32),
        pltpu.VMEM_SHARED((_N, _W), jnp.float32),
        pltpu.SemaphoreType.DMA,
    ],
)
def _sc_scatter_deg(msg_hbm, idx_hbm, ones_hbm, zeros_hbm, out_hbm, deg_hbm,
                    idx_v, rows_v, ones_v, acc, dacc, sem):
    cid = lax.axis_index("c")
    sid = lax.axis_index("s")
    wid = sid * _NC + cid
    pltpu.sync_copy(zeros_hbm.at[pl.ds(sid * _RPT, _RPT)],
                    acc.at[pl.ds(sid * _RPT, _RPT)])
    pltpu.sync_copy(zeros_hbm.at[pl.ds(sid * _RPT, _RPT)],
                    dacc.at[pl.ds(sid * _RPT, _RPT)])
    pltpu.sync_copy(idx_hbm.at[wid], idx_v)
    pltpu.sync_copy(ones_hbm, ones_v)
    pltpu.sync_copy(msg_hbm.at[pl.ds(wid * _EPW, _EPW)], rows_v)
    plsc.subcore_barrier()

    def grp(g, carry):
        for k in range(_GRP):
            j = g * _GRP + k
            pltpu.make_async_copy(
                rows_v.at[pl.ds(j * _CH, _CH)], acc.at[idx_v.at[j]], sem
            ).start(add=True)
            pltpu.make_async_copy(ones_v, dacc.at[idx_v.at[j]], sem
                                  ).start(add=True)
        for k in range(_GRP):
            j = g * _GRP + k
            pltpu.make_async_copy(
                rows_v.at[pl.ds(j * _CH, _CH)], acc.at[idx_v.at[j]], sem
            ).wait()
            pltpu.make_async_copy(ones_v, dacc.at[idx_v.at[j]], sem).wait()
        return carry

    lax.fori_loop(0, _NCH // _GRP, grp, 0)
    plsc.subcore_barrier()
    pltpu.sync_copy(acc.at[pl.ds(sid * _RPT, _RPT)],
                    out_hbm.at[cid, pl.ds(sid * _RPT, _RPT)])
    pltpu.sync_copy(dacc.at[pl.ds(sid * _RPT, _RPT)],
                    deg_hbm.at[cid, pl.ds(sid * _RPT, _RPT)])


def _fc1_body(x_ref, w_ref, b_ref, o_ref):
    o_ref[...] = (
        jnp.dot(x_ref[...], w_ref[...], preferred_element_type=jnp.float32)
        + b_ref[...]
    )


def _tc_fc1(x, w, b):
    return pl.pallas_call(
        _fc1_body,
        out_shape=jax.ShapeDtypeStruct((_N, _W), jnp.float32),
    )(x, w, b)


_BE = 6400
_BR = _BE // 8
_ER = _E // 8


def _unpack(xp):
    return jnp.concatenate([xp[:, 16 * j:16 * (j + 1)] for j in range(8)],
                           axis=0)


def _pack(x):
    return jnp.concatenate([x[_BR * j:_BR * (j + 1), :] for j in range(8)],
                           axis=1)


def _edge_body(a_ref, hs_ref, k1, b1, k2, b2, k3, b3, rm, sm, o_ref):
    f32 = jnp.float32
    bf16 = jnp.bfloat16
    hs = _unpack(hs_ref[...])
    e1 = jnp.maximum(
        lax.dot_general(a_ref[...].astype(bf16), k1[...].astype(bf16),
                        (((0,), (0,)), ((), ())),
                        preferred_element_type=f32) + b1[...], 0.0)
    e2 = jnp.maximum(
        jnp.dot(e1.astype(bf16), k2[...].astype(bf16),
                preferred_element_type=f32) + b2[...], 0.0)
    wm = jnp.dot(e2.astype(bf16), k3[...].astype(bf16),
                 preferred_element_type=f32) + b3[...]
    hrep = jnp.dot(hs.astype(bf16), rm[...].astype(bf16),
                   preferred_element_type=f32)
    msg = jnp.dot((wm * hrep).astype(bf16), sm[...].astype(bf16),
                  preferred_element_type=f32)
    o_ref[...] = _pack(msg)


def _tc_edge(a, hs, k1, b1, k2, b2, k3, b3, rm, sm):
    def bcast(shape):
        return pl.BlockSpec(shape, lambda i: (0,) * len(shape))

    return pl.pallas_call(
        _edge_body,
        grid=(_E // _BE,),
        in_specs=[
            pl.BlockSpec((16, _BE), lambda i: (0, i)),
            pl.BlockSpec((_BR, 128), lambda i: (i, 0)),
            bcast((16, 64)), bcast((1, 64)),
            bcast((64, 128)), bcast((1, 128)),
            bcast((128, 256)), bcast((1, 256)),
            bcast((16, 256)), bcast((256, 16)),
        ],
        out_specs=pl.BlockSpec((_BR, 128), lambda i: (i, 0)),
        out_shape=jax.ShapeDtypeStruct((_ER, 128), jnp.float32),
    )(a, hs, k1, b1, k2, b2, k3, b3, rm, sm)


def _update_body(p0, p1, d0, d1, h_ref, rw, rb, o_ref):
    deg = jnp.maximum(d0[:, 0:1] + d1[:, 0:1], 1.0)
    agg = (p0[...] + p1[...]) / deg
    root = jnp.dot(h_ref[...], rw[...], preferred_element_type=jnp.float32)
    o_ref[...] = jnp.maximum(agg + root + rb[...], 0.0)


def _tc_update(p0, p1, d0, d1, h, rw, rb):
    return pl.pallas_call(
        _update_body,
        out_shape=jax.ShapeDtypeStruct((_N, _W), jnp.float32),
    )(p0, p1, d0, d1, h, rw, rb)


def _updfc2_body(p0, p1, d0, d1, h_ref, rw, rb, w2, b2, o_ref):
    deg = jnp.maximum(d0[:, 0:1] + d1[:, 0:1], 1.0)
    agg = (p0[...] + p1[...]) / deg
    root = jnp.dot(h_ref[...], rw[...], preferred_element_type=jnp.float32)
    h = jnp.maximum(agg + root + rb[...], 0.0)
    o_ref[...] = (
        jnp.dot(h, w2[...], preferred_element_type=jnp.float32) + b2[...]
    )


def _tc_update_fc2(p0, p1, d0, d1, h, rw, rb, w2, b2):
    return pl.pallas_call(
        _updfc2_body,
        out_shape=jax.ShapeDtypeStruct((_N, 1), jnp.float32),
    )(p0, p1, d0, d1, h, rw, rb, w2, b2)


def kernel(x, edge_index, edge_attr, fc1_w, fc1_b, k1_w, k1_b, k2_w, k2_b,
           k3_w, k3_b, root_w, root_b, fc2_w, fc2_b):
    f32 = jnp.float32

    def slotify(v):
        return (v.reshape(_E // _BE, 8, _BR).transpose(0, 2, 1)
                .reshape(_NW, _NCH, _CH))

    src = slotify(edge_index[0])
    dst = slotify(edge_index[1])
    zeros = jnp.zeros((_N, _W), f32)
    ones_blk = jnp.ones((_CH, _W), f32)
    rmat = jnp.kron(jnp.eye(_W, dtype=f32), jnp.ones((1, _W), f32))
    smat = jnp.kron(jnp.ones((_W, 1), f32), jnp.eye(_W, dtype=f32))

    h = _tc_fc1(x, fc1_w, fc1_b.reshape(1, _W))
    a_t = edge_attr.T
    degp = None
    for k in range(2):
        hs = _sc_gather(h, src).reshape(_ER, 128)
        msg = _tc_edge(a_t, hs,
                       k1_w[k], k1_b[k].reshape(1, -1),
                       k2_w[k], k2_b[k].reshape(1, -1),
                       k3_w[k], k3_b[k].reshape(1, -1),
                       rmat, smat).reshape(_E, _W)
        if k == 0:
            aggp, degp = _sc_scatter_deg(msg, dst, ones_blk, zeros)
            h = _tc_update(aggp[0], aggp[1], degp[0], degp[1], h,
                           root_w[k], root_b[k].reshape(1, _W))
        else:
            aggp = _sc_scatter(msg, dst, zeros)
            return _tc_update_fc2(aggp[0], aggp[1], degp[0], degp[1], h,
                                  root_w[k], root_b[k].reshape(1, _W),
                                  fc2_w, fc2_b.reshape(1, 1))

# --- scband reference (transcript-rebuilt; emitter-appended) ---
"""Pipeline reference for scband-deep-kernel-nn-2740189135781 (READ-ONLY COPY).

The authoritative reference and input builder live on the scoring server;
editing this copy changes nothing except your own understanding.
"""

import jax, jax.numpy as jnp
import numpy as np

N = 10000
E = 160000
IN_W = 128
W = 16
KER_IN = 16
KW = 128
DEPTH = 2


def setup_inputs(seed: int = 0) -> dict:
    key = jax.random.key(seed)
    ks = jax.random.split(key, 16)
    s = 0.05
    inp = {}
    inp["x"] = jax.random.normal(ks[0], (N, IN_W), dtype=jnp.float32)
    inp["edge_index"] = jax.random.randint(ks[1], (2, E), 0, N)
    inp["edge_attr"] = jax.random.uniform(ks[2], (E, KER_IN), dtype=jnp.float32)
    inp["fc1_w"] = jax.random.normal(ks[3], (IN_W, W), dtype=jnp.float32) * s
    inp["fc1_b"] = jnp.zeros((W,), dtype=jnp.float32)
    inp["k1_w"] = jax.random.normal(ks[4], (DEPTH, KER_IN, KW // 2), dtype=jnp.float32) * s
    inp["k1_b"] = jnp.zeros((DEPTH, KW // 2), dtype=jnp.float32)
    inp["k2_w"] = jax.random.normal(ks[5], (DEPTH, KW // 2, KW), dtype=jnp.float32) * s
    inp["k2_b"] = jnp.zeros((DEPTH, KW), dtype=jnp.float32)
    inp["k3_w"] = jax.random.normal(ks[6], (DEPTH, KW, W * W), dtype=jnp.float32) * s
    inp["k3_b"] = jnp.zeros((DEPTH, W * W), dtype=jnp.float32)
    inp["root_w"] = jax.random.normal(ks[7], (DEPTH, W, W), dtype=jnp.float32) * s
    inp["root_b"] = jnp.zeros((DEPTH, W), dtype=jnp.float32)
    inp["fc2_w"] = jax.random.normal(ks[8], (W, 1), dtype=jnp.float32) * s
    inp["fc2_b"] = jnp.zeros((1,), dtype=jnp.float32)
    return inp


def reference(x, edge_index, edge_attr, fc1_w, fc1_b, k1_w, k1_b, k2_w, k2_b, k3_w, k3_b, root_w, root_b, fc2_w, fc2_b):
    # DeepKernelNN: fc1 -> depth x [NNConv_old(mean aggr, edge-conditioned kernel) + relu] -> fc2
    src = edge_index[0]
    dst = edge_index[1]
    deg = jax.ops.segment_sum(jnp.ones((E,), dtype=jnp.float32), dst, num_segments=N)
    deg = jnp.maximum(deg, 1.0)
    h = x @ fc1_w + fc1_b
    for k in range(DEPTH):
        # DenseNet kernel: [ker_in, ker_width//2, ker_width, width**2] with ReLU between layers
        e = jax.nn.relu(edge_attr @ k1_w[k] + k1_b[k])
        e = jax.nn.relu(e @ k2_w[k] + k2_b[k])
        wmat = (e @ k3_w[k] + k3_b[k]).reshape(E, W, W)
        # message: x_j (source node feature) transformed by per-edge weight matrix
        msg = jnp.einsum('ei,eio->eo', h[src], wmat)
        # mean aggregation at destination nodes
        agg = jax.ops.segment_sum(msg, dst, num_segments=N) / deg[:, None]
        # update: aggregated messages + root transform + bias, then outer ReLU
        h = jax.nn.relu(agg + h @ root_w[k] + root_b[k])
    return h @ fc2_w + fc2_b

if __name__ == "__main__":
    import jax
    _d = setup_inputs()
    print(jax.jit(kernel)(*tuple(_d.values())))

</pallas_src>

<mosaic_0001>
#map = affine_map<(d0, d1) -> (0, 0)>
#map1 = affine_map<(d0, d1) -> (0, 0, 0)>
module attributes {stable_mosaic.version = 14 : i64} {
  func.func @_sc_gather(%arg0: i32, %arg1: i32, %arg2: memref<10000x16xf32, #tpu.memory_space<hbm>>, %arg3: memref<32x125x40xi32, #tpu.memory_space<hbm>>, %arg4: memref<160000x16xf32, #tpu.memory_space<hbm>>, %arg5: memref<125x40xi32, #tpu.memory_space<vmem>>, %arg6: memref<5000x16xf32, #tpu.memory_space<vmem>>, %arg7: memref<!tpu.dma_semaphore, #tpu.memory_space<semaphore_mem>>) attributes {dimension_semantics = [#tpu.dimension_semantics<core_parallel>, #tpu.dimension_semantics<subcore_parallel>], iteration_bounds = array<i64: 2, 16>, scalar_prefetch = 0 : i64, scratch_operands = 3 : i64, tpu.core_type = #tpu.core_type<sc_vector_subcore>, window_params = [{transform_indices = #map}, {transform_indices = #map1}, {transform_indices = #map}]} {
    %mul3A = arith.constant 2 : i32
    %mul3A_0 = arith.muli %arg1, %mul3A : i32
    %add3A = arith.addi %mul3A_0, %arg0 : i32
    "tpu.region"() ({
      %run_scoped3A = tpu.sem_alloc : memref<!tpu.dma_semaphore, #tpu.memory_space<semaphore_mem>>
      %dma_start3A = arith.constant 0 : i32
      %dma_start3A_8 = arith.constant 0 : i32
      %dma_start3A_9 = tpu.memref_slice %arg3[%add3A, %dma_start3A, %dma_start3A_8] : memref<32x125x40xi32, #tpu.memory_space<hbm>> -> memref<1x125x40xi32, #tpu.memory_space<hbm>>
      %dma_start3A_10 = tpu.memref_squeeze %dma_start3A_9 : memref<1x125x40xi32, #tpu.memory_space<hbm>> -> memref<125x40xi32, #tpu.memory_space<hbm>>
      %dma_start3A_11 = arith.constant 0 : i32
      %dma_start3A_12 = arith.constant 0 : i32
      %dma_start3A_13 = tpu.memref_slice %arg3[%add3A, %dma_start3A_11, %dma_start3A_12] : memref<32x125x40xi32, #tpu.memory_space<hbm>> -> memref<1x125x40xi32, #tpu.memory_space<hbm>>
      %dma_start3A_14 = tpu.memref_squeeze %dma_start3A_13 : memref<1x125x40xi32, #tpu.memory_space<hbm>> -> memref<125x40xi32, #tpu.memory_space<hbm>>
      tpu.enqueue_dma source(%dma_start3A_14 : memref<125x40xi32, #tpu.memory_space<hbm>>) target(%arg5 : memref<125x40xi32, #tpu.memory_space<vmem>>) target_semaphore(%run_scoped3A : memref<!tpu.dma_semaphore, #tpu.memory_space<semaphore_mem>>)
      %dma_wait3A = arith.constant 0 : i32
      %dma_wait3A_15 = arith.constant 0 : i32
      %dma_wait3A_16 = tpu.memref_slice %arg3[%add3A, %dma_wait3A, %dma_wait3A_15] : memref<32x125x40xi32, #tpu.memory_space<hbm>> -> memref<1x125x40xi32, #tpu.memory_space<hbm>>
      %dma_wait3A_17 = tpu.memref_squeeze %dma_wait3A_16 : memref<1x125x40xi32, #tpu.memory_space<hbm>> -> memref<125x40xi32, #tpu.memory_space<hbm>>
      %dma_wait3A_18 = arith.constant 0 : i32
      %dma_wait3A_19 = arith.constant 0 : i32
      %dma_wait3A_20 = tpu.memref_slice %arg3[%add3A, %dma_wait3A_18, %dma_wait3A_19] : memref<32x125x40xi32, #tpu.memory_space<hbm>> -> memref<1x125x40xi32, #tpu.memory_space<hbm>>
      %dma_wait3A_21 = tpu.memref_squeeze %dma_wait3A_20 : memref<1x125x40xi32, #tpu.memory_space<hbm>> -> memref<125x40xi32, #tpu.memory_space<hbm>>
      tpu.wait_dma2 semaphore(%run_scoped3A : memref<!tpu.dma_semaphore, #tpu.memory_space<semaphore_mem>>) src(%dma_wait3A_21 : memref<125x40xi32, #tpu.memory_space<hbm>>) dst(%arg5 : memref<125x40xi32, #tpu.memory_space<vmem>>)
      tpu.yield
    }) : () -> ()
    %scan3A = arith.constant 0 : i32
    %scan3A_1 = arith.constant 0 : i32
    %scan3A_2 = arith.constant 25 : i32
    %scan3A_3 = arith.addi %scan3A_1, %scan3A_2 : i32
    %scan3A_4 = arith.constant 1 : i32
    scf.for %scan3A_8 = %scan3A_1 to %scan3A_3 step %scan3A_4  : i32 {
      %mul3A_9 = arith.constant 5 : i32
      %mul3A_10 = arith.muli %scan3A_8, %mul3A_9 : i32
      %add3A_11 = arith.constant 0 : i32
      %add3A_12 = arith.addi %mul3A_10, %add3A_11 : i32
      %mul3A_13 = arith.constant 40 : i32
      %mul3A_14 = arith.muli %add3A_12, %mul3A_13 : i32
      %dma_start3A = arith.constant 0 : i32
      %dma_start3A_15 = tpu.memref_slice %arg6[%mul3A_14, %dma_start3A] : memref<5000x16xf32, #tpu.memory_space<vmem>> -> memref<40x16xf32, #tpu.memory_space<vmem>>
      %dma_start3A_16 = arith.constant 0 : i32
      %dma_start3A_17 = tpu.memref_slice %arg5[%add3A_12, %dma_start3A_16] : memref<125x40xi32, #tpu.memory_space<vmem>> -> memref<1x40xi32, #tpu.memory_space<vmem>>
      %dma_start3A_18 = tpu.memref_squeeze %dma_start3A_17 : memref<1x40xi32, #tpu.memory_space<vmem>> -> memref<40xi32, #tpu.memory_space<vmem>>
      %dma_start3A_19 = arith.constant 0 : i32
      %dma_start3A_20 = arith.constant 0 : i32
      %dma_start3A_21 = tpu.memref_slice %arg2[%dma_start3A_19, %dma_start3A_20] : memref<10000x16xf32, #tpu.memory_space<hbm>> -> memref<10000x16xf32, #tpu.memory_space<hbm>>
      tpu.enqueue_indirect_dma source(%dma_start3A_21 : memref<10000x16xf32, #tpu.memory_space<hbm>>) target(%dma_start3A_15 : memref<40x16xf32, #tpu.memory_space<vmem>>) offsets(%dma_start3A_18 : memref<40xi32, #tpu.memory_space<vmem>>) semaphore(%arg7 : memref<!tpu.dma_semaphore, #tpu.memory_space<semaphore_mem>>)
      %mul3A_22 = arith.constant 5 : i32
      %mul3A_23 = arith.muli %scan3A_8, %mul3A_22 : i32
      %add3A_24 = arith.constant 1 : i32
      %add3A_25 = arith.addi %mul3A_23, %add3A_24 : i32
      %mul3A_26 = arith.constant 40 : i32
      %mul3A_27 = arith.muli %add3A_25, %mul3A_26 : i32
      %dma_start3A_28 = arith.constant 0 : i32
      %dma_start3A_29 = tpu.memref_slice %arg6[%mul3A_27, %dma_start3A_28] : memref<5000x16xf32, #tpu.memory_space<vmem>> -> memref<40x16xf32, #tpu.memory_space<vmem>>
      %dma_start3A_30 = arith.constant 0 : i32
      %dma_start3A_31 = tpu.memref_slice %arg5[%add3A_25, %dma_start3A_30] : memref<125x40xi32, #tpu.memory_space<vmem>> -> memref<1x40xi32, #tpu.memory_space<vmem>>
      %dma_start3A_32 = tpu.memref_squeeze %dma_start3A_31 : memref<1x40xi32, #tpu.memory_space<vmem>> -> memref<40xi32, #tpu.memory_space<vmem>>
      %dma_start3A_33 = arith.constant 0 : i32
      %dma_start3A_34 = arith.constant 0 : i32
      %dma_start3A_35 = tpu.memref_slice %arg2[%dma_start3A_33, %dma_start3A_34] : memref<10000x16xf32, #tpu.memory_space<hbm>> -> memref<10000x16xf32, #tpu.memory_space<hbm>>
      tpu.enqueue_indirect_dma source(%dma_start3A_35 : memref<10000x16xf32, #tpu.memory_space<hbm>>) target(%dma_start3A_29 : memref<40x16xf32, #tpu.memory_space<vmem>>) offsets(%dma_start3A_32 : memref<40xi32, #tpu.memory_space<vmem>>) semaphore(%arg7 : memref<!tpu.dma_semaphore, #tpu.memory_space<semaphore_mem>>)
      %mul3A_36 = arith.constant 5 : i32
      %mul3A_37 = arith.muli %scan3A_8, %mul3A_36 : i32
      %add3A_38 = arith.constant 2 : i32
      %add3A_39 = arith.addi %mul3A_37, %add3A_38 : i32
      %mul3A_40 = arith.constant 40 : i32
      %mul3A_41 = arith.muli %add3A_39, %mul3A_40 : i32
      %dma_start3A_42 = arith.constant 0 : i32
      %dma_start3A_43 = tpu.memref_slice %arg6[%mul3A_41, %dma_start3A_42] : memref<5000x16xf32, #tpu.memory_space<vmem>> -> memref<40x16xf32, #tpu.memory_space<vmem>>
      %dma_start3A_44 = arith.constant 0 : i32
      %dma_start3A_45 = tpu.memref_slice %arg5[%add3A_39, %dma_start3A_44] : memref<125x40xi32, #tpu.memory_space<vmem>> -> memref<1x40xi32, #tpu.memory_space<vmem>>
      %dma_start3A_46 = tpu.memref_squeeze %dma_start3A_45 : memref<1x40xi32, #tpu.memory_space<vmem>> -> memref<40xi32, #tpu.memory_space<vmem>>
      %dma_start3A_47 = arith.constant 0 : i32
      %dma_start3A_48 = arith.constant 0 : i32
      %dma_start3A_49 = tpu.memref_slice %arg2[%dma_start3A_47, %dma_start3A_48] : memref<10000x16xf32, #tpu.memory_space<hbm>> -> memref<10000x16xf32, #tpu.memory_space<hbm>>
      tpu.enqueue_indirect_dma source(%dma_start3A_49 : memref<10000x16xf32, #tpu.memory_space<hbm>>) target(%dma_start3A_43 : memref<40x16xf32, #tpu.memory_space<vmem>>) offsets(%dma_start3A_46 : memref<40xi32, #tpu.memory_space<vmem>>) semaphore(%arg7 : memref<!tpu.dma_semaphore, #tpu.memory_space<semaphore_mem>>)
      %mul3A_50 = arith.constant 5 : i32
      %mul3A_51 = arith.muli %scan3A_8, %mul3A_50 : i32
      %add3A_52 = arith.constant 3 : i32
      %add3A_53 = arith.addi %mul3A_51, %add3A_52 : i32
      %mul3A_54 = arith.constant 40 : i32
      %mul3A_55 = arith.muli %add3A_53, %mul3A_54 : i32
      %dma_start3A_56 = arith.constant 0 : i32
      %dma_start3A_57 = tpu.memref_slice %arg6[%mul3A_55, %dma_start3A_56] : memref<5000x16xf32, #tpu.memory_space<vmem>> -> memref<40x16xf32, #tpu.memory_space<vmem>>
      %dma_start3A_58 = arith.constant 0 : i32
      %dma_start3A_59 = tpu.memref_slice %arg5[%add3A_53, %dma_start3A_58] : memref<125x40xi32, #tpu.memory_space<vmem>> -> memref<1x40xi32, #tpu.memory_space<vmem>>
      %dma_start3A_60 = tpu.memref_squeeze %dma_start3A_59 : memref<1x40xi32, #tpu.memory_space<vmem>> -> memref<40xi32, #tpu.memory_space<vmem>>
      %dma_start3A_61 = arith.constant 0 : i32
      %dma_start3A_62 = arith.constant 0 : i32
      %dma_start3A_63 = tpu.memref_slice %arg2[%dma_start3A_61, %dma_start3A_62] : memref<10000x16xf32, #tpu.memory_space<hbm>> -> memref<10000x16xf32, #tpu.memory_space<hbm>>
      tpu.enqueue_indirect_dma source(%dma_start3A_63 : memref<10000x16xf32, #tpu.memory_space<hbm>>) target(%dma_start3A_57 : memref<40x16xf32, #tpu.memory_space<vmem>>) offsets(%dma_start3A_60 : memref<40xi32, #tpu.memory_space<vmem>>) semaphore(%arg7 : memref<!tpu.dma_semaphore, #tpu.memory_space<semaphore_mem>>)
      %mul3A_64 = arith.constant 5 : i32
      %mul3A_65 = arith.muli %scan3A_8, %mul3A_64 : i32
      %add3A_66 = arith.constant 4 : i32
      %add3A_67 = arith.addi %mul3A_65, %add3A_66 : i32
      %mul3A_68 = arith.constant 40 : i32
      %mul3A_69 = arith.muli %add3A_67, %mul3A_68 : i32
      %dma_start3A_70 = arith.constant 0 : i32
      %dma_start3A_71 = tpu.memref_slice %arg6[%mul3A_69, %dma_start3A_70] : memref<5000x16xf32, #tpu.memory_space<vmem>> -> memref<40x16xf32, #tpu.memory_space<vmem>>
      %dma_start3A_72 = arith.constant 0 : i32
      %dma_start3A_73 = tpu.memref_slice %arg5[%add3A_67, %dma_start3A_72] : memref<125x40xi32, #tpu.memory_space<vmem>> -> memref<1x40xi32, #tpu.memory_space<vmem>>
      %dma_start3A_74 = tpu.memref_squeeze %dma_start3A_73 : memref<1x40xi32, #tpu.memory_space<vmem>> -> memref<40xi32, #tpu.memory_space<vmem>>
      %dma_start3A_75 = arith.constant 0 : i32
      %dma_start3A_76 = arith.constant 0 : i32
      %dma_start3A_77 = tpu.memref_slice %arg2[%dma_start3A_75, %dma_start3A_76] : memref<10000x16xf32, #tpu.memory_space<hbm>> -> memref<10000x16xf32, #tpu.memory_space<hbm>>
      tpu.enqueue_indirect_dma source(%dma_start3A_77 : memref<10000x16xf32, #tpu.memory_space<hbm>>) target(%dma_start3A_71 : memref<40x16xf32, #tpu.memory_space<vmem>>) offsets(%dma_start3A_74 : memref<40xi32, #tpu.memory_space<vmem>>) semaphore(%arg7 : memref<!tpu.dma_semaphore, #tpu.memory_space<semaphore_mem>>)
      %mul3A_78 = arith.constant 5 : i32
      %mul3A_79 = arith.muli %scan3A_8, %mul3A_78 : i32
      %add3A_80 = arith.constant 0 : i32
      %add3A_81 = arith.addi %mul3A_79, %add3A_80 : i32
      %mul3A_82 = arith.constant 40 : i32
      %mul3A_83 = arith.muli %add3A_81, %mul3A_82 : i32
      %dma_wait3A = arith.constant 0 : i32
      %dma_wait3A_84 = tpu.memref_slice %arg6[%mul3A_83, %dma_wait3A] : memref<5000x16xf32, #tpu.memory_space<vmem>> -> memref<40x16xf32, #tpu.memory_space<vmem>>
      %dma_wait3A_85 = arith.constant 0 : i32
      %dma_wait3A_86 = tpu.memref_slice %arg5[%add3A_81, %dma_wait3A_85] : memref<125x40xi32, #tpu.memory_space<vmem>> -> memref<1x40xi32, #tpu.memory_space<vmem>>
      %dma_wait3A_87 = tpu.memref_squeeze %dma_wait3A_86 : memref<1x40xi32, #tpu.memory_space<vmem>> -> memref<40xi32, #tpu.memory_space<vmem>>
      %dma_wait3A_88 = arith.constant 0 : i32
      %dma_wait3A_89 = arith.constant 0 : i32
      %dma_wait3A_90 = tpu.memref_slice %arg2[%dma_wait3A_88, %dma_wait3A_89] : memref<10000x16xf32, #tpu.memory_space<hbm>> -> memref<10000x16xf32, #tpu.memory_space<hbm>>
      tpu.wait_indirect_dma semaphore(%arg7 : memref<!tpu.dma_semaphore, #tpu.memory_space<semaphore_mem>>) src(%dma_wait3A_90 : memref<10000x16xf32, #tpu.memory_space<hbm>>) dst(%dma_wait3A_84 : memref<40x16xf32, #tpu.memory_space<vmem>>)
      %mul3A_91 = arith.constant 5 : i32
      %mul3A_92 = arith.muli %scan3A_8, %mul3A_91 : i32
      %add3A_93 = arith.constant 1 : i32
      %add3A_94 = arith.addi %mul3A_92, %add3A_93 : i32
      %mul3A_95 = arith.constant 40 : i32
      %mul3A_96 = arith.muli %add3A_94, %mul3A_95 : i32
      %dma_wait3A_97 = arith.constant 0 : i32
      %dma_wait3A_98 = tpu.memref_slice %arg6[%mul3A_96, %dma_wait3A_97] : memref<5000x16xf32, #tpu.memory_space<vmem>> -> memref<40x16xf32, #tpu.memory_space<vmem>>
      %dma_wait3A_99 = arith.constant 0 : i32
      %dma_wait3A_100 = tpu.memref_slice %arg5[%add3A_94, %dma_wait3A_99] : memref<125x40xi32, #tpu.memory_space<vmem>> -> memref<1x40xi32, #tpu.memory_space<vmem>>
      %dma_wait3A_101 = tpu.memref_squeeze %dma_wait3A_100 : memref<1x40xi32, #tpu.memory_space<vmem>> -> memref<40xi32, #tpu.memory_space<vmem>>
      %dma_wait3A_102 = arith.constant 0 : i32
      %dma_wait3A_103 = arith.constant 0 : i32
      %dma_wait3A_104 = tpu.memref_slice %arg2[%dma_wait3A_102, %dma_wait3A_103] : memref<10000x16xf32, #tpu.memory_space<hbm>> -> memref<10000x16xf32, #tpu.memory_space<hbm>>
      tpu.wait_indirect_dma semaphore(%arg7 : memref<!tpu.dma_semaphore, #tpu.memory_space<semaphore_mem>>) src(%dma_wait3A_104 : memref<10000x16xf32, #tpu.memory_space<hbm>>) dst(%dma_wait3A_98 : memref<40x16xf32, #tpu.memory_space<vmem>>)
      %mul3A_105 = arith.constant 5 : i32
      %mul3A_106 = arith.muli %scan3A_8, %mul3A_105 : i32
      %add3A_107 = arith.constant 2 : i32
      %add3A_108 = arith.addi %mul3A_106, %add3A_107 : i32
      %mul3A_109 = arith.constant 40 : i32
      %mul3A_110 = arith.muli %add3A_108, %mul3A_109 : i32
      %dma_wait3A_111 = arith.constant 0 : i32
      %dma_wait3A_112 = tpu.memref_slice %arg6[%mul3A_110, %dma_wait3A_111] : memref<5000x16xf32, #tpu.memory_space<vmem>> -> memref<40x16xf32, #tpu.memory_space<vmem>>
      %dma_wait3A_113 = arith.constant 0 : i32
      %dma_wait3A_114 = tpu.memref_slice %arg5[%add3A_108, %dma_wait3A_113] : memref<125x40xi32, #tpu.memory_space<vmem>> -> memref<1x40xi32, #tpu.memory_space<vmem>>
      %dma_wait3A_115 = tpu.memref_squeeze %dma_wait3A_114 : memref<1x40xi32, #tpu.memory_space<vmem>> -> memref<40xi32, #tpu.memory_space<vmem>>
      %dma_wait3A_116 = arith.constant 0 : i32
      %dma_wait3A_117 = arith.constant 0 : i32
      %dma_wait3A_118 = tpu.memref_slice %arg2[%dma_wait3A_116, %dma_wait3A_117] : memref<10000x16xf32, #tpu.memory_space<hbm>> -> memref<10000x16xf32, #tpu.memory_space<hbm>>
      tpu.wait_indirect_dma semaphore(%arg7 : memref<!tpu.dma_semaphore, #tpu.memory_space<semaphore_mem>>) src(%dma_wait3A_118 : memref<10000x16xf32, #tpu.memory_space<hbm>>) dst(%dma_wait3A_112 : memref<40x16xf32, #tpu.memory_space<vmem>>)
      %mul3A_119 = arith.constant 5 : i32
      %mul3A_120 = arith.muli %scan3A_8, %mul3A_119 : i32
      %add3A_121 = arith.constant 3 : i32
      %add3A_122 = arith.addi %mul3A_120, %add3A_121 : i32
      %mul3A_123 = arith.constant 40 : i32
      %mul3A_124 = arith.muli %add3A_122, %mul3A_123 : i32
      %dma_wait3A_125 = arith.constant 0 : i32
      %dma_wait3A_126 = tpu.memref_slice %arg6[%mul3A_124, %dma_wait3A_125] : memref<5000x16xf32, #tpu.memory_space<vmem>> -> memref<40x16xf32, #tpu.memory_space<vmem>>
      %dma_wait3A_127 = arith.constant 0 : i32
      %dma_wait3A_128 = tpu.memref_slice %arg5[%add3A_122, %dma_wait3A_127] : memref<125x40xi32, #tpu.memory_space<vmem>> -> memref<1x40xi32, #tpu.memory_space<vmem>>
      %dma_wait3A_129 = tpu.memref_squeeze %dma_wait3A_128 : memref<1x40xi32, #tpu.memory_space<vmem>> -> memref<40xi32, #tpu.memory_space<vmem>>
      %dma_wait3A_130 = arith.constant 0 : i32
      %dma_wait3A_131 = arith.constant 0 : i32
      %dma_wait3A_132 = tpu.memref_slice %arg2[%dma_wait3A_130, %dma_wait3A_131] : memref<10000x16xf32, #tpu.memory_space<hbm>> -> memref<10000x16xf32, #tpu.memory_space<hbm>>
      tpu.wait_indirect_dma semaphore(%arg7 : memref<!tpu.dma_semaphore, #tpu.memory_space<semaphore_mem>>) src(%dma_wait3A_132 : memref<10000x16xf32, #tpu.memory_space<hbm>>) dst(%dma_wait3A_126 : memref<40x16xf32, #tpu.memory_space<vmem>>)
      %mul3A_133 = arith.constant 5 : i32
      %mul3A_134 = arith.muli %scan3A_8, %mul3A_133 : i32
      %add3A_135 = arith.constant 4 : i32
      %add3A_136 = arith.addi %mul3A_134, %add3A_135 : i32
      %mul3A_137 = arith.constant 40 : i32
      %mul3A_138 = arith.muli %add3A_136, %mul3A_137 : i32
      %dma_wait3A_139 = arith.constant 0 : i32
      %dma_wait3A_140 = tpu.memref_slice %arg6[%mul3A_138, %dma_wait3A_139] : memref<5000x16xf32, #tpu.memory_space<vmem>> -> memref<40x16xf32, #tpu.memory_space<vmem>>
      %dma_wait3A_141 = arith.constant 0 : i32
      %dma_wait3A_142 = tpu.memref_slice %arg5[%add3A_136, %dma_wait3A_141] : memref<125x40xi32, #tpu.memory_space<vmem>> -> memref<1x40xi32, #tpu.memory_space<vmem>>
      %dma_wait3A_143 = tpu.memref_squeeze %dma_wait3A_142 : memref<1x40xi32, #tpu.memory_space<vmem>> -> memref<40xi32, #tpu.memory_space<vmem>>
      %dma_wait3A_144 = arith.constant 0 : i32
      %dma_wait3A_145 = arith.constant 0 : i32
      %dma_wait3A_146 = tpu.memref_slice %arg2[%dma_wait3A_144, %dma_wait3A_145] : memref<10000x16xf32, #tpu.memory_space<hbm>> -> memref<10000x16xf32, #tpu.memory_space<hbm>>
      tpu.wait_indirect_dma semaphore(%arg7 : memref<!tpu.dma_semaphore, #tpu.memory_space<semaphore_mem>>) src(%dma_wait3A_146 : memref<10000x16xf32, #tpu.memory_space<hbm>>) dst(%dma_wait3A_140 : memref<40x16xf32, #tpu.memory_space<vmem>>)
    }
    %scan3A_5 = arith.constant 25 : i32
    %mul3A_6 = arith.constant 5000 : i32
    %mul3A_7 = arith.muli %add3A, %mul3A_6 : i32
    "tpu.region"() ({
      %run_scoped3A = tpu.sem_alloc : memref<!tpu.dma_semaphore, #tpu.memory_space<semaphore_mem>>
      %dma_start3A = arith.constant 0 : i32
      %dma_start3A_8 = tpu.memref_slice %arg4[%mul3A_7, %dma_start3A] : memref<160000x16xf32, #tpu.memory_space<hbm>> -> memref<5000x16xf32, #tpu.memory_space<hbm>>
      %dma_start3A_9 = arith.constant 0 : i32
      %dma_start3A_10 = tpu.memref_slice %arg4[%mul3A_7, %dma_start3A_9] : memref<160000x16xf32, #tpu.memory_space<hbm>> -> memref<5000x16xf32, #tpu.memory_space<hbm>>
      tpu.enqueue_dma source(%arg6 : memref<5000x16xf32, #tpu.memory_space<vmem>>) target(%dma_start3A_10 : memref<5000x16xf32, #tpu.memory_space<hbm>>) target_semaphore(%run_scoped3A : memref<!tpu.dma_semaphore, #tpu.memory_space<semaphore_mem>>)
      %dma_wait3A = arith.constant 0 : i32
      %dma_wait3A_11 = tpu.memref_slice %arg4[%mul3A_7, %dma_wait3A] : memref<160000x16xf32, #tpu.memory_space<hbm>> -> memref<5000x16xf32, #tpu.memory_space<hbm>>
      %dma_wait3A_12 = arith.constant 0 : i32
      %dma_wait3A_13 = tpu.memref_slice %arg4[%mul3A_7, %dma_wait3A_12] : memref<160000x16xf32, #tpu.memory_space<hbm>> -> memref<5000x16xf32, #tpu.memory_space<hbm>>
      tpu.wait_dma2 semaphore(%run_scoped3A : memref<!tpu.dma_semaphore, #tpu.memory_space<semaphore_mem>>) src(%arg6 : memref<5000x16xf32, #tpu.memory_space<vmem>>) dst(%dma_wait3A_13 : memref<5000x16xf32, #tpu.memory_space<hbm>>)
      tpu.yield
    }) : () -> ()
    return
  }
}

#map = affine_map<(d0, d1) -> (0, 0)>
#map1 = affine_map<(d0, d1) -> (0, 0, 0)>
module attributes {stable_mosaic.version = 14 : i64} {
  func.func @_sc_scatter(%arg0: i32, %arg1: i32, %arg2: memref<160000x16xf32, #tpu.memory_space<hbm>>, %arg3: memref<32x125x40xi32, #tpu.memory_space<hbm>>, %arg4: memref<10000x16xf32, #tpu.memory_space<hbm>>, %arg5: memref<2x10000x16xf32, #tpu.memory_space<hbm>>, %arg6: memref<125x40xi32, #tpu.memory_space<vmem>>, %arg7: memref<5000x16xf32, #tpu.memory_space<vmem>>, %arg8: memref<10000x16xf32, #tpu.memory_space<vmem_shared>>, %arg9: memref<!tpu.dma_semaphore, #tpu.memory_space<semaphore_mem>>) attributes {dimension_semantics = [#tpu.dimension_semantics<core_parallel>, #tpu.dimension_semantics<subcore_parallel>], iteration_bounds = array<i64: 2, 16>, scalar_prefetch = 0 : i64, scratch_operands = 4 : i64, tpu.core_type = #tpu.core_type<sc_vector_subcore>, window_params = [{transform_indices = #map}, {transform_indices = #map1}, {transform_indices = #map}, {transform_indices = #map1}]} {
    %mul3A = arith.constant 2 : i32
    %mul3A_0 = arith.muli %arg1, %mul3A : i32
    %add3A = arith.addi %mul3A_0, %arg0 : i32
    %mul3A_1 = arith.constant 625 : i32
    %mul3A_2 = arith.muli %arg1, %mul3A_1 : i32
    %mul3A_3 = arith.constant 625 : i32
    %mul3A_4 = arith.muli %arg1, %mul3A_3 : i32
    "tpu.region"() ({
      %run_scoped3A = tpu.sem_alloc : memref<!tpu.dma_semaphore, #tpu.memory_space<semaphore_mem>>
      %dma_start3A = arith.constant 0 : i32
      %dma_start3A_17 = tpu.memref_slice %arg8[%mul3A_4, %dma_start3A] : memref<10000x16xf32, #tpu.memory_space<vmem_shared>> -> memref<625x16xf32, #tpu.memory_space<vmem_shared>>
      %dma_start3A_18 = arith.constant 0 : i32
      %dma_start3A_19 = tpu.memref_slice %arg4[%mul3A_2, %dma_start3A_18] : memref<10000x16xf32, #tpu.memory_space<hbm>> -> memref<625x16xf32, #tpu.memory_space<hbm>>
      tpu.enqueue_dma source(%dma_start3A_19 : memref<625x16xf32, #tpu.memory_space<hbm>>) target(%dma_start3A_17 : memref<625x16xf32, #tpu.memory_space<vmem_shared>>) target_semaphore(%run_scoped3A : memref<!tpu.dma_semaphore, #tpu.memory_space<semaphore_mem>>)
      %dma_wait3A = arith.constant 0 : i32
      %dma_wait3A_20 = tpu.memref_slice %arg8[%mul3A_4, %dma_wait3A] : memref<10000x16xf32, #tpu.memory_space<vmem_shared>> -> memref<625x16xf32, #tpu.memory_space<vmem_shared>>
      %dma_wait3A_21 = arith.constant 0 : i32
      %dma_wait3A_22 = tpu.memref_slice %arg4[%mul3A_2, %dma_wait3A_21] : memref<10000x16xf32, #tpu.memory_space<hbm>> -> memref<625x16xf32, #tpu.memory_space<hbm>>
      tpu.wait_dma2 semaphore(%run_scoped3A : memref<!tpu.dma_semaphore, #tpu.memory_space<semaphore_mem>>) src(%dma_wait3A_22 : memref<625x16xf32, #tpu.memory_space<hbm>>) dst(%dma_wait3A_20 : memref<625x16xf32, #tpu.memory_space<vmem_shared>>)
      tpu.yield
    }) : () -> ()
    "tpu.region"() ({
      %run_scoped3A = tpu.sem_alloc : memref<!tpu.dma_semaphore, #tpu.memory_space<semaphore_mem>>
      %dma_start3A = arith.constant 0 : i32
      %dma_start3A_17 = arith.constant 0 : i32
      %dma_start3A_18 = tpu.memref_slice %arg3[%add3A, %dma_start3A, %dma_start3A_17] : memref<32x125x40xi32, #tpu.memory_space<hbm>> -> memref<1x125x40xi32, #tpu.memory_space<hbm>>
      %dma_start3A_19 = tpu.memref_squeeze %dma_start3A_18 : memref<1x125x40xi32, #tpu.memory_space<hbm>> -> memref<125x40xi32, #tpu.memory_space<hbm>>
      %dma_start3A_20 = arith.constant 0 : i32
      %dma_start3A_21 = arith.constant 0 : i32
      %dma_start3A_22 = tpu.memref_slice %arg3[%add3A, %dma_start3A_20, %dma_start3A_21] : memref<32x125x40xi32, #tpu.memory_space<hbm>> -> memref<1x125x40xi32, #tpu.memory_space<hbm>>
      %dma_start3A_23 = tpu.memref_squeeze %dma_start3A_22 : memref<1x125x40xi32, #tpu.memory_space<hbm>> -> memref<125x40xi32, #tpu.memory_space<hbm>>
      tpu.enqueue_dma source(%dma_start3A_23 : memref<125x40xi32, #tpu.memory_space<hbm>>) target(%arg6 : memref<125x40xi32, #tpu.memory_space<vmem>>) target_semaphore(%run_scoped3A : memref<!tpu.dma_semaphore, #tpu.memory_space<semaphore_mem>>)
      %dma_wait3A = arith.constant 0 : i32
      %dma_wait3A_24 = arith.constant 0 : i32
      %dma_wait3A_25 = tpu.memref_slice %arg3[%add3A, %dma_wait3A, %dma_wait3A_24] : memref<32x125x40xi32, #tpu.memory_space<hbm>> -> memref<1x125x40xi32, #tpu.memory_space<hbm>>
      %dma_wait3A_26 = tpu.memref_squeeze %dma_wait3A_25 : memref<1x125x40xi32, #tpu.memory_space<hbm>> -> memref<125x40xi32, #tpu.memory_space<hbm>>
      %dma_wait3A_27 = arith.constant 0 : i32
      %dma_wait3A_28 = arith.constant 0 : i32
      %dma_wait3A_29 = tpu.memref_slice %arg3[%add3A, %dma_wait3A_27, %dma_wait3A_28] : memref<32x125x40xi32, #tpu.memory_space<hbm>> -> memref<1x125x40xi32, #tpu.memory_space<hbm>>
      %dma_wait3A_30 = tpu.memref_squeeze %dma_wait3A_29 : memref<1x125x40xi32, #tpu.memory_space<hbm>> -> memref<125x40xi32, #tpu.memory_space<hbm>>
      tpu.wait_dma2 semaphore(%run_scoped3A : memref<!tpu.dma_semaphore, #tpu.memory_space<semaphore_mem>>) src(%dma_wait3A_30 : memref<125x40xi32, #tpu.memory_space<hbm>>) dst(%arg6 : memref<125x40xi32, #tpu.memory_space<vmem>>)
      tpu.yield
    }) : () -> ()
    %mul3A_5 = arith.constant 5000 : i32
    %mul3A_6 = arith.muli %add3A, %mul3A_5 : i32
    "tpu.region"() ({
      %run_scoped3A = tpu.sem_alloc : memref<!tpu.dma_semaphore, #tpu.memory_space<semaphore_mem>>
      %dma_start3A = arith.constant 0 : i32
      %dma_start3A_17 = tpu.memref_slice %arg2[%mul3A_6, %dma_start3A] : memref<160000x16xf32, #tpu.memory_space<hbm>> -> memref<5000x16xf32, #tpu.memory_space<hbm>>
      %dma_start3A_18 = arith.constant 0 : i32
      %dma_start3A_19 = tpu.memref_slice %arg2[%mul3A_6, %dma_start3A_18] : memref<160000x16xf32, #tpu.memory_space<hbm>> -> memref<5000x16xf32, #tpu.memory_space<hbm>>
      tpu.enqueue_dma source(%dma_start3A_19 : memref<5000x16xf32, #tpu.memory_space<hbm>>) target(%arg7 : memref<5000x16xf32, #tpu.memory_space<vmem>>) target_semaphore(%run_scoped3A : memref<!tpu.dma_semaphore, #tpu.memory_space<semaphore_mem>>)
      %dma_wait3A = arith.constant 0 : i32
      %dma_wait3A_20 = tpu.memref_slice %arg2[%mul3A_6, %dma_wait3A] : memref<160000x16xf32, #tpu.memory_space<hbm>> -> memref<5000x16xf32, #tpu.memory_space<hbm>>
      %dma_wait3A_21 = arith.constant 0 : i32
      %dma_wait3A_22 = tpu.memref_slice %arg2[%mul3A_6, %dma_wait3A_21] : memref<160000x16xf32, #tpu.memory_space<hbm>> -> memref<5000x16xf32, #tpu.memory_space<hbm>>
      tpu.wait_dma2 semaphore(%run_scoped3A : memref<!tpu.dma_semaphore, #tpu.memory_space<semaphore_mem>>) src(%dma_wait3A_22 : memref<5000x16xf32, #tpu.memory_space<hbm>>) dst(%arg7 : memref<5000x16xf32, #tpu.memory_space<vmem>>)
      tpu.yield
    }) : () -> ()
    %barrier3A = arith.constant 0 : index
    tpu.barrier barrier_id(%barrier3A)
    %scan3A = arith.constant 0 : i32
    %scan3A_7 = arith.constant 0 : i32
    %scan3A_8 = arith.constant 25 : i32
    %scan3A_9 = arith.addi %scan3A_7, %scan3A_8 : i32
    %scan3A_10 = arith.constant 1 : i32
    scf.for %scan3A_17 = %scan3A_7 to %scan3A_9 step %scan3A_10  : i32 {
      %mul3A_18 = arith.constant 5 : i32
      %mul3A_19 = arith.muli %scan3A_17, %mul3A_18 : i32
      %add3A_20 = arith.constant 0 : i32
      %add3A_21 = arith.addi %mul3A_19, %add3A_20 : i32
      %mul3A_22 = arith.constant 40 : i32
      %mul3A_23 = arith.muli %add3A_21, %mul3A_22 : i32
      %dma_start3A = arith.constant 0 : i32
      %dma_start3A_24 = tpu.memref_slice %arg7[%mul3A_23, %dma_start3A] : memref<5000x16xf32, #tpu.memory_space<vmem>> -> memref<40x16xf32, #tpu.memory_space<vmem>>
      %dma_start3A_25 = arith.constant 0 : i32
      %dma_start3A_26 = tpu.memref_slice %arg6[%add3A_21, %dma_start3A_25] : memref<125x40xi32, #tpu.memory_space<vmem>> -> memref<1x40xi32, #tpu.memory_space<vmem>>
      %dma_start3A_27 = tpu.memref_squeeze %dma_start3A_26 : memref<1x40xi32, #tpu.memory_space<vmem>> -> memref<40xi32, #tpu.memory_space<vmem>>
      %dma_start3A_28 = arith.constant 0 : i32
      %dma_start3A_29 = arith.constant 0 : i32
      %dma_start3A_30 = tpu.memref_slice %arg8[%dma_start3A_28, %dma_start3A_29] : memref<10000x16xf32, #tpu.memory_space<vmem_shared>> -> memref<10000x16xf32, #tpu.memory_space<vmem_shared>>
      tpu.enqueue_indirect_dma source(%dma_start3A_24 : memref<40x16xf32, #tpu.memory_space<vmem>>) target(%dma_start3A_30 : memref<10000x16xf32, #tpu.memory_space<vmem_shared>>) offsets(%dma_start3A_27 : memref<40xi32, #tpu.memory_space<vmem>>) semaphore(%arg9 : memref<!tpu.dma_semaphore, #tpu.memory_space<semaphore_mem>>) {add = true}
      %mul3A_31 = arith.constant 5 : i32
      %mul3A_32 = arith.muli %scan3A_17, %mul3A_31 : i32
      %add3A_33 = arith.constant 1 : i32
      %add3A_34 = arith.addi %mul3A_32, %add3A_33 : i32
      %mul3A_35 = arith.constant 40 : i32
      %mul3A_36 = arith.muli %add3A_34, %mul3A_35 : i32
      %dma_start3A_37 = arith.constant 0 : i32
      %dma_start3A_38 = tpu.memref_slice %arg7[%mul3A_36, %dma_start3A_37] : memref<5000x16xf32, #tpu.memory_space<vmem>> -> memref<40x16xf32, #tpu.memory_space<vmem>>
      %dma_start3A_39 = arith.constant 0 : i32
      %dma_start3A_40 = tpu.memref_slice %arg6[%add3A_34, %dma_start3A_39] : memref<125x40xi32, #tpu.memory_space<vmem>> -> memref<1x40xi32, #tpu.memory_space<vmem>>
      %dma_start3A_41 = tpu.memref_squeeze %dma_start3A_40 : memref<1x40xi32, #tpu.memory_space<vmem>> -> memref<40xi32, #tpu.memory_space<vmem>>
      %dma_start3A_42 = arith.constant 0 : i32
      %dma_start3A_43 = arith.constant 0 : i32
      %dma_start3A_44 = tpu.memref_slice %arg8[%dma_start3A_42, %dma_start3A_43] : memref<10000x16xf32, #tpu.memory_space<vmem_shared>> -> memref<10000x16xf32, #tpu.memory_space<vmem_shared>>
      tpu.enqueue_indirect_dma source(%dma_start3A_38 : memref<40x16xf32, #tpu.memory_space<vmem>>) target(%dma_start3A_44 : memref<10000x16xf32, #tpu.memory_space<vmem_shared>>) offsets(%dma_start3A_41 : memref<40xi32, #tpu.memory_space<vmem>>) semaphore(%arg9 : memref<!tpu.dma_semaphore, #tpu.memory_space<semaphore_mem>>) {add = true}
      %mul3A_45 = arith.constant 5 : i32
      %mul3A_46 = arith.muli %scan3A_17, %mul3A_45 : i32
      %add3A_47 = arith.constant 2 : i32
      %add3A_48 = arith.addi %mul3A_46, %add3A_47 : i32
      %mul3A_49 = arith.constant 40 : i32
      %mul3A_50 = arith.muli %add3A_48, %mul3A_49 : i32
      %dma_start3A_51 = arith.constant 0 : i32
      %dma_start3A_52 = tpu.memref_slice %arg7[%mul3A_50, %dma_start3A_51] : memref<5000x16xf32, #tpu.memory_space<vmem>> -> memref<40x16xf32, #tpu.memory_space<vmem>>
      %dma_start3A_53 = arith.constant 0 : i32
      %dma_start3A_54 = tpu.memref_slice %arg6[%add3A_48, %dma_start3A_53] : memref<125x40xi32, #tpu.memory_space<vmem>> -> memref<1x40xi32, #tpu.memory_space<vmem>>
      %dma_start3A_55 = tpu.memref_squeeze %dma_start3A_54 : memref<1x40xi32, #tpu.memory_space<vmem>> -> memref<40xi32, #tpu.memory_space<vmem>>
      %dma_start3A_56 = arith.constant 0 : i32
      %dma_start3A_57 = arith.constant 0 : i32
      %dma_start3A_58 = tpu.memref_slice %arg8[%dma_start3A_56, %dma_start3A_57] : memref<10000x16xf32, #tpu.memory_space<vmem_shared>> -> memref<10000x16xf32, #tpu.memory_space<vmem_shared>>
      tpu.enqueue_indirect_dma source(%dma_start3A_52 : memref<40x16xf32, #tpu.memory_space<vmem>>) target(%dma_start3A_58 : memref<10000x16xf32, #tpu.memory_space<vmem_shared>>) offsets(%dma_start3A_55 : memref<40xi32, #tpu.memory_space<vmem>>) semaphore(%arg9 : memref<!tpu.dma_semaphore, #tpu.memory_space<semaphore_mem>>) {add = true}
      %mul3A_59 = arith.constant 5 : i32
      %mul3A_60 = arith.muli %scan3A_17, %mul3A_59 : i32
      %add3A_61 = arith.constant 3 : i32
      %add3A_62 = arith.addi %mul3A_60, %add3A_61 : i32
      %mul3A_63 = arith.constant 40 : i32
      %mul3A_64 = arith.muli %add3A_62, %mul3A_63 : i32
      %dma_start3A_65 = arith.constant 0 : i32
      %dma_start3A_66 = tpu.memref_slice %arg7[%mul3A_64, %dma_start3A_65] : memref<5000x16xf32, #tpu.memory_space<vmem>> -> memref<40x16xf32, #tpu.memory_space<vmem>>
      %dma_start3A_67 = arith.constant 0 : i32
      %dma_start3A_68 = tpu.memref_slice %arg6[%add3A_62, %dma_start3A_67] : memref<125x40xi32, #tpu.memory_space<vmem>> -> memref<1x40xi32, #tpu.memory_space<vmem>>
      %dma_start3A_69 = tpu.memref_squeeze %dma_start3A_68 : memref<1x40xi32, #tpu.memory_space<vmem>> -> memref<40xi32, #tpu.memory_space<vmem>>
      %dma_start3A_70 = arith.constant 0 : i32
      %dma_start3A_71 = arith.constant 0 : i32
      %dma_start3A_72 = tpu.memref_slice %arg8[%dma_start3A_70, %dma_start3A_71] : memref<10000x16xf32, #tpu.memory_space<vmem_shared>> -> memref<10000x16xf32, #tpu.memory_space<vmem_shared>>
      tpu.enqueue_indirect_dma source(%dma_start3A_66 : memref<40x16xf32, #tpu.memory_space<vmem>>) target(%dma_start3A_72 : memref<10000x16xf32, #tpu.memory_space<vmem_shared>>) offsets(%dma_start3A_69 : memref<40xi32, #tpu.memory_space<vmem>>) semaphore(%arg9 : memref<!tpu.dma_semaphore, #tpu.memory_space<semaphore_mem>>) {add = true}
      %mul3A_73 = arith.constant 5 : i32
      %mul3A_74 = arith.muli %scan3A_17, %mul3A_73 : i32
      %add3A_75 = arith.constant 4 : i32
      %add3A_76 = arith.addi %mul3A_74, %add3A_75 : i32
      %mul3A_77 = arith.constant 40 : i32
      %mul3A_78 = arith.muli %add3A_76, %mul3A_77 : i32
      %dma_start3A_79 = arith.constant 0 : i32
      %dma_start3A_80 = tpu.memref_slice %arg7[%mul3A_78, %dma_start3A_79] : memref<5000x16xf32, #tpu.memory_space<vmem>> -> memref<40x16xf32, #tpu.memory_space<vmem>>
      %dma_start3A_81 = arith.constant 0 : i32
      %dma_start3A_82 = tpu.memref_slice %arg6[%add3A_76, %dma_start3A_81] : memref<125x40xi32, #tpu.memory_space<vmem>> -> memref<1x40xi32, #tpu.memory_space<vmem>>
      %dma_start3A_83 = tpu.memref_squeeze %dma_start3A_82 : memref<1x40xi32, #tpu.memory_space<vmem>> -> memref<40xi32, #tpu.memory_space<vmem>>
      %dma_start3A_84 = arith.constant 0 : i32
      %dma_start3A_85 = arith.constant 0 : i32
      %dma_start3A_86 = tpu.memref_slice %arg8[%dma_start3A_84, %dma_start3A_85] : memref<10000x16xf32, #tpu.memory_space<vmem_shared>> -> memref<10000x16xf32, #tpu.memory_space<vmem_shared>>
      tpu.enqueue_indirect_dma source(%dma_start3A_80 : memref<40x16xf32, #tpu.memory_space<vmem>>) target(%dma_start3A_86 : memref<10000x16xf32, #tpu.memory_space<vmem_shared>>) offsets(%dma_start3A_83 : memref<40xi32, #tpu.memory_space<vmem>>) semaphore(%arg9 : memref<!tpu.dma_semaphore, #tpu.memory_space<semaphore_mem>>) {add = true}
      %mul3A_87 = arith.constant 5 : i32
      %mul3A_88 = arith.muli %scan3A_17, %mul3A_87 : i32
      %add3A_89 = arith.constant 0 : i32
      %add3A_90 = arith.addi %mul3A_88, %add3A_89 : i32
      %mul3A_91 = arith.constant 40 : i32
      %mul3A_92 = arith.muli %add3A_90, %mul3A_91 : i32
      %dma_wait3A = arith.constant 0 : i32
      %dma_wait3A_93 = tpu.memref_slice %arg7[%mul3A_92, %dma_wait3A] : memref<5000x16xf32, #tpu.memory_space<vmem>> -> memref<40x16xf32, #tpu.memory_space<vmem>>
      %dma_wait3A_94 = arith.constant 0 : i32
      %dma_wait3A_95 = tpu.memref_slice %arg6[%add3A_90, %dma_wait3A_94] : memref<125x40xi32, #tpu.memory_space<vmem>> -> memref<1x40xi32, #tpu.memory_space<vmem>>
      %dma_wait3A_96 = tpu.memref_squeeze %dma_wait3A_95 : memref<1x40xi32, #tpu.memory_space<vmem>> -> memref<40xi32, #tpu.memory_space<vmem>>
      %dma_wait3A_97 = arith.constant 0 : i32
      %dma_wait3A_98 = arith.constant 0 : i32
      %dma_wait3A_99 = tpu.memref_slice %arg8[%dma_wait3A_97, %dma_wait3A_98] : memref<10000x16xf32, #tpu.memory_space<vmem_shared>> -> memref<10000x16xf32, #tpu.memory_space<vmem_shared>>
      tpu.wait_indirect_dma semaphore(%arg9 : memref<!tpu.dma_semaphore, #tpu.memory_space<semaphore_mem>>) src(%dma_wait3A_93 : memref<40x16xf32, #tpu.memory_space<vmem>>) dst(%dma_wait3A_99 : memref<10000x16xf32, #tpu.memory_space<vmem_shared>>)
      %mul3A_100 = arith.constant 5 : i32
      %mul3A_101 = arith.muli %scan3A_17, %mul3A_100 : i32
      %add3A_102 = arith.constant 1 : i32
      %add3A_103 = arith.addi %mul3A_101, %add3A_102 : i32
      %mul3A_104 = arith.constant 40 : i32
      %mul3A_105 = arith.muli %add3A_103, %mul3A_104 : i32
      %dma_wait3A_106 = arith.constant 0 : i32
      %dma_wait3A_107 = tpu.memref_slice %arg7[%mul3A_105, %dma_wait3A_106] : memref<5000x16xf32, #tpu.memory_space<vmem>> -> memref<40x16xf32, #tpu.memory_space<vmem>>
      %dma_wait3A_108 = arith.constant 0 : i32
      %dma_wait3A_109 = tpu.memref_slice %arg6[%add3A_103, %dma_wait3A_108] : memref<125x40xi32, #tpu.memory_space<vmem>> -> memref<1x40xi32, #tpu.memory_space<vmem>>
      %dma_wait3A_110 = tpu.memref_squeeze %dma_wait3A_109 : memref<1x40xi32, #tpu.memory_space<vmem>> -> memref<40xi32, #tpu.memory_space<vmem>>
      %dma_wait3A_111 = arith.constant 0 : i32
      %dma_wait3A_112 = arith.constant 0 : i32
      %dma_wait3A_113 = tpu.memref_slice %arg8[%dma_wait3A_111, %dma_wait3A_112] : memref<10000x16xf32, #tpu.memory_space<vmem_shared>> -> memref<10000x16xf32, #tpu.memory_space<vmem_shared>>
      tpu.wait_indirect_dma semaphore(%arg9 : memref<!tpu.dma_semaphore, #tpu.memory_space<semaphore_mem>>) src(%dma_wait3A_107 : memref<40x16xf32, #tpu.memory_space<vmem>>) dst(%dma_wait3A_113 : memref<10000x16xf32, #tpu.memory_space<vmem_shared>>)
      %mul3A_114 = arith.constant 5 : i32
      %mul3A_115 = arith.muli %scan3A_17, %mul3A_114 : i32
      %add3A_116 = arith.constant 2 : i32
      %add3A_117 = arith.addi %mul3A_115, %add3A_116 : i32
      %mul3A_118 = arith.constant 40 : i32
      %mul3A_119 = arith.muli %add3A_117, %mul3A_118 : i32
      %dma_wait3A_120 = arith.constant 0 : i32
      %dma_wait3A_121 = tpu.memref_slice %arg7[%mul3A_119, %dma_wait3A_120] : memref<5000x16xf32, #tpu.memory_space<vmem>> -> memref<40x16xf32, #tpu.memory_space<vmem>>
      %dma_wait3A_122 = arith.constant 0 : i32
      %dma_wait3A_123 = tpu.memref_slice %arg6[%add3A_117, %dma_wait3A_122] : memref<125x40xi32, #tpu.memory_space<vmem>> -> memref<1x40xi32, #tpu.memory_space<vmem>>
      %dma_wait3A_124 = tpu.memref_squeeze %dma_wait3A_123 : memref<1x40xi32, #tpu.memory_space<vmem>> -> memref<40xi32, #tpu.memory_space<vmem>>
      %dma_wait3A_125 = arith.constant 0 : i32
      %dma_wait3A_126 = arith.constant 0 : i32
      %dma_wait3A_127 = tpu.memref_slice %arg8[%dma_wait3A_125, %dma_wait3A_126] : memref<10000x16xf32, #tpu.memory_space<vmem_shared>> -> memref<10000x16xf32, #tpu.memory_space<vmem_shared>>
      tpu.wait_indirect_dma semaphore(%arg9 : memref<!tpu.dma_semaphore, #tpu.memory_space<semaphore_mem>>) src(%dma_wait3A_121 : memref<40x16xf32, #tpu.memory_space<vmem>>) dst(%dma_wait3A_127 : memref<10000x16xf32, #tpu.memory_space<vmem_shared>>)
      %mul3A_128 = arith.constant 5 : i32
      %mul3A_129 = arith.muli %scan3A_17, %mul3A_128 : i32
      %add3A_130 = arith.constant 3 : i32
      %add3A_131 = arith.addi %mul3A_129, %add3A_130 : i32
      %mul3A_132 = arith.constant 40 : i32
      %mul3A_133 = arith.muli %add3A_131, %mul3A_132 : i32
      %dma_wait3A_134 = arith.constant 0 : i32
      %dma_wait3A_135 = tpu.memref_slice %arg7[%mul3A_133, %dma_wait3A_134] : memref<5000x16xf32, #tpu.memory_space<vmem>> -> memref<40x16xf32, #tpu.memory_space<vmem>>
      %dma_wait3A_136 = arith.constant 0 : i32
      %dma_wait3A_137 = tpu.memref_slice %arg6[%add3A_131, %dma_wait3A_136] : memref<125x40xi32, #tpu.memory_space<vmem>> -> memref<1x40xi32, #tpu.memory_space<vmem>>
      %dma_wait3A_138 = tpu.memref_squeeze %dma_wait3A_137 : memref<1x40xi32, #tpu.memory_space<vmem>> -> memref<40xi32, #tpu.memory_space<vmem>>
      %dma_wait3A_139 = arith.constant 0 : i32
      %dma_wait3A_140 = arith.constant 0 : i32
      %dma_wait3A_141 = tpu.memref_slice %arg8[%dma_wait3A_139, %dma_wait3A_140] : memref<10000x16xf32, #tpu.memory_space<vmem_shared>> -> memref<10000x16xf32, #tpu.memory_space<vmem_shared>>
      tpu.wait_indirect_dma semaphore(%arg9 : memref<!tpu.dma_semaphore, #tpu.memory_space<semaphore_mem>>) src(%dma_wait3A_135 : memref<40x16xf32, #tpu.memory_space<vmem>>) dst(%dma_wait3A_141 : memref<10000x16xf32, #tpu.memory_space<vmem_shared>>)
      %mul3A_142 = arith.constant 5 : i32
      %mul3A_143 = arith.muli %scan3A_17, %mul3A_142 : i32
      %add3A_144 = arith.constant 4 : i32
      %add3A_145 = arith.addi %mul3A_143, %add3A_144 : i32
      %mul3A_146 = arith.constant 40 : i32
      %mul3A_147 = arith.muli %add3A_145, %mul3A_146 : i32
      %dma_wait3A_148 = arith.constant 0 : i32
      %dma_wait3A_149 = tpu.memref_slice %arg7[%mul3A_147, %dma_wait3A_148] : memref<5000x16xf32, #tpu.memory_space<vmem>> -> memref<40x16xf32, #tpu.memory_space<vmem>>
      %dma_wait3A_150 = arith.constant 0 : i32
      %dma_wait3A_151 = tpu.memref_slice %arg6[%add3A_145, %dma_wait3A_150] : memref<125x40xi32, #tpu.memory_space<vmem>> -> memref<1x40xi32, #tpu.memory_space<vmem>>
      %dma_wait3A_152 = tpu.memref_squeeze %dma_wait3A_151 : memref<1x40xi32, #tpu.memory_space<vmem>> -> memref<40xi32, #tpu.memory_space<vmem>>
      %dma_wait3A_153 = arith.constant 0 : i32
      %dma_wait3A_154 = arith.constant 0 : i32
      %dma_wait3A_155 = tpu.memref_slice %arg8[%dma_wait3A_153, %dma_wait3A_154] : memref<10000x16xf32, #tpu.memory_space<vmem_shared>> -> memref<10000x16xf32, #tpu.memory_space<vmem_shared>>
      tpu.wait_indirect_dma semaphore(%arg9 : memref<!tpu.dma_semaphore, #tpu.memory_space<semaphore_mem>>) src(%dma_wait3A_149 : memref<40x16xf32, #tpu.memory_space<vmem>>) dst(%dma_wait3A_155 : memref<10000x16xf32, #tpu.memory_space<vmem_shared>>)
    }
    %scan3A_11 = arith.constant 25 : i32
    %barrier3A_12 = arith.constant 0 : index
    tpu.barrier barrier_id(%barrier3A_12)
    %mul3A_13 = arith.constant 625 : i32
    %mul3A_14 = arith.muli %arg1, %mul3A_13 : i32
    %mul3A_15 = arith.constant 625 : i32
    %mul3A_16 = arith.muli %arg1, %mul3A_15 : i32
    "tpu.region"() ({
      %run_scoped3A = tpu.sem_alloc : memref<!tpu.dma_semaphore, #tpu.memory_space<semaphore_mem>>
      %dma_start3A = arith.constant 0 : i32
      %dma_start3A_17 = tpu.memref_slice %arg5[%arg0, %mul3A_16, %dma_start3A] : memref<2x10000x16xf32, #tpu.memory_space<hbm>> -> memref<1x625x16xf32, #tpu.memory_space<hbm>>
      %dma_start3A_18 = tpu.memref_squeeze %dma_start3A_17 : memref<1x625x16xf32, #tpu.memory_space<hbm>> -> memref<625x16xf32, #tpu.memory_space<hbm>>
      %dma_start3A_19 = arith.constant 0 : i32
      %dma_start3A_20 = tpu.memref_slice %arg8[%mul3A_14, %dma_start3A_19] : memref<10000x16xf32, #tpu.memory_space<vmem_shared>> -> memref<625x16xf32, #tpu.memory_space<vmem_shared>>
      tpu.enqueue_dma source(%dma_start3A_20 : memref<625x16xf32, #tpu.memory_space<vmem_shared>>) target(%dma_start3A_18 : memref<625x16xf32, #tpu.memory_space<hbm>>) target_semaphore(%run_scoped3A : memref<!tpu.dma_semaphore, #tpu.memory_space<semaphore_mem>>)
      %dma_wait3A = arith.constant 0 : i32
      %dma_wait3A_21 = tpu.memref_slice %arg5[%arg0, %mul3A_16, %dma_wait3A] : memref<2x10000x16xf32, #tpu.memory_space<hbm>> -> memref<1x625x16xf32, #tpu.memory_space<hbm>>
      %dma_wait3A_22 = tpu.memref_squeeze %dma_wait3A_21 : memref<1x625x16xf32, #tpu.memory_space<hbm>> -> memref<625x16xf32, #tpu.memory_space<hbm>>
      %dma_wait3A_23 = arith.constant 0 : i32
      %dma_wait3A_24 = tpu.memref_slice %arg8[%mul3A_14, %dma_wait3A_23] : memref<10000x16xf32, #tpu.memory_space<vmem_shared>> -> memref<625x16xf32, #tpu.memory_space<vmem_shared>>
      tpu.wait_dma2 semaphore(%run_scoped3A : memref<!tpu.dma_semaphore, #tpu.memory_space<semaphore_mem>>) src(%dma_wait3A_24 : memref<625x16xf32, #tpu.memory_space<vmem_shared>>) dst(%dma_wait3A_22 : memref<625x16xf32, #tpu.memory_space<hbm>>)
      tpu.yield
    }) : () -> ()
    return
  }
}

#map = affine_map<(d0, d1) -> (0, 0)>
#map1 = affine_map<(d0, d1) -> (0, 0, 0)>
module attributes {stable_mosaic.version = 14 : i64} {
  func.func @_sc_scatter_deg(%arg0: i32, %arg1: i32, %arg2: memref<160000x16xf32, #tpu.memory_space<hbm>>, %arg3: memref<32x125x40xi32, #tpu.memory_space<hbm>>, %arg4: memref<40x16xf32, #tpu.memory_space<hbm>>, %arg5: memref<10000x16xf32, #tpu.memory_space<hbm>>, %arg6: memref<2x10000x16xf32, #tpu.memory_space<hbm>>, %arg7: memref<2x10000x16xf32, #tpu.memory_space<hbm>>, %arg8: memref<125x40xi32, #tpu.memory_space<vmem>>, %arg9: memref<5000x16xf32, #tpu.memory_space<vmem>>, %arg10: memref<40x16xf32, #tpu.memory_space<vmem>>, %arg11: memref<10000x16xf32, #tpu.memory_space<vmem_shared>>, %arg12: memref<10000x16xf32, #tpu.memory_space<vmem_shared>>, %arg13: memref<!tpu.dma_semaphore, #tpu.memory_space<semaphore_mem>>) attributes {dimension_semantics = [#tpu.dimension_semantics<core_parallel>, #tpu.dimension_semantics<subcore_parallel>], iteration_bounds = array<i64: 2, 16>, scalar_prefetch = 0 : i64, scratch_operands = 6 : i64, tpu.core_type = #tpu.core_type<sc_vector_subcore>, window_params = [{transform_indices = #map}, {transform_indices = #map1}, {transform_indices = #map}, {transform_indices = #map}, {transform_indices = #map1}, {transform_indices = #map1}]} {
    %mul3A = arith.constant 2 : i32
    %mul3A_0 = arith.muli %arg1, %mul3A : i32
    %add3A = arith.addi %mul3A_0, %arg0 : i32
    %mul3A_1 = arith.constant 625 : i32
    %mul3A_2 = arith.muli %arg1, %mul3A_1 : i32
    %mul3A_3 = arith.constant 625 : i32
    %mul3A_4 = arith.muli %arg1, %mul3A_3 : i32
    "tpu.region"() ({
      %run_scoped3A = tpu.sem_alloc : memref<!tpu.dma_semaphore, #tpu.memory_space<semaphore_mem>>
      %dma_start3A = arith.constant 0 : i32
      %dma_start3A_25 = tpu.memref_slice %arg11[%mul3A_4, %dma_start3A] : memref<10000x16xf32, #tpu.memory_space<vmem_shared>> -> memref<625x16xf32, #tpu.memory_space<vmem_shared>>
      %dma_start3A_26 = arith.constant 0 : i32
      %dma_start3A_27 = tpu.memref_slice %arg5[%mul3A_2, %dma_start3A_26] : memref<10000x16xf32, #tpu.memory_space<hbm>> -> memref<625x16xf32, #tpu.memory_space<hbm>>
      tpu.enqueue_dma source(%dma_start3A_27 : memref<625x16xf32, #tpu.memory_space<hbm>>) target(%dma_start3A_25 : memref<625x16xf32, #tpu.memory_space<vmem_shared>>) target_semaphore(%run_scoped3A : memref<!tpu.dma_semaphore, #tpu.memory_space<semaphore_mem>>)
      %dma_wait3A = arith.constant 0 : i32
      %dma_wait3A_28 = tpu.memref_slice %arg11[%mul3A_4, %dma_wait3A] : memref<10000x16xf32, #tpu.memory_space<vmem_shared>> -> memref<625x16xf32, #tpu.memory_space<vmem_shared>>
      %dma_wait3A_29 = arith.constant 0 : i32
      %dma_wait3A_30 = tpu.memref_slice %arg5[%mul3A_2, %dma_wait3A_29] : memref<10000x16xf32, #tpu.memory_space<hbm>> -> memref<625x16xf32, #tpu.memory_space<hbm>>
      tpu.wait_dma2 semaphore(%run_scoped3A : memref<!tpu.dma_semaphore, #tpu.memory_space<semaphore_mem>>) src(%dma_wait3A_30 : memref<625x16xf32, #tpu.memory_space<hbm>>) dst(%dma_wait3A_28 : memref<625x16xf32, #tpu.memory_space<vmem_shared>>)
      tpu.yield
    }) : () -> ()
    %mul3A_5 = arith.constant 625 : i32
    %mul3A_6 = arith.muli %arg1, %mul3A_5 : i32
    %mul3A_7 = arith.constant 625 : i32
    %mul3A_8 = arith.muli %arg1, %mul3A_7 : i32
    "tpu.region"() ({
      %run_scoped3A = tpu.sem_alloc : memref<!tpu.dma_semaphore, #tpu.memory_space<semaphore_mem>>
      %dma_start3A = arith.constant 0 : i32
      %dma_start3A_25 = tpu.memref_slice %arg12[%mul3A_8, %dma_start3A] : memref<10000x16xf32, #tpu.memory_space<vmem_shared>> -> memref<625x16xf32, #tpu.memory_space<vmem_shared>>
      %dma_start3A_26 = arith.constant 0 : i32
      %dma_start3A_27 = tpu.memref_slice %arg5[%mul3A_6, %dma_start3A_26] : memref<10000x16xf32, #tpu.memory_space<hbm>> -> memref<625x16xf32, #tpu.memory_space<hbm>>
      tpu.enqueue_dma source(%dma_start3A_27 : memref<625x16xf32, #tpu.memory_space<hbm>>) target(%dma_start3A_25 : memref<625x16xf32, #tpu.memory_space<vmem_shared>>) target_semaphore(%run_scoped3A : memref<!tpu.dma_semaphore, #tpu.memory_space<semaphore_mem>>)
      %dma_wait3A = arith.constant 0 : i32
      %dma_wait3A_28 = tpu.memref_slice %arg12[%mul3A_8, %dma_wait3A] : memref<10000x16xf32, #tpu.memory_space<vmem_shared>> -> memref<625x16xf32, #tpu.memory_space<vmem_shared>>
      %dma_wait3A_29 = arith.constant 0 : i32
      %dma_wait3A_30 = tpu.memref_slice %arg5[%mul3A_6, %dma_wait3A_29] : memref<10000x16xf32, #tpu.memory_space<hbm>> -> memref<625x16xf32, #tpu.memory_space<hbm>>
      tpu.wait_dma2 semaphore(%run_scoped3A : memref<!tpu.dma_semaphore, #tpu.memory_space<semaphore_mem>>) src(%dma_wait3A_30 : memref<625x16xf32, #tpu.memory_space<hbm>>) dst(%dma_wait3A_28 : memref<625x16xf32, #tpu.memory_space<vmem_shared>>)
      tpu.yield
    }) : () -> ()
    "tpu.region"() ({
      %run_scoped3A = tpu.sem_alloc : memref<!tpu.dma_semaphore, #tpu.memory_space<semaphore_mem>>
      %dma_start3A = arith.constant 0 : i32
      %dma_start3A_25 = arith.constant 0 : i32
      %dma_start3A_26 = tpu.memref_slice %arg3[%add3A, %dma_start3A, %dma_start3A_25] : memref<32x125x40xi32, #tpu.memory_space<hbm>> -> memref<1x125x40xi32, #tpu.memory_space<hbm>>
      %dma_start3A_27 = tpu.memref_squeeze %dma_start3A_26 : memref<1x125x40xi32, #tpu.memory_space<hbm>> -> memref<125x40xi32, #tpu.memory_space<hbm>>
      %dma_start3A_28 = arith.constant 0 : i32
      %dma_start3A_29 = arith.constant 0 : i32
      %dma_start3A_30 = tpu.memref_slice %arg3[%add3A, %dma_start3A_28, %dma_start3A_29] : memref<32x125x40xi32, #tpu.memory_space<hbm>> -> memref<1x125x40xi32, #tpu.memory_space<hbm>>
      %dma_start3A_31 = tpu.memref_squeeze %dma_start3A_30 : memref<1x125x40xi32, #tpu.memory_space<hbm>> -> memref<125x40xi32, #tpu.memory_space<hbm>>
      tpu.enqueue_dma source(%dma_start3A_31 : memref<125x40xi32, #tpu.memory_space<hbm>>) target(%arg8 : memref<125x40xi32, #tpu.memory_space<vmem>>) target_semaphore(%run_scoped3A : memref<!tpu.dma_semaphore, #tpu.memory_space<semaphore_mem>>)
      %dma_wait3A = arith.constant 0 : i32
      %dma_wait3A_32 = arith.constant 0 : i32
      %dma_wait3A_33 = tpu.memref_slice %arg3[%add3A, %dma_wait3A, %dma_wait3A_32] : memref<32x125x40xi32, #tpu.memory_space<hbm>> -> memref<1x125x40xi32, #tpu.memory_space<hbm>>
      %dma_wait3A_34 = tpu.memref_squeeze %dma_wait3A_33 : memref<1x125x40xi32, #tpu.memory_space<hbm>> -> memref<125x40xi32, #tpu.memory_space<hbm>>
      %dma_wait3A_35 = arith.constant 0 : i32
      %dma_wait3A_36 = arith.constant 0 : i32
      %dma_wait3A_37 = tpu.memref_slice %arg3[%add3A, %dma_wait3A_35, %dma_wait3A_36] : memref<32x125x40xi32, #tpu.memory_space<hbm>> -> memref<1x125x40xi32, #tpu.memory_space<hbm>>
      %dma_wait3A_38 = tpu.memref_squeeze %dma_wait3A_37 : memref<1x125x40xi32, #tpu.memory_space<hbm>> -> memref<125x40xi32, #tpu.memory_space<hbm>>
      tpu.wait_dma2 semaphore(%run_scoped3A : memref<!tpu.dma_semaphore, #tpu.memory_space<semaphore_mem>>) src(%dma_wait3A_38 : memref<125x40xi32, #tpu.memory_space<hbm>>) dst(%arg8 : memref<125x40xi32, #tpu.memory_space<vmem>>)
      tpu.yield
    }) : () -> ()
    "tpu.region"() ({
      %run_scoped3A = tpu.sem_alloc : memref<!tpu.dma_semaphore, #tpu.memory_space<semaphore_mem>>
      tpu.enqueue_dma source(%arg4 : memref<40x16xf32, #tpu.memory_space<hbm>>) target(%arg10 : memref<40x16xf32, #tpu.memory_space<vmem>>) target_semaphore(%run_scoped3A : memref<!tpu.dma_semaphore, #tpu.memory_space<semaphore_mem>>)
      tpu.wait_dma2 semaphore(%run_scoped3A : memref<!tpu.dma_semaphore, #tpu.memory_space<semaphore_mem>>) src(%arg4 : memref<40x16xf32, #tpu.memory_space<hbm>>) dst(%arg10 : memref<40x16xf32, #tpu.memory_space<vmem>>)
      tpu.yield
    }) : () -> ()
    %mul3A_9 = arith.constant 5000 : i32
    %mul3A_10 = arith.muli %add3A, %mul3A_9 : i32
    "tpu.region"() ({
      %run_scoped3A = tpu.sem_alloc : memref<!tpu.dma_semaphore, #tpu.memory_space<semaphore_mem>>
      %dma_start3A = arith.constant 0 : i32
      %dma_start3A_25 = tpu.memref_slice %arg2[%mul3A_10, %dma_start3A] : memref<160000x16xf32, #tpu.memory_space<hbm>> -> memref<5000x16xf32, #tpu.memory_space<hbm>>
      %dma_start3A_26 = arith.constant 0 : i32
      %dma_start3A_27 = tpu.memref_slice %arg2[%mul3A_10, %dma_start3A_26] : memref<160000x16xf32, #tpu.memory_space<hbm>> -> memref<5000x16xf32, #tpu.memory_space<hbm>>
      tpu.enqueue_dma source(%dma_start3A_27 : memref<5000x16xf32, #tpu.memory_space<hbm>>) target(%arg9 : memref<5000x16xf32, #tpu.memory_space<vmem>>) target_semaphore(%run_scoped3A : memref<!tpu.dma_semaphore, #tpu.memory_space<semaphore_mem>>)
      %dma_wait3A = arith.constant 0 : i32
      %dma_wait3A_28 = tpu.memref_slice %arg2[%mul3A_10, %dma_wait3A] : memref<160000x16xf32, #tpu.memory_space<hbm>> -> memref<5000x16xf32, #tpu.memory_space<hbm>>
      %dma_wait3A_29 = arith.constant 0 : i32
      %dma_wait3A_30 = tpu.memref_slice %arg2[%mul3A_10, %dma_wait3A_29] : memref<160000x16xf32, #tpu.memory_space<hbm>> -> memref<5000x16xf32, #tpu.memory_space<hbm>>
      tpu.wait_dma2 semaphore(%run_scoped3A : memref<!tpu.dma_semaphore, #tpu.memory_space<semaphore_mem>>) src(%dma_wait3A_30 : memref<5000x16xf32, #tpu.memory_space<hbm>>) dst(%arg9 : memref<5000x16xf32, #tpu.memory_space<vmem>>)
      tpu.yield
    }) : () -> ()
    %barrier3A = arith.constant 0 : index
    tpu.barrier barrier_id(%barrier3A)
    %scan3A = arith.constant 0 : i32
    %scan3A_11 = arith.constant 0 : i32
    %scan3A_12 = arith.constant 25 : i32
    %scan3A_13 = arith.addi %scan3A_11, %scan3A_12 : i32
    %scan3A_14 = arith.constant 1 : i32
    scf.for %scan3A_25 = %scan3A_11 to %scan3A_13 step %scan3A_14  : i32 {
      %mul3A_26 = arith.constant 5 : i32
      %mul3A_27 = arith.muli %scan3A_25, %mul3A_26 : i32
      %add3A_28 = arith.constant 0 : i32
      %add3A_29 = arith.addi %mul3A_27, %add3A_28 : i32
      %mul3A_30 = arith.constant 40 : i32
      %mul3A_31 = arith.muli %add3A_29, %mul3A_30 : i32
      %dma_start3A = arith.constant 0 : i32
      %dma_start3A_32 = tpu.memref_slice %arg9[%mul3A_31, %dma_start3A] : memref<5000x16xf32, #tpu.memory_space<vmem>> -> memref<40x16xf32, #tpu.memory_space<vmem>>
      %dma_start3A_33 = arith.constant 0 : i32
      %dma_start3A_34 = tpu.memref_slice %arg8[%add3A_29, %dma_start3A_33] : memref<125x40xi32, #tpu.memory_space<vmem>> -> memref<1x40xi32, #tpu.memory_space<vmem>>
      %dma_start3A_35 = tpu.memref_squeeze %dma_start3A_34 : memref<1x40xi32, #tpu.memory_space<vmem>> -> memref<40xi32, #tpu.memory_space<vmem>>
      %dma_start3A_36 = arith.constant 0 : i32
      %dma_start3A_37 = arith.constant 0 : i32
      %dma_start3A_38 = tpu.memref_slice %arg11[%dma_start3A_36, %dma_start3A_37] : memref<10000x16xf32, #tpu.memory_space<vmem_shared>> -> memref<10000x16xf32, #tpu.memory_space<vmem_shared>>
      tpu.enqueue_indirect_dma source(%dma_start3A_32 : memref<40x16xf32, #tpu.memory_space<vmem>>) target(%dma_start3A_38 : memref<10000x16xf32, #tpu.memory_space<vmem_shared>>) offsets(%dma_start3A_35 : memref<40xi32, #tpu.memory_space<vmem>>) semaphore(%arg13 : memref<!tpu.dma_semaphore, #tpu.memory_space<semaphore_mem>>) {add = true}
      %dma_start3A_39 = arith.constant 0 : i32
      %dma_start3A_40 = tpu.memref_slice %arg8[%add3A_29, %dma_start3A_39] : memref<125x40xi32, #tpu.memory_space<vmem>> -> memref<1x40xi32, #tpu.memory_space<vmem>>
      %dma_start3A_41 = tpu.memref_squeeze %dma_start3A_40 : memref<1x40xi32, #tpu.memory_space<vmem>> -> memref<40xi32, #tpu.memory_space<vmem>>
      %dma_start3A_42 = arith.constant 0 : i32
      %dma_start3A_43 = arith.constant 0 : i32
      %dma_start3A_44 = tpu.memref_slice %arg12[%dma_start3A_42, %dma_start3A_43] : memref<10000x16xf32, #tpu.memory_space<vmem_shared>> -> memref<10000x16xf32, #tpu.memory_space<vmem_shared>>
      tpu.enqueue_indirect_dma source(%arg10 : memref<40x16xf32, #tpu.memory_space<vmem>>) target(%dma_start3A_44 : memref<10000x16xf32, #tpu.memory_space<vmem_shared>>) offsets(%dma_start3A_41 : memref<40xi32, #tpu.memory_space<vmem>>) semaphore(%arg13 : memref<!tpu.dma_semaphore, #tpu.memory_space<semaphore_mem>>) {add = true}
      %mul3A_45 = arith.constant 5 : i32
      %mul3A_46 = arith.muli %scan3A_25, %mul3A_45 : i32
      %add3A_47 = arith.constant 1 : i32
      %add3A_48 = arith.addi %mul3A_46, %add3A_47 : i32
      %mul3A_49 = arith.constant 40 : i32
      %mul3A_50 = arith.muli %add3A_48, %mul3A_49 : i32
      %dma_start3A_51 = arith.constant 0 : i32
      %dma_start3A_52 = tpu.memref_slice %arg9[%mul3A_50, %dma_start3A_51] : memref<5000x16xf32, #tpu.memory_space<vmem>> -> memref<40x16xf32, #tpu.memory_space<vmem>>
      %dma_start3A_53 = arith.constant 0 : i32
      %dma_start3A_54 = tpu.memref_slice %arg8[%add3A_48, %dma_start3A_53] : memref<125x40xi32, #tpu.memory_space<vmem>> -> memref<1x40xi32, #tpu.memory_space<vmem>>
      %dma_start3A_55 = tpu.memref_squeeze %dma_start3A_54 : memref<1x40xi32, #tpu.memory_space<vmem>> -> memref<40xi32, #tpu.memory_space<vmem>>
      %dma_start3A_56 = arith.constant 0 : i32
      %dma_start3A_57 = arith.constant 0 : i32
      %dma_start3A_58 = tpu.memref_slice %arg11[%dma_start3A_56, %dma_start3A_57] : memref<10000x16xf32, #tpu.memory_space<vmem_shared>> -> memref<10000x16xf32, #tpu.memory_space<vmem_shared>>
      tpu.enqueue_indirect_dma source(%dma_start3A_52 : memref<40x16xf32, #tpu.memory_space<vmem>>) target(%dma_start3A_58 : memref<10000x16xf32, #tpu.memory_space<vmem_shared>>) offsets(%dma_start3A_55 : memref<40xi32, #tpu.memory_space<vmem>>) semaphore(%arg13 : memref<!tpu.dma_semaphore, #tpu.memory_space<semaphore_mem>>) {add = true}
      %dma_start3A_59 = arith.constant 0 : i32
      %dma_start3A_60 = tpu.memref_slice %arg8[%add3A_48, %dma_start3A_59] : memref<125x40xi32, #tpu.memory_space<vmem>> -> memref<1x40xi32, #tpu.memory_space<vmem>>
      %dma_start3A_61 = tpu.memref_squeeze %dma_start3A_60 : memref<1x40xi32, #tpu.memory_space<vmem>> -> memref<40xi32, #tpu.memory_space<vmem>>
      %dma_start3A_62 = arith.constant 0 : i32
      %dma_start3A_63 = arith.constant 0 : i32
      %dma_start3A_64 = tpu.memref_slice %arg12[%dma_start3A_62, %dma_start3A_63] : memref<10000x16xf32, #tpu.memory_space<vmem_shared>> -> memref<10000x16xf32, #tpu.memory_space<vmem_shared>>
      tpu.enqueue_indirect_dma source(%arg10 : memref<40x16xf32, #tpu.memory_space<vmem>>) target(%dma_start3A_64 : memref<10000x16xf32, #tpu.memory_space<vmem_shared>>) offsets(%dma_start3A_61 : memref<40xi32, #tpu.memory_space<vmem>>) semaphore(%arg13 : memref<!tpu.dma_semaphore, #tpu.memory_space<semaphore_mem>>) {add = true}
      %mul3A_65 = arith.constant 5 : i32
      %mul3A_66 = arith.muli %scan3A_25, %mul3A_65 : i32
      %add3A_67 = arith.constant 2 : i32
      %add3A_68 = arith.addi %mul3A_66, %add3A_67 : i32
      %mul3A_69 = arith.constant 40 : i32
      %mul3A_70 = arith.muli %add3A_68, %mul3A_69 : i32
      %dma_start3A_71 = arith.constant 0 : i32
      %dma_start3A_72 = tpu.memref_slice %arg9[%mul3A_70, %dma_start3A_71] : memref<5000x16xf32, #tpu.memory_space<vmem>> -> memref<40x16xf32, #tpu.memory_space<vmem>>
      %dma_start3A_73 = arith.constant 0 : i32
      %dma_start3A_74 = tpu.memref_slice %arg8[%add3A_68, %dma_start3A_73] : memref<125x40xi32, #tpu.memory_space<vmem>> -> memref<1x40xi32, #tpu.memory_space<vmem>>
      %dma_start3A_75 = tpu.memref_squeeze %dma_start3A_74 : memref<1x40xi32, #tpu.memory_space<vmem>> -> memref<40xi32, #tpu.memory_space<vmem>>
      %dma_start3A_76 = arith.constant 0 : i32
      %dma_start3A_77 = arith.constant 0 : i32
      %dma_start3A_78 = tpu.memref_slice %arg11[%dma_start3A_76, %dma_start3A_77] : memref<10000x16xf32, #tpu.memory_space<vmem_shared>> -> memref<10000x16xf32, #tpu.memory_space<vmem_shared>>
      tpu.enqueue_indirect_dma source(%dma_start3A_72 : memref<40x16xf32, #tpu.memory_space<vmem>>) target(%dma_start3A_78 : memref<10000x16xf32, #tpu.memory_space<vmem_shared>>) offsets(%dma_start3A_75 : memref<40xi32, #tpu.memory_space<vmem>>) semaphore(%arg13 : memref<!tpu.dma_semaphore, #tpu.memory_space<semaphore_mem>>) {add = true}
      %dma_start3A_79 = arith.constant 0 : i32
      %dma_start3A_80 = tpu.memref_slice %arg8[%add3A_68, %dma_start3A_79] : memref<125x40xi32, #tpu.memory_space<vmem>> -> memref<1x40xi32, #tpu.memory_space<vmem>>
      %dma_start3A_81 = tpu.memref_squeeze %dma_start3A_80 : memref<1x40xi32, #tpu.memory_space<vmem>> -> memref<40xi32, #tpu.memory_space<vmem>>
      %dma_start3A_82 = arith.constant 0 : i32
      %dma_start3A_83 = arith.constant 0 : i32
      %dma_start3A_84 = tpu.memref_slice %arg12[%dma_start3A_82, %dma_start3A_83] : memref<10000x16xf32, #tpu.memory_space<vmem_shared>> -> memref<10000x16xf32, #tpu.memory_space<vmem_shared>>
      tpu.enqueue_indirect_dma source(%arg10 : memref<40x16xf32, #tpu.memory_space<vmem>>) target(%dma_start3A_84 : memref<10000x16xf32, #tpu.memory_space<vmem_shared>>) offsets(%dma_start3A_81 : memref<40xi32, #tpu.memory_space<vmem>>) semaphore(%arg13 : memref<!tpu.dma_semaphore, #tpu.memory_space<semaphore_mem>>) {add = true}
      %mul3A_85 = arith.constant 5 : i32
      %mul3A_86 = arith.muli %scan3A_25, %mul3A_85 : i32
      %add3A_87 = arith.constant 3 : i32
      %add3A_88 = arith.addi %mul3A_86, %add3A_87 : i32
      %mul3A_89 = arith.constant 40 : i32
      %mul3A_90 = arith.muli %add3A_88, %mul3A_89 : i32
      %dma_start3A_91 = arith.constant 0 : i32
      %dma_start3A_92 = tpu.memref_slice %arg9[%mul3A_90, %dma_start3A_91] : memref<5000x16xf32, #tpu.memory_space<vmem>> -> memref<40x16xf32, #tpu.memory_space<vmem>>
      %dma_start3A_93 = arith.constant 0 : i32
      %dma_start3A_94 = tpu.memref_slice %arg8[%add3A_88, %dma_start3A_93] : memref<125x40xi32, #tpu.memory_space<vmem>> -> memref<1x40xi32, #tpu.memory_space<vmem>>
      %dma_start3A_95 = tpu.memref_squeeze %dma_start3A_94 : memref<1x40xi32, #tpu.memory_space<vmem>> -> memref<40xi32, #tpu.memory_space<vmem>>
      %dma_start3A_96 = arith.constant 0 : i32
      %dma_start3A_97 = arith.constant 0 : i32
      %dma_start3A_98 = tpu.memref_slice %arg11[%dma_start3A_96, %dma_start3A_97] : memref<10000x16xf32, #tpu.memory_space<vmem_shared>> -> memref<10000x16xf32, #tpu.memory_space<vmem_shared>>
      tpu.enqueue_indirect_dma source(%dma_start3A_92 : memref<40x16xf32, #tpu.memory_space<vmem>>) target(%dma_start3A_98 : memref<10000x16xf32, #tpu.memory_space<vmem_shared>>) offsets(%dma_start3A_95 : memref<40xi32, #tpu.memory_space<vmem>>) semaphore(%arg13 : memref<!tpu.dma_semaphore, #tpu.memory_space<semaphore_mem>>) {add = true}
      %dma_start3A_99 = arith.constant 0 : i32
      %dma_start3A_100 = tpu.memref_slice %arg8[%add3A_88, %dma_start3A_99] : memref<125x40xi32, #tpu.memory_space<vmem>> -> memref<1x40xi32, #tpu.memory_space<vmem>>
      %dma_start3A_101 = tpu.memref_squeeze %dma_start3A_100 : memref<1x40xi32, #tpu.memory_space<vmem>> -> memref<40xi32, #tpu.memory_space<vmem>>
      %dma_start3A_102 = arith.constant 0 : i32
      %dma_start3A_103 = arith.constant 0 : i32
      %dma_start3A_104 = tpu.memref_slice %arg12[%dma_start3A_102, %dma_start3A_103] : memref<10000x16xf32, #tpu.memory_space<vmem_shared>> -> memref<10000x16xf32, #tpu.memory_space<vmem_shared>>
      tpu.enqueue_indirect_dma source(%arg10 : memref<40x16xf32, #tpu.memory_space<vmem>>) target(%dma_start3A_104 : memref<10000x16xf32, #tpu.memory_space<vmem_shared>>) offsets(%dma_start3A_101 : memref<40xi32, #tpu.memory_space<vmem>>) semaphore(%arg13 : memref<!tpu.dma_semaphore, #tpu.memory_space<semaphore_mem>>) {add = true}
      %mul3A_105 = arith.constant 5 : i32
      %mul3A_106 = arith.muli %scan3A_25, %mul3A_105 : i32
      %add3A_107 = arith.constant 4 : i32
      %add3A_108 = arith.addi %mul3A_106, %add3A_107 : i32
      %mul3A_109 = arith.constant 40 : i32
      %mul3A_110 = arith.muli %add3A_108, %mul3A_109 : i32
      %dma_start3A_111 = arith.constant 0 : i32
      %dma_start3A_112 = tpu.memref_slice %arg9[%mul3A_110, %dma_start3A_111] : memref<5000x16xf32, #tpu.memory_space<vmem>> -> memref<40x16xf32, #tpu.memory_space<vmem>>
      %dma_start3A_113 = arith.constant 0 : i32
      %dma_start3A_114 = tpu.memref_slice %arg8[%add3A_108, %dma_start3A_113] : memref<125x40xi32, #tpu.memory_space<vmem>> -> memref<1x40xi32, #tpu.memory_space<vmem>>
      %dma_start3A_115 = tpu.memref_squeeze %dma_start3A_114 : memref<1x40xi32, #tpu.memory_space<vmem>> -> memref<40xi32, #tpu.memory_space<vmem>>
      %dma_start3A_116 = arith.constant 0 : i32
      %dma_start3A_117 = arith.constant 0 : i32
      %dma_start3A_118 = tpu.memref_slice %arg11[%dma_start3A_116, %dma_start3A_117] : memref<10000x16xf32, #tpu.memory_space<vmem_shared>> -> memref<10000x16xf32, #tpu.memory_space<vmem_shared>>
      tpu.enqueue_indirect_dma source(%dma_start3A_112 : memref<40x16xf32, #tpu.memory_space<vmem>>) target(%dma_start3A_118 : memref<10000x16xf32, #tpu.memory_space<vmem_shared>>) offsets(%dma_start3A_115 : memref<40xi32, #tpu.memory_space<vmem>>) semaphore(%arg13 : memref<!tpu.dma_semaphore, #tpu.memory_space<semaphore_mem>>) {add = true}
      %dma_start3A_119 = arith.constant 0 : i32
      %dma_start3A_120 = tpu.memref_slice %arg8[%add3A_108, %dma_start3A_119] : memref<125x40xi32, #tpu.memory_space<vmem>> -> memref<1x40xi32, #tpu.memory_space<vmem>>
      %dma_start3A_121 = tpu.memref_squeeze %dma_start3A_120 : memref<1x40xi32, #tpu.memory_space<vmem>> -> memref<40xi32, #tpu.memory_space<vmem>>
      %dma_start3A_122 = arith.constant 0 : i32
      %dma_start3A_123 = arith.constant 0 : i32
      %dma_start3A_124 = tpu.memref_slice %arg12[%dma_start3A_122, %dma_start3A_123] : memref<10000x16xf32, #tpu.memory_space<vmem_shared>> -> memref<10000x16xf32, #tpu.memory_space<vmem_shared>>
      tpu.enqueue_indirect_dma source(%arg10 : memref<40x16xf32, #tpu.memory_space<vmem>>) target(%dma_start3A_124 : memref<10000x16xf32, #tpu.memory_space<vmem_shared>>) offsets(%dma_start3A_121 : memref<40xi32, #tpu.memory_space<vmem>>) semaphore(%arg13 : memref<!tpu.dma_semaphore, #tpu.memory_space<semaphore_mem>>) {add = true}
      %mul3A_125 = arith.constant 5 : i32
      %mul3A_126 = arith.muli %scan3A_25, %mul3A_125 : i32
      %add3A_127 = arith.constant 0 : i32
      %add3A_128 = arith.addi %mul3A_126, %add3A_127 : i32
      %mul3A_129 = arith.constant 40 : i32
      %mul3A_130 = arith.muli %add3A_128, %mul3A_129 : i32
      %dma_wait3A = arith.constant 0 : i32
      %dma_wait3A_131 = tpu.memref_slice %arg9[%mul3A_130, %dma_wait3A] : memref<5000x16xf32, #tpu.memory_space<vmem>> -> memref<40x16xf32, #tpu.memory_space<vmem>>
      %dma_wait3A_132 = arith.constant 0 : i32
      %dma_wait3A_133 = tpu.memref_slice %arg8[%add3A_128, %dma_wait3A_132] : memref<125x40xi32, #tpu.memory_space<vmem>> -> memref<1x40xi32, #tpu.memory_space<vmem>>
      %dma_wait3A_134 = tpu.memref_squeeze %dma_wait3A_133 : memref<1x40xi32, #tpu.memory_space<vmem>> -> memref<40xi32, #tpu.memory_space<vmem>>
      %dma_wait3A_135 = arith.constant 0 : i32
      %dma_wait3A_136 = arith.constant 0 : i32
      %dma_wait3A_137 = tpu.memref_slice %arg11[%dma_wait3A_135, %dma_wait3A_136] : memref<10000x16xf32, #tpu.memory_space<vmem_shared>> -> memref<10000x16xf32, #tpu.memory_space<vmem_shared>>
      tpu.wait_indirect_dma semaphore(%arg13 : memref<!tpu.dma_semaphore, #tpu.memory_space<semaphore_mem>>) src(%dma_wait3A_131 : memref<40x16xf32, #tpu.memory_space<vmem>>) dst(%dma_wait3A_137 : memref<10000x16xf32, #tpu.memory_space<vmem_shared>>)
      %dma_wait3A_138 = arith.constant 0 : i32
      %dma_wait3A_139 = tpu.memref_slice %arg8[%add3A_128, %dma_wait3A_138] : memref<125x40xi32, #tpu.memory_space<vmem>> -> memref<1x40xi32, #tpu.memory_space<vmem>>
      %dma_wait3A_140 = tpu.memref_squeeze %dma_wait3A_139 : memref<1x40xi32, #tpu.memory_space<vmem>> -> memref<40xi32, #tpu.memory_space<vmem>>
      %dma_wait3A_141 = arith.constant 0 : i32
      %dma_wait3A_142 = arith.constant 0 : i32
      %dma_wait3A_143 = tpu.memref_slice %arg12[%dma_wait3A_141, %dma_wait3A_142] : memref<10000x16xf32, #tpu.memory_space<vmem_shared>> -> memref<10000x16xf32, #tpu.memory_space<vmem_shared>>
      tpu.wait_indirect_dma semaphore(%arg13 : memref<!tpu.dma_semaphore, #tpu.memory_space<semaphore_mem>>) src(%arg10 : memref<40x16xf32, #tpu.memory_space<vmem>>) dst(%dma_wait3A_143 : memref<10000x16xf32, #tpu.memory_space<vmem_shared>>)
      %mul3A_144 = arith.constant 5 : i32
      %mul3A_145 = arith.muli %scan3A_25, %mul3A_144 : i32
      %add3A_146 = arith.constant 1 : i32
      %add3A_147 = arith.addi %mul3A_145, %add3A_146 : i32
      %mul3A_148 = arith.constant 40 : i32
      %mul3A_149 = arith.muli %add3A_147, %mul3A_148 : i32
      %dma_wait3A_150 = arith.constant 0 : i32
      %dma_wait3A_151 = tpu.memref_slice %arg9[%mul3A_149, %dma_wait3A_150] : memref<5000x16xf32, #tpu.memory_space<vmem>> -> memref<40x16xf32, #tpu.memory_space<vmem>>
      %dma_wait3A_152 = arith.constant 0 : i32
      %dma_wait3A_153 = tpu.memref_slice %arg8[%add3A_147, %dma_wait3A_152] : memref<125x40xi32, #tpu.memory_space<vmem>> -> memref<1x40xi32, #tpu.memory_space<vmem>>
      %dma_wait3A_154 = tpu.memref_squeeze %dma_wait3A_153 : memref<1x40xi32, #tpu.memory_space<vmem>> -> memref<40xi32, #tpu.memory_space<vmem>>
      %dma_wait3A_155 = arith.constant 0 : i32
      %dma_wait3A_156 = arith.constant 0 : i32
      %dma_wait3A_157 = tpu.memref_slice %arg11[%dma_wait3A_155, %dma_wait3A_156] : memref<10000x16xf32, #tpu.memory_space<vmem_shared>> -> memref<10000x16xf32, #tpu.memory_space<vmem_shared>>
      tpu.wait_indirect_dma semaphore(%arg13 : memref<!tpu.dma_semaphore, #tpu.memory_space<semaphore_mem>>) src(%dma_wait3A_151 : memref<40x16xf32, #tpu.memory_space<vmem>>) dst(%dma_wait3A_157 : memref<10000x16xf32, #tpu.memory_space<vmem_shared>>)
      %dma_wait3A_158 = arith.constant 0 : i32
      %dma_wait3A_159 = tpu.memref_slice %arg8[%add3A_147, %dma_wait3A_158] : memref<125x40xi32, #tpu.memory_space<vmem>> -> memref<1x40xi32, #tpu.memory_space<vmem>>
      %dma_wait3A_160 = tpu.memref_squeeze %dma_wait3A_159 : memref<1x40xi32, #tpu.memory_space<vmem>> -> memref<40xi32, #tpu.memory_space<vmem>>
      %dma_wait3A_161 = arith.constant 0 : i32
      %dma_wait3A_162 = arith.constant 0 : i32
      %dma_wait3A_163 = tpu.memref_slice %arg12[%dma_wait3A_161, %dma_wait3A_162] : memref<10000x16xf32, #tpu.memory_space<vmem_shared>> -> memref<10000x16xf32, #tpu.memory_space<vmem_shared>>
      tpu.wait_indirect_dma semaphore(%arg13 : memref<!tpu.dma_semaphore, #tpu.memory_space<semaphore_mem>>) src(%arg10 : memref<40x16xf32, #tpu.memory_space<vmem>>) dst(%dma_wait3A_163 : memref<10000x16xf32, #tpu.memory_space<vmem_shared>>)
      %mul3A_164 = arith.constant 5 : i32
      %mul3A_165 = arith.muli %scan3A_25, %mul3A_164 : i32
      %add3A_166 = arith.constant 2 : i32
      %add3A_167 = arith.addi %mul3A_165, %add3A_166 : i32
      %mul3A_168 = arith.constant 40 : i32
      %mul3A_169 = arith.muli %add3A_167, %mul3A_168 : i32
      %dma_wait3A_170 = arith.constant 0 : i32
      %dma_wait3A_171 = tpu.memref_slice %arg9[%mul3A_169, %dma_wait3A_170] : memref<5000x16xf32, #tpu.memory_space<vmem>> -> memref<40x16xf32, #tpu.memory_space<vmem>>
      %dma_wait3A_172 = arith.constant 0 : i32
      %dma_wait3A_173 = tpu.memref_slice %arg8[%add3A_167, %dma_wait3A_172] : memref<125x40xi32, #tpu.memory_space<vmem>> -> memref<1x40xi32, #tpu.memory_space<vmem>>
      %dma_wait3A_174 = tpu.memref_squeeze %dma_wait3A_173 : memref<1x40xi32, #tpu.memory_space<vmem>> -> memref<40xi32, #tpu.memory_space<vmem>>
      %dma_wait3A_175 = arith.constant 0 : i32
      %dma_wait3A_176 = arith.constant 0 : i32
      %dma_wait3A_177 = tpu.memref_slice %arg11[%dma_wait3A_175, %dma_wait3A_176] : memref<10000x16xf32, #tpu.memory_space<vmem_shared>> -> memref<10000x16xf32, #tpu.memory_space<vmem_shared>>
      tpu.wait_indirect_dma semaphore(%arg13 : memref<!tpu.dma_semaphore, #tpu.memory_space<semaphore_mem>>) src(%dma_wait3A_171 : memref<40x16xf32, #tpu.memory_space<vmem>>) dst(%dma_wait3A_177 : memref<10000x16xf32, #tpu.memory_space<vmem_shared>>)
      %dma_wait3A_178 = arith.constant 0 : i32
      %dma_wait3A_179 = tpu.memref_slice %arg8[%add3A_167, %dma_wait3A_178] : memref<125x40xi32, #tpu.memory_space<vmem>> -> memref<1x40xi32, #tpu.memory_space<vmem>>
      %dma_wait3A_180 = tpu.memref_squeeze %dma_wait3A_179 : memref<1x40xi32, #tpu.memory_space<vmem>> -> memref<40xi32, #tpu.memory_space<vmem>>
      %dma_wait3A_181 = arith.constant 0 : i32
      %dma_wait3A_182 = arith.constant 0 : i32
      %dma_wait3A_183 = tpu.memref_slice %arg12[%dma_wait3A_181, %dma_wait3A_182] : memref<10000x16xf32, #tpu.memory_space<vmem_shared>> -> memref<10000x16xf32, #tpu.memory_space<vmem_shared>>
      tpu.wait_indirect_dma semaphore(%arg13 : memref<!tpu.dma_semaphore, #tpu.memory_space<semaphore_mem>>) src(%arg10 : memref<40x16xf32, #tpu.memory_space<vmem>>) dst(%dma_wait3A_183 : memref<10000x16xf32, #tpu.memory_space<vmem_shared>>)
      %mul3A_184 = arith.constant 5 : i32
      %mul3A_185 = arith.muli %scan3A_25, %mul3A_184 : i32
      %add3A_186 = arith.constant 3 : i32
      %add3A_187 = arith.addi %mul3A_185, %add3A_186 : i32
      %mul3A_188 = arith.constant 40 : i32
      %mul3A_189 = arith.muli %add3A_187, %mul3A_188 : i32
      %dma_wait3A_190 = arith.constant 0 : i32
      %dma_wait3A_191 = tpu.memref_slice %arg9[%mul3A_189, %dma_wait3A_190] : memref<5000x16xf32, #tpu.memory_space<vmem>> -> memref<40x16xf32, #tpu.memory_space<vmem>>
      %dma_wait3A_192 = arith.constant 0 : i32
      %dma_wait3A_193 = tpu.memref_slice %arg8[%add3A_187, %dma_wait3A_192] : memref<125x40xi32, #tpu.memory_space<vmem>> -> memref<1x40xi32, #tpu.memory_space<vmem>>
      %dma_wait3A_194 = tpu.memref_squeeze %dma_wait3A_193 : memref<1x40xi32, #tpu.memory_space<vmem>> -> memref<40xi32, #tpu.memory_space<vmem>>
      %dma_wait3A_195 = arith.constant 0 : i32
      %dma_wait3A_196 = arith.constant 0 : i32
      %dma_wait3A_197 = tpu.memref_slice %arg11[%dma_wait3A_195, %dma_wait3A_196] : memref<10000x16xf32, #tpu.memory_space<vmem_shared>> -> memref<10000x16xf32, #tpu.memory_space<vmem_shared>>
      tpu.wait_indirect_dma semaphore(%arg13 : memref<!tpu.dma_semaphore, #tpu.memory_space<semaphore_mem>>) src(%dma_wait3A_191 : memref<40x16xf32, #tpu.memory_space<vmem>>) dst(%dma_wait3A_197 : memref<10000x16xf32, #tpu.memory_space<vmem_shared>>)
      %dma_wait3A_198 = arith.constant 0 : i32
      %dma_wait3A_199 = tpu.memref_slice %arg8[%add3A_187, %dma_wait3A_198] : memref<125x40xi32, #tpu.memory_space<vmem>> -> memref<1x40xi32, #tpu.memory_space<vmem>>
      %dma_wait3A_200 = tpu.memref_squeeze %dma_wait3A_199 : memref<1x40xi32, #tpu.memory_space<vmem>> -> memref<40xi32, #tpu.memory_space<vmem>>
      %dma_wait3A_201 = arith.constant 0 : i32
      %dma_wait3A_202 = arith.constant 0 : i32
      %dma_wait3A_203 = tpu.memref_slice %arg12[%dma_wait3A_201, %dma_wait3A_202] : memref<10000x16xf32, #tpu.memory_space<vmem_shared>> -> memref<10000x16xf32, #tpu.memory_space<vmem_shared>>
      tpu.wait_indirect_dma semaphore(%arg13 : memref<!tpu.dma_semaphore, #tpu.memory_space<semaphore_mem>>) src(%arg10 : memref<40x16xf32, #tpu.memory_space<vmem>>) dst(%dma_wait3A_203 : memref<10000x16xf32, #tpu.memory_space<vmem_shared>>)
      %mul3A_204 = arith.constant 5 : i32
      %mul3A_205 = arith.muli %scan3A_25, %mul3A_204 : i32
      %add3A_206 = arith.constant 4 : i32
      %add3A_207 = arith.addi %mul3A_205, %add3A_206 : i32
      %mul3A_208 = arith.constant 40 : i32
      %mul3A_209 = arith.muli %add3A_207, %mul3A_208 : i32
      %dma_wait3A_210 = arith.constant 0 : i32
      %dma_wait3A_211 = tpu.memref_slice %arg9[%mul3A_209, %dma_wait3A_210] : memref<5000x16xf32, #tpu.memory_space<vmem>> -> memref<40x16xf32, #tpu.memory_space<vmem>>
      %dma_wait3A_212 = arith.constant 0 : i32
      %dma_wait3A_213 = tpu.memref_slice %arg8[%add3A_207, %dma_wait3A_212] : memref<125x40xi32, #tpu.memory_space<vmem>> -> memref<1x40xi32, #tpu.memory_space<vmem>>
      %dma_wait3A_214 = tpu.memref_squeeze %dma_wait3A_213 : memref<1x40xi32, #tpu.memory_space<vmem>> -> memref<40xi32, #tpu.memory_space<vmem>>
      %dma_wait3A_215 = arith.constant 0 : i32
      %dma_wait3A_216 = arith.constant 0 : i32
      %dma_wait3A_217 = tpu.memref_slice %arg11[%dma_wait3A_215, %dma_wait3A_216] : memref<10000x16xf32, #tpu.memory_space<vmem_shared>> -> memref<10000x16xf32, #tpu.memory_space<vmem_shared>>
      tpu.wait_indirect_dma semaphore(%arg13 : memref<!tpu.dma_semaphore, #tpu.memory_space<semaphore_mem>>) src(%dma_wait3A_211 : memref<40x16xf32, #tpu.memory_space<vmem>>) dst(%dma_wait3A_217 : memref<10000x16xf32, #tpu.memory_space<vmem_shared>>)
      %dma_wait3A_218 = arith.constant 0 : i32
      %dma_wait3A_219 = tpu.memref_slice %arg8[%add3A_207, %dma_wait3A_218] : memref<125x40xi32, #tpu.memory_space<vmem>> -> memref<1x40xi32, #tpu.memory_space<vmem>>
      %dma_wait3A_220 = tpu.memref_squeeze %dma_wait3A_219 : memref<1x40xi32, #tpu.memory_space<vmem>> -> memref<40xi32, #tpu.memory_space<vmem>>
      %dma_wait3A_221 = arith.constant 0 : i32
      %dma_wait3A_222 = arith.constant 0 : i32
      %dma_wait3A_223 = tpu.memref_slice %arg12[%dma_wait3A_221, %dma_wait3A_222] : memref<10000x16xf32, #tpu.memory_space<vmem_shared>> -> memref<10000x16xf32, #tpu.memory_space<vmem_shared>>
      tpu.wait_indirect_dma semaphore(%arg13 : memref<!tpu.dma_semaphore, #tpu.memory_space<semaphore_mem>>) src(%arg10 : memref<40x16xf32, #tpu.memory_space<vmem>>) dst(%dma_wait3A_223 : memref<10000x16xf32, #tpu.memory_space<vmem_shared>>)
    }
    %scan3A_15 = arith.constant 25 : i32
    %barrier3A_16 = arith.constant 0 : index
    tpu.barrier barrier_id(%barrier3A_16)
    %mul3A_17 = arith.constant 625 : i32
    %mul3A_18 = arith.muli %arg1, %mul3A_17 : i32
    %mul3A_19 = arith.constant 625 : i32
    %mul3A_20 = arith.muli %arg1, %mul3A_19 : i32
    "tpu.region"() ({
      %run_scoped3A = tpu.sem_alloc : memref<!tpu.dma_semaphore, #tpu.memory_space<semaphore_mem>>
      %dma_start3A = arith.constant 0 : i32
      %dma_start3A_25 = tpu.memref_slice %arg6[%arg0, %mul3A_20, %dma_start3A] : memref<2x10000x16xf32, #tpu.memory_space<hbm>> -> memref<1x625x16xf32, #tpu.memory_space<hbm>>
      %dma_start3A_26 = tpu.memref_squeeze %dma_start3A_25 : memref<1x625x16xf32, #tpu.memory_space<hbm>> -> memref<625x16xf32, #tpu.memory_space<hbm>>
      %dma_start3A_27 = arith.constant 0 : i32
      %dma_start3A_28 = tpu.memref_slice %arg11[%mul3A_18, %dma_start3A_27] : memref<10000x16xf32, #tpu.memory_space<vmem_shared>> -> memref<625x16xf32, #tpu.memory_space<vmem_shared>>
      tpu.enqueue_dma source(%dma_start3A_28 : memref<625x16xf32, #tpu.memory_space<vmem_shared>>) target(%dma_start3A_26 : memref<625x16xf32, #tpu.memory_space<hbm>>) target_semaphore(%run_scoped3A : memref<!tpu.dma_semaphore, #tpu.memory_space<semaphore_mem>>)
      %dma_wait3A = arith.constant 0 : i32
      %dma_wait3A_29 = tpu.memref_slice %arg6[%arg0, %mul3A_20, %dma_wait3A] : memref<2x10000x16xf32, #tpu.memory_space<hbm>> -> memref<1x625x16xf32, #tpu.memory_space<hbm>>
      %dma_wait3A_30 = tpu.memref_squeeze %dma_wait3A_29 : memref<1x625x16xf32, #tpu.memory_space<hbm>> -> memref<625x16xf32, #tpu.memory_space<hbm>>
      %dma_wait3A_31 = arith.constant 0 : i32
      %dma_wait3A_32 = tpu.memref_slice %arg11[%mul3A_18, %dma_wait3A_31] : memref<10000x16xf32, #tpu.memory_space<vmem_shared>> -> memref<625x16xf32, #tpu.memory_space<vmem_shared>>
      tpu.wait_dma2 semaphore(%run_scoped3A : memref<!tpu.dma_semaphore, #tpu.memory_space<semaphore_mem>>) src(%dma_wait3A_32 : memref<625x16xf32, #tpu.memory_space<vmem_shared>>) dst(%dma_wait3A_30 : memref<625x16xf32, #tpu.memory_space<hbm>>)
      tpu.yield
    }) : () -> ()
    %mul3A_21 = arith.constant 625 : i32
    %mul3A_22 = arith.muli %arg1, %mul3A_21 : i32
    %mul3A_23 = arith.constant 625 : i32
    %mul3A_24 = arith.muli %arg1, %mul3A_23 : i32
    "tpu.region"() ({
      %run_scoped3A = tpu.sem_alloc : memref<!tpu.dma_semaphore, #tpu.memory_space<semaphore_mem>>
      %dma_start3A = arith.constant 0 : i32
      %dma_start3A_25 = tpu.memref_slice %arg7[%arg0, %mul3A_24, %dma_start3A] : memref<2x10000x16xf32, #tpu.memory_space<hbm>> -> memref<1x625x16xf32, #tpu.memory_space<hbm>>
      %dma_start3A_26 = tpu.memref_squeeze %dma_start3A_25 : memref<1x625x16xf32, #tpu.memory_space<hbm>> -> memref<625x16xf32, #tpu.memory_space<hbm>>
      %dma_start3A_27 = arith.constant 0 : i32
      %dma_start3A_28 = tpu.memref_slice %arg12[%mul3A_22, %dma_start3A_27] : memref<10000x16xf32, #tpu.memory_space<vmem_shared>> -> memref<625x16xf32, #tpu.memory_space<vmem_shared>>
      tpu.enqueue_dma source(%dma_start3A_28 : memref<625x16xf32, #tpu.memory_space<vmem_shared>>) target(%dma_start3A_26 : memref<625x16xf32, #tpu.memory_space<hbm>>) target_semaphore(%run_scoped3A : memref<!tpu.dma_semaphore, #tpu.memory_space<semaphore_mem>>)
      %dma_wait3A = arith.constant 0 : i32
      %dma_wait3A_29 = tpu.memref_slice %arg7[%arg0, %mul3A_24, %dma_wait3A] : memref<2x10000x16xf32, #tpu.memory_space<hbm>> -> memref<1x625x16xf32, #tpu.memory_space<hbm>>
      %dma_wait3A_30 = tpu.memref_squeeze %dma_wait3A_29 : memref<1x625x16xf32, #tpu.memory_space<hbm>> -> memref<625x16xf32, #tpu.memory_space<hbm>>
      %dma_wait3A_31 = arith.constant 0 : i32
      %dma_wait3A_32 = tpu.memref_slice %arg12[%mul3A_22, %dma_wait3A_31] : memref<10000x16xf32, #tpu.memory_space<vmem_shared>> -> memref<625x16xf32, #tpu.memory_space<vmem_shared>>
      tpu.wait_dma2 semaphore(%run_scoped3A : memref<!tpu.dma_semaphore, #tpu.memory_space<semaphore_mem>>) src(%dma_wait3A_32 : memref<625x16xf32, #tpu.memory_space<vmem_shared>>) dst(%dma_wait3A_30 : memref<625x16xf32, #tpu.memory_space<hbm>>)
      tpu.yield
    }) : () -> ()
    return
  }
}

#map = affine_map<(d0, d1) -> (0, 0)>
#map1 = affine_map<(d0, d1) -> (0, 0, 0)>
module attributes {stable_mosaic.version = 14 : i64} {
  func.func @_sc_gather(%arg0: i32, %arg1: i32, %arg2: memref<10000x16xf32, #tpu.memory_space<hbm>>, %arg3: memref<32x125x40xi32, #tpu.memory_space<hbm>>, %arg4: memref<160000x16xf32, #tpu.memory_space<hbm>>, %arg5: memref<125x40xi32, #tpu.memory_space<vmem>>, %arg6: memref<5000x16xf32, #tpu.memory_space<vmem>>, %arg7: memref<!tpu.dma_semaphore, #tpu.memory_space<semaphore_mem>>) attributes {dimension_semantics = [#tpu.dimension_semantics<core_parallel>, #tpu.dimension_semantics<subcore_parallel>], iteration_bounds = array<i64: 2, 16>, scalar_prefetch = 0 : i64, scratch_operands = 3 : i64, tpu.core_type = #tpu.core_type<sc_vector_subcore>, window_params = [{transform_indices = #map}, {transform_indices = #map1}, {transform_indices = #map}]} {
    %mul3A = arith.constant 2 : i32
    %mul3A_0 = arith.muli %arg1, %mul3A : i32
    %add3A = arith.addi %mul3A_0, %arg0 : i32
    "tpu.region"() ({
      %run_scoped3A = tpu.sem_alloc : memref<!tpu.dma_semaphore, #tpu.memory_space<semaphore_mem>>
      %dma_start3A = arith.constant 0 : i32
      %dma_start3A_8 = arith.constant 0 : i32
      %dma_start3A_9 = tpu.memref_slice %arg3[%add3A, %dma_start3A, %dma_start3A_8] : memref<32x125x40xi32, #tpu.memory_space<hbm>> -> memref<1x125x40xi32, #tpu.memory_space<hbm>>
      %dma_start3A_10 = tpu.memref_squeeze %dma_start3A_9 : memref<1x125x40xi32, #tpu.memory_space<hbm>> -> memref<125x40xi32, #tpu.memory_space<hbm>>
      %dma_start3A_11 = arith.constant 0 : i32
      %dma_start3A_12 = arith.constant 0 : i32
      %dma_start3A_13 = tpu.memref_slice %arg3[%add3A, %dma_start3A_11, %dma_start3A_12] : memref<32x125x40xi32, #tpu.memory_space<hbm>> -> memref<1x125x40xi32, #tpu.memory_space<hbm>>
      %dma_start3A_14 = tpu.memref_squeeze %dma_start3A_13 : memref<1x125x40xi32, #tpu.memory_space<hbm>> -> memref<125x40xi32, #tpu.memory_space<hbm>>
      tpu.enqueue_dma source(%dma_start3A_14 : memref<125x40xi32, #tpu.memory_space<hbm>>) target(%arg5 : memref<125x40xi32, #tpu.memory_space<vmem>>) target_semaphore(%run_scoped3A : memref<!tpu.dma_semaphore, #tpu.memory_space<semaphore_mem>>)
      %dma_wait3A = arith.constant 0 : i32
      %dma_wait3A_15 = arith.constant 0 : i32
      %dma_wait3A_16 = tpu.memref_slice %arg3[%add3A, %dma_wait3A, %dma_wait3A_15] : memref<32x125x40xi32, #tpu.memory_space<hbm>> -> memref<1x125x40xi32, #tpu.memory_space<hbm>>
      %dma_wait3A_17 = tpu.memref_squeeze %dma_wait3A_16 : memref<1x125x40xi32, #tpu.memory_space<hbm>> -> memref<125x40xi32, #tpu.memory_space<hbm>>
      %dma_wait3A_18 = arith.constant 0 : i32
      %dma_wait3A_19 = arith.constant 0 : i32
      %dma_wait3A_20 = tpu.memref_slice %arg3[%add3A, %dma_wait3A_18, %dma_wait3A_19] : memref<32x125x40xi32, #tpu.memory_space<hbm>> -> memref<1x125x40xi32, #tpu.memory_space<hbm>>
      %dma_wait3A_21 = tpu.memref_squeeze %dma_wait3A_20 : memref<1x125x40xi32, #tpu.memory_space<hbm>> -> memref<125x40xi32, #tpu.memory_space<hbm>>
      tpu.wait_dma2 semaphore(%run_scoped3A : memref<!tpu.dma_semaphore, #tpu.memory_space<semaphore_mem>>) src(%dma_wait3A_21 : memref<125x40xi32, #tpu.memory_space<hbm>>) dst(%arg5 : memref<125x40xi32, #tpu.memory_space<vmem>>)
      tpu.yield
    }) : () -> ()
    %scan3A = arith.constant 0 : i32
    %scan3A_1 = arith.constant 0 : i32
    %scan3A_2 = arith.constant 25 : i32
    %scan3A_3 = arith.addi %scan3A_1, %scan3A_2 : i32
    %scan3A_4 = arith.constant 1 : i32
    scf.for %scan3A_8 = %scan3A_1 to %scan3A_3 step %scan3A_4  : i32 {
      %mul3A_9 = arith.constant 5 : i32
      %mul3A_10 = arith.muli %scan3A_8, %mul3A_9 : i32
      %add3A_11 = arith.constant 0 : i32
      %add3A_12 = arith.addi %mul3A_10, %add3A_11 : i32
      %mul3A_13 = arith.constant 40 : i32
      %mul3A_14 = arith.muli %add3A_12, %mul3A_13 : i32
      %dma_start3A = arith.constant 0 : i32
      %dma_start3A_15 = tpu.memref_slice %arg6[%mul3A_14, %dma_start3A] : memref<5000x16xf32, #tpu.memory_space<vmem>> -> memref<40x16xf32, #tpu.memory_space<vmem>>
      %dma_start3A_16 = arith.constant 0 : i32
      %dma_start3A_17 = tpu.memref_slice %arg5[%add3A_12, %dma_start3A_16] : memref<125x40xi32, #tpu.memory_space<vmem>> -> memref<1x40xi32, #tpu.memory_space<vmem>>
      %dma_start3A_18 = tpu.memref_squeeze %dma_start3A_17 : memref<1x40xi32, #tpu.memory_space<vmem>> -> memref<40xi32, #tpu.memory_space<vmem>>
      %dma_start3A_19 = arith.constant 0 : i32
      %dma_start3A_20 = arith.constant 0 : i32
      %dma_start3A_21 = tpu.memref_slice %arg2[%dma_start3A_19, %dma_start3A_20] : memref<10000x16xf32, #tpu.memory_space<hbm>> -> memref<10000x16xf32, #tpu.memory_space<hbm>>
      tpu.enqueue_indirect_dma source(%dma_start3A_21 : memref<10000x16xf32, #tpu.memory_space<hbm>>) target(%dma_start3A_15 : memref<40x16xf32, #tpu.memory_space<vmem>>) offsets(%dma_start3A_18 : memref<40xi32, #tpu.memory_space<vmem>>) semaphore(%arg7 : memref<!tpu.dma_semaphore, #tpu.memory_space<semaphore_mem>>)
      %mul3A_22 = arith.constant 5 : i32
      %mul3A_23 = arith.muli %scan3A_8, %mul3A_22 : i32
      %add3A_24 = arith.constant 1 : i32
      %add3A_25 = arith.addi %mul3A_23, %add3A_24 : i32
      %mul3A_26 = arith.constant 40 : i32
      %mul3A_27 = arith.muli %add3A_25, %mul3A_26 : i32
      %dma_start3A_28 = arith.constant 0 : i32
      %dma_start3A_29 = tpu.memref_slice %arg6[%mul3A_27, %dma_start3A_28] : memref<5000x16xf32, #tpu.memory_space<vmem>> -> memref<40x16xf32, #tpu.memory_space<vmem>>
      %dma_start3A_30 = arith.constant 0 : i32
      %dma_start3A_31 = tpu.memref_slice %arg5[%add3A_25, %dma_start3A_30] : memref<125x40xi32, #tpu.memory_space<vmem>> -> memref<1x40xi32, #tpu.memory_space<vmem>>
      %dma_start3A_32 = tpu.memref_squeeze %dma_start3A_31 : memref<1x40xi32, #tpu.memory_space<vmem>> -> memref<40xi32, #tpu.memory_space<vmem>>
      %dma_start3A_33 = arith.constant 0 : i32
      %dma_start3A_34 = arith.constant 0 : i32
      %dma_start3A_35 = tpu.memref_slice %arg2[%dma_start3A_33, %dma_start3A_34] : memref<10000x16xf32, #tpu.memory_space<hbm>> -> memref<10000x16xf32, #tpu.memory_space<hbm>>
      tpu.enqueue_indirect_dma source(%dma_start3A_35 : memref<10000x16xf32, #tpu.memory_space<hbm>>) target(%dma_start3A_29 : memref<40x16xf32, #tpu.memory_space<vmem>>) offsets(%dma_start3A_32 : memref<40xi32, #tpu.memory_space<vmem>>) semaphore(%arg7 : memref<!tpu.dma_semaphore, #tpu.memory_space<semaphore_mem>>)
      %mul3A_36 = arith.constant 5 : i32
      %mul3A_37 = arith.muli %scan3A_8, %mul3A_36 : i32
      %add3A_38 = arith.constant 2 : i32
      %add3A_39 = arith.addi %mul3A_37, %add3A_38 : i32
      %mul3A_40 = arith.constant 40 : i32
      %mul3A_41 = arith.muli %add3A_39, %mul3A_40 : i32
      %dma_start3A_42 = arith.constant 0 : i32
      %dma_start3A_43 = tpu.memref_slice %arg6[%mul3A_41, %dma_start3A_42] : memref<5000x16xf32, #tpu.memory_space<vmem>> -> memref<40x16xf32, #tpu.memory_space<vmem>>
      %dma_start3A_44 = arith.constant 0 : i32
      %dma_start3A_45 = tpu.memref_slice %arg5[%add3A_39, %dma_start3A_44] : memref<125x40xi32, #tpu.memory_space<vmem>> -> memref<1x40xi32, #tpu.memory_space<vmem>>
      %dma_start3A_46 = tpu.memref_squeeze %dma_start3A_45 : memref<1x40xi32, #tpu.memory_space<vmem>> -> memref<40xi32, #tpu.memory_space<vmem>>
      %dma_start3A_47 = arith.constant 0 : i32
      %dma_start3A_48 = arith.constant 0 : i32
      %dma_start3A_49 = tpu.memref_slice %arg2[%dma_start3A_47, %dma_start3A_48] : memref<10000x16xf32, #tpu.memory_space<hbm>> -> memref<10000x16xf32, #tpu.memory_space<hbm>>
      tpu.enqueue_indirect_dma source(%dma_start3A_49 : memref<10000x16xf32, #tpu.memory_space<hbm>>) target(%dma_start3A_43 : memref<40x16xf32, #tpu.memory_space<vmem>>) offsets(%dma_start3A_46 : memref<40xi32, #tpu.memory_space<vmem>>) semaphore(%arg7 : memref<!tpu.dma_semaphore, #tpu.memory_space<semaphore_mem>>)
      %mul3A_50 = arith.constant 5 : i32
      %mul3A_51 = arith.muli %scan3A_8, %mul3A_50 : i32
      %add3A_52 = arith.constant 3 : i32
      %add3A_53 = arith.addi %mul3A_51, %add3A_52 : i32
      %mul3A_54 = arith.constant 40 : i32
      %mul3A_55 = arith.muli %add3A_53, %mul3A_54 : i32
      %dma_start3A_56 = arith.constant 0 : i32
      %dma_start3A_57 = tpu.memref_slice %arg6[%mul3A_55, %dma_start3A_56] : memref<5000x16xf32, #tpu.memory_space<vmem>> -> memref<40x16xf32, #tpu.memory_space<vmem>>
      %dma_start3A_58 = arith.constant 0 : i32
      %dma_start3A_59 = tpu.memref_slice %arg5[%add3A_53, %dma_start3A_58] : memref<125x40xi32, #tpu.memory_space<vmem>> -> memref<1x40xi32, #tpu.memory_space<vmem>>
      %dma_start3A_60 = tpu.memref_squeeze %dma_start3A_59 : memref<1x40xi32, #tpu.memory_space<vmem>> -> memref<40xi32, #tpu.memory_space<vmem>>
      %dma_start3A_61 = arith.constant 0 : i32
      %dma_start3A_62 = arith.constant 0 : i32
      %dma_start3A_63 = tpu.memref_slice %arg2[%dma_start3A_61, %dma_start3A_62] : memref<10000x16xf32, #tpu.memory_space<hbm>> -> memref<10000x16xf32, #tpu.memory_space<hbm>>
      tpu.enqueue_indirect_dma source(%dma_start3A_63 : memref<10000x16xf32, #tpu.memory_space<hbm>>) target(%dma_start3A_57 : memref<40x16xf32, #tpu.memory_space<vmem>>) offsets(%dma_start3A_60 : memref<40xi32, #tpu.memory_space<vmem>>) semaphore(%arg7 : memref<!tpu.dma_semaphore, #tpu.memory_space<semaphore_mem>>)
      %mul3A_64 = arith.constant 5 : i32
      %mul3A_65 = arith.muli %scan3A_8, %mul3A_64 : i32
      %add3A_66 = arith.constant 4 : i32
      %add3A_67 = arith.addi %mul3A_65, %add3A_66 : i32
      %mul3A_68 = arith.constant 40 : i32
      %mul3A_69 = arith.muli %add3A_67, %mul3A_68 : i32
      %dma_start3A_70 = arith.constant 0 : i32
      %dma_start3A_71 = tpu.memref_slice %arg6[%mul3A_69, %dma_start3A_70] : memref<5000x16xf32, #tpu.memory_space<vmem>> -> memref<40x16xf32, #tpu.memory_space<vmem>>
      %dma_start3A_72 = arith.constant 0 : i32
      %dma_start3A_73 = tpu.memref_slice %arg5[%add3A_67, %dma_start3A_72] : memref<125x40xi32, #tpu.memory_space<vmem>> -> memref<1x40xi32, #tpu.memory_space<vmem>>
      %dma_start3A_74 = tpu.memref_squeeze %dma_start3A_73 : memref<1x40xi32, #tpu.memory_space<vmem>> -> memref<40xi32, #tpu.memory_space<vmem>>
      %dma_start3A_75 = arith.constant 0 : i32
      %dma_start3A_76 = arith.constant 0 : i32
      %dma_start3A_77 = tpu.memref_slice %arg2[%dma_start3A_75, %dma_start3A_76] : memref<10000x16xf32, #tpu.memory_space<hbm>> -> memref<10000x16xf32, #tpu.memory_space<hbm>>
      tpu.enqueue_indirect_dma source(%dma_start3A_77 : memref<10000x16xf32, #tpu.memory_space<hbm>>) target(%dma_start3A_71 : memref<40x16xf32, #tpu.memory_space<vmem>>) offsets(%dma_start3A_74 : memref<40xi32, #tpu.memory_space<vmem>>) semaphore(%arg7 : memref<!tpu.dma_semaphore, #tpu.memory_space<semaphore_mem>>)
      %mul3A_78 = arith.constant 5 : i32
      %mul3A_79 = arith.muli %scan3A_8, %mul3A_78 : i32
      %add3A_80 = arith.constant 0 : i32
      %add3A_81 = arith.addi %mul3A_79, %add3A_80 : i32
      %mul3A_82 = arith.constant 40 : i32
      %mul3A_83 = arith.muli %add3A_81, %mul3A_82 : i32
      %dma_wait3A = arith.constant 0 : i32
      %dma_wait3A_84 = tpu.memref_slice %arg6[%mul3A_83, %dma_wait3A] : memref<5000x16xf32, #tpu.memory_space<vmem>> -> memref<40x16xf32, #tpu.memory_space<vmem>>
      %dma_wait3A_85 = arith.constant 0 : i32
      %dma_wait3A_86 = tpu.memref_slice %arg5[%add3A_81, %dma_wait3A_85] : memref<125x40xi32, #tpu.memory_space<vmem>> -> memref<1x40xi32, #tpu.memory_space<vmem>>
      %dma_wait3A_87 = tpu.memref_squeeze %dma_wait3A_86 : memref<1x40xi32, #tpu.memory_space<vmem>> -> memref<40xi32, #tpu.memory_space<vmem>>
      %dma_wait3A_88 = arith.constant 0 : i32
      %dma_wait3A_89 = arith.constant 0 : i32
      %dma_wait3A_90 = tpu.memref_slice %arg2[%dma_wait3A_88, %dma_wait3A_89] : memref<10000x16xf32, #tpu.memory_space<hbm>> -> memref<10000x16xf32, #tpu.memory_space<hbm>>
      tpu.wait_indirect_dma semaphore(%arg7 : memref<!tpu.dma_semaphore, #tpu.memory_space<semaphore_mem>>) src(%dma_wait3A_90 : memref<10000x16xf32, #tpu.memory_space<hbm>>) dst(%dma_wait3A_84 : memref<40x16xf32, #tpu.memory_space<vmem>>)
      %mul3A_91 = arith.constant 5 : i32
      %mul3A_92 = arith.muli %scan3A_8, %mul3A_91 : i32
      %add3A_93 = arith.constant 1 : i32
      %add3A_94 = arith.addi %mul3A_92, %add3A_93 : i32
      %mul3A_95 = arith.constant 40 : i32
      %mul3A_96 = arith.muli %add3A_94, %mul3A_95 : i32
      %dma_wait3A_97 = arith.constant 0 : i32
      %dma_wait3A_98 = tpu.memref_slice %arg6[%mul3A_96, %dma_wait3A_97] : memref<5000x16xf32, #tpu.memory_space<vmem>> -> memref<40x16xf32, #tpu.memory_space<vmem>>
      %dma_wait3A_99 = arith.constant 0 : i32
      %dma_wait3A_100 = tpu.memref_slice %arg5[%add3A_94, %dma_wait3A_99] : memref<125x40xi32, #tpu.memory_space<vmem>> -> memref<1x40xi32, #tpu.memory_space<vmem>>
      %dma_wait3A_101 = tpu.memref_squeeze %dma_wait3A_100 : memref<1x40xi32, #tpu.memory_space<vmem>> -> memref<40xi32, #tpu.memory_space<vmem>>
      %dma_wait3A_102 = arith.constant 0 : i32
      %dma_wait3A_103 = arith.constant 0 : i32
      %dma_wait3A_104 = tpu.memref_slice %arg2[%dma_wait3A_102, %dma_wait3A_103] : memref<10000x16xf32, #tpu.memory_space<hbm>> -> memref<10000x16xf32, #tpu.memory_space<hbm>>
      tpu.wait_indirect_dma semaphore(%arg7 : memref<!tpu.dma_semaphore, #tpu.memory_space<semaphore_mem>>) src(%dma_wait3A_104 : memref<10000x16xf32, #tpu.memory_space<hbm>>) dst(%dma_wait3A_98 : memref<40x16xf32, #tpu.memory_space<vmem>>)
      %mul3A_105 = arith.constant 5 : i32
      %mul3A_106 = arith.muli %scan3A_8, %mul3A_105 : i32
      %add3A_107 = arith.constant 2 : i32
      %add3A_108 = arith.addi %mul3A_106, %add3A_107 : i32
      %mul3A_109 = arith.constant 40 : i32
      %mul3A_110 = arith.muli %add3A_108, %mul3A_109 : i32
      %dma_wait3A_111 = arith.constant 0 : i32
      %dma_wait3A_112 = tpu.memref_slice %arg6[%mul3A_110, %dma_wait3A_111] : memref<5000x16xf32, #tpu.memory_space<vmem>> -> memref<40x16xf32, #tpu.memory_space<vmem>>
      %dma_wait3A_113 = arith.constant 0 : i32
      %dma_wait3A_114 = tpu.memref_slice %arg5[%add3A_108, %dma_wait3A_113] : memref<125x40xi32, #tpu.memory_space<vmem>> -> memref<1x40xi32, #tpu.memory_space<vmem>>
      %dma_wait3A_115 = tpu.memref_squeeze %dma_wait3A_114 : memref<1x40xi32, #tpu.memory_space<vmem>> -> memref<40xi32, #tpu.memory_space<vmem>>
      %dma_wait3A_116 = arith.constant 0 : i32
      %dma_wait3A_117 = arith.constant 0 : i32
      %dma_wait3A_118 = tpu.memref_slice %arg2[%dma_wait3A_116, %dma_wait3A_117] : memref<10000x16xf32, #tpu.memory_space<hbm>> -> memref<10000x16xf32, #tpu.memory_space<hbm>>
      tpu.wait_indirect_dma semaphore(%arg7 : memref<!tpu.dma_semaphore, #tpu.memory_space<semaphore_mem>>) src(%dma_wait3A_118 : memref<10000x16xf32, #tpu.memory_space<hbm>>) dst(%dma_wait3A_112 : memref<40x16xf32, #tpu.memory_space<vmem>>)
      %mul3A_119 = arith.constant 5 : i32
      %mul3A_120 = arith.muli %scan3A_8, %mul3A_119 : i32
      %add3A_121 = arith.constant 3 : i32
      %add3A_122 = arith.addi %mul3A_120, %add3A_121 : i32
      %mul3A_123 = arith.constant 40 : i32
      %mul3A_124 = arith.muli %add3A_122, %mul3A_123 : i32
      %dma_wait3A_125 = arith.constant 0 : i32
      %dma_wait3A_126 = tpu.memref_slice %arg6[%mul3A_124, %dma_wait3A_125] : memref<5000x16xf32, #tpu.memory_space<vmem>> -> memref<40x16xf32, #tpu.memory_space<vmem>>
      %dma_wait3A_127 = arith.constant 0 : i32
      %dma_wait3A_128 = tpu.memref_slice %arg5[%add3A_122, %dma_wait3A_127] : memref<125x40xi32, #tpu.memory_space<vmem>> -> memref<1x40xi32, #tpu.memory_space<vmem>>
      %dma_wait3A_129 = tpu.memref_squeeze %dma_wait3A_128 : memref<1x40xi32, #tpu.memory_space<vmem>> -> memref<40xi32, #tpu.memory_space<vmem>>
      %dma_wait3A_130 = arith.constant 0 : i32
      %dma_wait3A_131 = arith.constant 0 : i32
      %dma_wait3A_132 = tpu.memref_slice %arg2[%dma_wait3A_130, %dma_wait3A_131] : memref<10000x16xf32, #tpu.memory_space<hbm>> -> memref<10000x16xf32, #tpu.memory_space<hbm>>
      tpu.wait_indirect_dma semaphore(%arg7 : memref<!tpu.dma_semaphore, #tpu.memory_space<semaphore_mem>>) src(%dma_wait3A_132 : memref<10000x16xf32, #tpu.memory_space<hbm>>) dst(%dma_wait3A_126 : memref<40x16xf32, #tpu.memory_space<vmem>>)
      %mul3A_133 = arith.constant 5 : i32
      %mul3A_134 = arith.muli %scan3A_8, %mul3A_133 : i32
      %add3A_135 = arith.constant 4 : i32
      %add3A_136 = arith.addi %mul3A_134, %add3A_135 : i32
      %mul3A_137 = arith.constant 40 : i32
      %mul3A_138 = arith.muli %add3A_136, %mul3A_137 : i32
      %dma_wait3A_139 = arith.constant 0 : i32
      %dma_wait3A_140 = tpu.memref_slice %arg6[%mul3A_138, %dma_wait3A_139] : memref<5000x16xf32, #tpu.memory_space<vmem>> -> memref<40x16xf32, #tpu.memory_space<vmem>>
      %dma_wait3A_141 = arith.constant 0 : i32
      %dma_wait3A_142 = tpu.memref_slice %arg5[%add3A_136, %dma_wait3A_141] : memref<125x40xi32, #tpu.memory_space<vmem>> -> memref<1x40xi32, #tpu.memory_space<vmem>>
      %dma_wait3A_143 = tpu.memref_squeeze %dma_wait3A_142 : memref<1x40xi32, #tpu.memory_space<vmem>> -> memref<40xi32, #tpu.memory_space<vmem>>
      %dma_wait3A_144 = arith.constant 0 : i32
      %dma_wait3A_145 = arith.constant 0 : i32
      %dma_wait3A_146 = tpu.memref_slice %arg2[%dma_wait3A_144, %dma_wait3A_145] : memref<10000x16xf32, #tpu.memory_space<hbm>> -> memref<10000x16xf32, #tpu.memory_space<hbm>>
      tpu.wait_indirect_dma semaphore(%arg7 : memref<!tpu.dma_semaphore, #tpu.memory_space<semaphore_mem>>) src(%dma_wait3A_146 : memref<10000x16xf32, #tpu.memory_space<hbm>>) dst(%dma_wait3A_140 : memref<40x16xf32, #tpu.memory_space<vmem>>)
    }
    %scan3A_5 = arith.constant 25 : i32
    %mul3A_6 = arith.constant 5000 : i32
    %mul3A_7 = arith.muli %add3A, %mul3A_6 : i32
    "tpu.region"() ({
      %run_scoped3A = tpu.sem_alloc : memref<!tpu.dma_semaphore, #tpu.memory_space<semaphore_mem>>
      %dma_start3A = arith.constant 0 : i32
      %dma_start3A_8 = tpu.memref_slice %arg4[%mul3A_7, %dma_start3A] : memref<160000x16xf32, #tpu.memory_space<hbm>> -> memref<5000x16xf32, #tpu.memory_space<hbm>>
      %dma_start3A_9 = arith.constant 0 : i32
      %dma_start3A_10 = tpu.memref_slice %arg4[%mul3A_7, %dma_start3A_9] : memref<160000x16xf32, #tpu.memory_space<hbm>> -> memref<5000x16xf32, #tpu.memory_space<hbm>>
      tpu.enqueue_dma source(%arg6 : memref<5000x16xf32, #tpu.memory_space<vmem>>) target(%dma_start3A_10 : memref<5000x16xf32, #tpu.memory_space<hbm>>) target_semaphore(%run_scoped3A : memref<!tpu.dma_semaphore, #tpu.memory_space<semaphore_mem>>)
      %dma_wait3A = arith.constant 0 : i32
      %dma_wait3A_11 = tpu.memref_slice %arg4[%mul3A_7, %dma_wait3A] : memref<160000x16xf32, #tpu.memory_space<hbm>> -> memref<5000x16xf32, #tpu.memory_space<hbm>>
      %dma_wait3A_12 = arith.constant 0 : i32
      %dma_wait3A_13 = tpu.memref_slice %arg4[%mul3A_7, %dma_wait3A_12] : memref<160000x16xf32, #tpu.memory_space<hbm>> -> memref<5000x16xf32, #tpu.memory_space<hbm>>
      tpu.wait_dma2 semaphore(%run_scoped3A : memref<!tpu.dma_semaphore, #tpu.memory_space<semaphore_mem>>) src(%arg6 : memref<5000x16xf32, #tpu.memory_space<vmem>>) dst(%dma_wait3A_13 : memref<5000x16xf32, #tpu.memory_space<hbm>>)
      tpu.yield
    }) : () -> ()
    return
  }
}

module attributes {stable_mosaic.version = 14 : i64} {
  func.func @_fc1_body(%arg0: memref<10000x128xf32, #tpu.memory_space<vmem>>, %arg1: memref<128x16xf32, #tpu.memory_space<vmem>>, %arg2: memref<1x16xf32, #tpu.memory_space<vmem>>, %arg3: memref<10000x16xf32, #tpu.memory_space<vmem>>) attributes {dimension_semantics = [], scalar_prefetch = 0 : i64, scratch_operands = 0 : i64, tpu.core_type = #tpu.core_type<tc>} {
    %get3A = arith.constant 0 : index
    %get3A_0 = arith.constant 0 : index
    %get3A_1 = vector.load %arg0[%get3A, %get3A_0] : memref<10000x128xf32, #tpu.memory_space<vmem>>, vector<10000x128xf32>
    %get3A_2 = arith.constant 0 : index
    %get3A_3 = arith.constant 0 : index
    %get3A_4 = vector.load %arg1[%get3A_2, %get3A_3] : memref<128x16xf32, #tpu.memory_space<vmem>>, vector<128x16xf32>
    %dot_general3A = arith.constant dense<0.000000e+00> : vector<10000x16xf32>
    %dot_general3A_5 = tpu.matmul %get3A_1, %get3A_4, %dot_general3A {dimension_numbers = #tpu.dot_dimension_numbers<[1], [0], [0], [1], [0, 0, 1, 1], [], []>, transpose_lhs_hint = false} : vector<10000x128xf32>, vector<128x16xf32>, vector<10000x16xf32> -> vector<10000x16xf32>
    %get3A_6 = arith.constant 0 : index
    %get3A_7 = arith.constant 0 : index
    %get3A_8 = vector.load %arg2[%get3A_6, %get3A_7] : memref<1x16xf32, #tpu.memory_space<vmem>>, vector<1x16xf32>
    %add3A = vector.broadcast %get3A_8 : vector<1x16xf32> to vector<10000x16xf32>
    %add3A_9 = arith.addf %dot_general3A_5, %add3A : vector<10000x16xf32>
    %swap3A = arith.constant 0 : index
    %swap3A_10 = arith.constant 0 : index
    %swap3A_11 = vector.load %arg3[%swap3A, %swap3A_10] : memref<10000x16xf32, #tpu.memory_space<vmem>>, vector<10000x16xf32>
    tpu.vector_store %arg3[%swap3A, %swap3A_10], %add3A_9 {strides = array<i32>} : memref<10000x16xf32, #tpu.memory_space<vmem>>, vector<10000x16xf32>,
    return
  }
}

module attributes {stable_mosaic.version = 14 : i64} {
  func.func @_edge_body(%arg0: i32, %arg1: memref<16x6400xf32, #tpu.memory_space<vmem>>, %arg2: memref<800x128xf32, #tpu.memory_space<vmem>>, %arg3: memref<16x64xf32, #tpu.memory_space<vmem>>, %arg4: memref<1x64xf32, #tpu.memory_space<vmem>>, %arg5: memref<64x128xf32, #tpu.memory_space<vmem>>, %arg6: memref<1x128xf32, #tpu.memory_space<vmem>>, %arg7: memref<128x256xf32, #tpu.memory_space<vmem>>, %arg8: memref<1x256xf32, #tpu.memory_space<vmem>>, %arg9: memref<16x256xf32, #tpu.memory_space<vmem>>, %arg10: memref<256x16xf32, #tpu.memory_space<vmem>>, %arg11: memref<800x128xf32, #tpu.memory_space<vmem>>) attributes {dimension_semantics = [#tpu.dimension_semantics<arbitrary>], iteration_bounds = array<i64: 25>, scalar_prefetch = 0 : i64, scratch_operands = 0 : i64, tpu.core_type = #tpu.core_type<tc>, window_params = [{transform_indices = @transform_0, window_bounds = array<i64: 16, 6400>}, {transform_indices = @transform_1, window_bounds = array<i64: 800, 128>}, {pipeline_mode = #tpu.pipeline_mode<synchronous>, transform_indices = @transform_2, window_bounds = array<i64: 16, 64>}, {pipeline_mode = #tpu.pipeline_mode<synchronous>, transform_indices = @transform_3, window_bounds = array<i64: 1, 64>}, {pipeline_mode = #tpu.pipeline_mode<synchronous>, transform_indices = @transform_4, window_bounds = array<i64: 64, 128>}, {pipeline_mode = #tpu.pipeline_mode<synchronous>, transform_indices = @transform_5, window_bounds = array<i64: 1, 128>}, {pipeline_mode = #tpu.pipeline_mode<synchronous>, transform_indices = @transform_6, window_bounds = array<i64: 128, 256>}, {pipeline_mode = #tpu.pipeline_mode<synchronous>, transform_indices = @transform_7, window_bounds = array<i64: 1, 256>}, {pipeline_mode = #tpu.pipeline_mode<synchronous>, transform_indices = @transform_8, window_bounds = array<i64: 16, 256>}, {pipeline_mode = #tpu.pipeline_mode<synchronous>, transform_indices = @transform_9, window_bounds = array<i64: 256, 16>}, {transform_indices = @transform_10, window_bounds = array<i64: 800, 128>}]} {
    %get3A = arith.constant 0 : index
    %get3A_0 = arith.constant 0 : index
    %get3A_1 = vector.load %arg2[%get3A, %get3A_0] : memref<800x128xf32, #tpu.memory_space<vmem>>, vector<800x128xf32>
    %slice3A = vector.extract_strided_slice %get3A_1 {offsets = [0, 0], sizes = [800, 16], strides = [1, 1]} : vector<800x128xf32> to vector<800x16xf32>
    %slice3A_2 = vector.extract_strided_slice %get3A_1 {offsets = [0, 16], sizes = [800, 16], strides = [1, 1]} : vector<800x128xf32> to vector<800x16xf32>
    %slice3A_3 = vector.extract_strided_slice %get3A_1 {offsets = [0, 32], sizes = [800, 16], strides = [1, 1]} : vector<800x128xf32> to vector<800x16xf32>
    %slice3A_4 = vector.extract_strided_slice %get3A_1 {offsets = [0, 48], sizes = [800, 16], strides = [1, 1]} : vector<800x128xf32> to vector<800x16xf32>
    %slice3A_5 = vector.extract_strided_slice %get3A_1 {offsets = [0, 64], sizes = [800, 16], strides = [1, 1]} : vector<800x128xf32> to vector<800x16xf32>
    %slice3A_6 = vector.extract_strided_slice %get3A_1 {offsets = [0, 80], sizes = [800, 16], strides = [1, 1]} : vector<800x128xf32> to vector<800x16xf32>
    %slice3A_7 = vector.extract_strided_slice %get3A_1 {offsets = [0, 96], sizes = [800, 16], strides = [1, 1]} : vector<800x128xf32> to vector<800x16xf32>
    %slice3A_8 = vector.extract_strided_slice %get3A_1 {offsets = [0, 112], sizes = [800, 16], strides = [1, 1]} : vector<800x128xf32> to vector<800x16xf32>
    %concatenate3A = tpu.concatenate %slice3A, %slice3A_2, %slice3A_3, %slice3A_4, %slice3A_5, %slice3A_6, %slice3A_7, %slice3A_8 in 0 : vector<800x16xf32>, vector<800x16xf32>, vector<800x16xf32>, vector<800x16xf32>, vector<800x16xf32>, vector<800x16xf32>, vector<800x16xf32>, vector<800x16xf32> -> vector<6400x16xf32>
    %get3A_9 = arith.constant 0 : index
    %get3A_10 = arith.constant 0 : index
    %get3A_11 = vector.load %arg1[%get3A_9, %get3A_10] : memref<16x6400xf32, #tpu.memory_space<vmem>>, vector<16x6400xf32>
    %convert_element_type3A = arith.truncf %get3A_11 : vector<16x6400xf32> to vector<16x6400xbf16>
    %get3A_12 = arith.constant 0 : index
    %get3A_13 = arith.constant 0 : index
    %get3A_14 = vector.load %arg3[%get3A_12, %get3A_13] : memref<16x64xf32, #tpu.memory_space<vmem>>, vector<16x64xf32>
    %convert_element_type3A_15 = arith.truncf %get3A_14 : vector<16x64xf32> to vector<16x64xbf16>
    %dot_general3A = arith.constant dense<0.000000e+00> : vector<6400x64xf32>
    %dot_general3A_16 = tpu.matmul %convert_element_type3A, %convert_element_type3A_15, %dot_general3A {dimension_numbers = #tpu.dot_dimension_numbers<[0], [0], [1], [1], [0, 1, 1, 1], [], []>, transpose_lhs_hint = false} : vector<16x6400xbf16>, vector<16x64xbf16>, vector<6400x64xf32> -> vector<6400x64xf32>
    %get3A_17 = arith.constant 0 : index
    %get3A_18 = arith.constant 0 : index
    %get3A_19 = vector.load %arg4[%get3A_17, %get3A_18] : memref<1x64xf32, #tpu.memory_space<vmem>>, vector<1x64xf32>
    %add3A = vector.broadcast %get3A_19 : vector<1x64xf32> to vector<6400x64xf32>
    %add3A_20 = arith.addf %dot_general3A_16, %add3A : vector<6400x64xf32>
    %max3A = arith.constant 0.000000e+00 : f32
    %max3A_21 = vector.broadcast %max3A : f32 to vector<6400x64xf32>
    %max3A_22 = arith.maximumf %add3A_20, %max3A_21 : vector<6400x64xf32>
    %convert_element_type3A_23 = arith.truncf %max3A_22 : vector<6400x64xf32> to vector<6400x64xbf16>
    %get3A_24 = arith.constant 0 : index
    %get3A_25 = arith.constant 0 : index
    %get3A_26 = vector.load %arg5[%get3A_24, %get3A_25] : memref<64x128xf32, #tpu.memory_space<vmem>>, vector<64x128xf32>
    %convert_element_type3A_27 = arith.truncf %get3A_26 : vector<64x128xf32> to vector<64x128xbf16>
    %dot_general3A_28 = arith.constant dense<0.000000e+00> : vector<6400x128xf32>
    %dot_general3A_29 = tpu.matmul %convert_element_type3A_23, %convert_element_type3A_27, %dot_general3A_28 {dimension_numbers = #tpu.dot_dimension_numbers<[1], [0], [0], [1], [0, 0, 1, 1], [], []>, transpose_lhs_hint = false} : vector<6400x64xbf16>, vector<64x128xbf16>, vector<6400x128xf32> -> vector<6400x128xf32>
    %get3A_30 = arith.constant 0 : index
    %get3A_31 = arith.constant 0 : index
    %get3A_32 = vector.load %arg6[%get3A_30, %get3A_31] : memref<1x128xf32, #tpu.memory_space<vmem>>, vector<1x128xf32>
    %add3A_33 = vector.broadcast %get3A_32 : vector<1x128xf32> to vector<6400x128xf32>
    %add3A_34 = arith.addf %dot_general3A_29, %add3A_33 : vector<6400x128xf32>
    %max3A_35 = arith.constant 0.000000e+00 : f32
    %max3A_36 = vector.broadcast %max3A_35 : f32 to vector<6400x128xf32>
    %max3A_37 = arith.maximumf %add3A_34, %max3A_36 : vector<6400x128xf32>
    %convert_element_type3A_38 = arith.truncf %max3A_37 : vector<6400x128xf32> to vector<6400x128xbf16>
    %get3A_39 = arith.constant 0 : index
    %get3A_40 = arith.constant 0 : index
    %get3A_41 = vector.load %arg7[%get3A_39, %get3A_40] : memref<128x256xf32, #tpu.memory_space<vmem>>, vector<128x256xf32>
    %convert_element_type3A_42 = arith.truncf %get3A_41 : vector<128x256xf32> to vector<128x256xbf16>
    %dot_general3A_43 = arith.constant dense<0.000000e+00> : vector<6400x256xf32>
    %dot_general3A_44 = tpu.matmul %convert_element_type3A_38, %convert_element_type3A_42, %dot_general3A_43 {dimension_numbers = #tpu.dot_dimension_numbers<[1], [0], [0], [1], [0, 0, 1, 1], [], []>, transpose_lhs_hint = false} : vector<6400x128xbf16>, vector<128x256xbf16>, vector<6400x256xf32> -> vector<6400x256xf32>
    %get3A_45 = arith.constant 0 : index
    %get3A_46 = arith.constant 0 : index
    %get3A_47 = vector.load %arg8[%get3A_45, %get3A_46] : memref<1x256xf32, #tpu.memory_space<vmem>>, vector<1x256xf32>
    %add3A_48 = vector.broadcast %get3A_47 : vector<1x256xf32> to vector<6400x256xf32>
    %add3A_49 = arith.addf %dot_general3A_44, %add3A_48 : vector<6400x256xf32>
    %convert_element_type3A_50 = arith.truncf %concatenate3A : vector<6400x16xf32> to vector<6400x16xbf16>
    %get3A_51 = arith.constant 0 : index
    %get3A_52 = arith.constant 0 : index
    %get3A_53 = vector.load %arg9[%get3A_51, %get3A_52] : memref<16x256xf32, #tpu.memory_space<vmem>>, vector<16x256xf32>
    %convert_element_type3A_54 = arith.truncf %get3A_53 : vector<16x256xf32> to vector<16x256xbf16>
    %dot_general3A_55 = arith.constant dense<0.000000e+00> : vector<6400x256xf32>
    %dot_general3A_56 = tpu.matmul %convert_element_type3A_50, %convert_element_type3A_54, %dot_general3A_55 {dimension_numbers = #tpu.dot_dimension_numbers<[1], [0], [0], [1], [0, 0, 1, 1], [], []>, transpose_lhs_hint = false} : vector<6400x16xbf16>, vector<16x256xbf16>, vector<6400x256xf32> -> vector<6400x256xf32>
    %mul3A = arith.mulf %add3A_49, %dot_general3A_56 : vector<6400x256xf32>
    %convert_element_type3A_57 = arith.truncf %mul3A : vector<6400x256xf32> to vector<6400x256xbf16>
    %get3A_58 = arith.constant 0 : index
    %get3A_59 = arith.constant 0 : index
    %get3A_60 = vector.load %arg10[%get3A_58, %get3A_59] : memref<256x16xf32, #tpu.memory_space<vmem>>, vector<256x16xf32>
    %convert_element_type3A_61 = arith.truncf %get3A_60 : vector<256x16xf32> to vector<256x16xbf16>
    %dot_general3A_62 = arith.constant dense<0.000000e+00> : vector<6400x16xf32>
    %dot_general3A_63 = tpu.matmul %convert_element_type3A_57, %convert_element_type3A_61, %dot_general3A_62 {dimension_numbers = #tpu.dot_dimension_numbers<[1], [0], [0], [1], [0, 0, 1, 1], [], []>, transpose_lhs_hint = false} : vector<6400x256xbf16>, vector<256x16xbf16>, vector<6400x16xf32> -> vector<6400x16xf32>
    %slice3A_64 = vector.extract_strided_slice %dot_general3A_63 {offsets = [0, 0], sizes = [800, 16], strides = [1, 1]} : vector<6400x16xf32> to vector<800x16xf32>
    %slice3A_65 = vector.extract_strided_slice %dot_general3A_63 {offsets = [800, 0], sizes = [800, 16], strides = [1, 1]} : vector<6400x16xf32> to vector<800x16xf32>
    %slice3A_66 = vector.extract_strided_slice %dot_general3A_63 {offsets = [1600, 0], sizes = [800, 16], strides = [1, 1]} : vector<6400x16xf32> to vector<800x16xf32>
    %slice3A_67 = vector.extract_strided_slice %dot_general3A_63 {offsets = [2400, 0], sizes = [800, 16], strides = [1, 1]} : vector<6400x16xf32> to vector<800x16xf32>
    %slice3A_68 = vector.extract_strided_slice %dot_general3A_63 {offsets = [3200, 0], sizes = [800, 16], strides = [1, 1]} : vector<6400x16xf32> to vector<800x16xf32>
    %slice3A_69 = vector.extract_strided_slice %dot_general3A_63 {offsets = [4000, 0], sizes = [800, 16], strides = [1, 1]} : vector<6400x16xf32> to vector<800x16xf32>
    %slice3A_70 = vector.extract_strided_slice %dot_general3A_63 {offsets = [4800, 0], sizes = [800, 16], strides = [1, 1]} : vector<6400x16xf32> to vector<800x16xf32>
    %slice3A_71 = vector.extract_strided_slice %dot_general3A_63 {offsets = [5600, 0], sizes = [800, 16], strides = [1, 1]} : vector<6400x16xf32> to vector<800x16xf32>
    %concatenate3A_72 = tpu.concatenate %slice3A_64, %slice3A_65, %slice3A_66, %slice3A_67, %slice3A_68, %slice3A_69, %slice3A_70, %slice3A_71 in 1 : vector<800x16xf32>, vector<800x16xf32>, vector<800x16xf32>, vector<800x16xf32>, vector<800x16xf32>, vector<800x16xf32>, vector<800x16xf32>, vector<800x16xf32> -> vector<800x128xf32>
    %swap3A = arith.constant 0 : index
    %swap3A_73 = arith.constant 0 : index
    %swap3A_74 = vector.load %arg11[%swap3A, %swap3A_73] : memref<800x128xf32, #tpu.memory_space<vmem>>, vector<800x128xf32>
    tpu.vector_store %arg11[%swap3A, %swap3A_73], %concatenate3A_72 {strides = array<i32>} : memref<800x128xf32, #tpu.memory_space<vmem>>, vector<800x128xf32>,
    return
  }
  func.func @transform_0(%arg0: i32) -> (i32, i32) {
    %c0_i32 = arith.constant 0 : i32
    %c0_i32_0 = arith.constant 0 : i32
    return %c0_i32, %arg0 : i32, i32
  }
  func.func @transform_1(%arg0: i32) -> (i32, i32) {
    %c0_i32 = arith.constant 0 : i32
    %c0_i32_0 = arith.constant 0 : i32
    return %arg0, %c0_i32 : i32, i32
  }
  func.func @transform_2(%arg0: i32) -> (i32, i32) {
    %c0_i32 = arith.constant 0 : i32
    %c0_i32_0 = arith.constant 0 : i32
    %c0_i32_1 = arith.constant 0 : i32
    return %c0_i32, %c0_i32_0 : i32, i32
  }
  func.func @transform_3(%arg0: i32) -> (i32, i32) {
    %c0_i32 = arith.constant 0 : i32
    %c0_i32_0 = arith.constant 0 : i32
    %c0_i32_1 = arith.constant 0 : i32
    return %c0_i32, %c0_i32_0 : i32, i32
  }
  func.func @transform_4(%arg0: i32) -> (i32, i32) {
    %c0_i32 = arith.constant 0 : i32
    %c0_i32_0 = arith.constant 0 : i32
    %c0_i32_1 = arith.constant 0 : i32
    return %c0_i32, %c0_i32_0 : i32, i32
  }
  func.func @transform_5(%arg0: i32) -> (i32, i32) {
    %c0_i32 = arith.constant 0 : i32
    %c0_i32_0 = arith.constant 0 : i32
    %c0_i32_1 = arith.constant 0 : i32
    return %c0_i32, %c0_i32_0 : i32, i32
  }
  func.func @transform_6(%arg0: i32) -> (i32, i32) {
    %c0_i32 = arith.constant 0 : i32
    %c0_i32_0 = arith.constant 0 : i32
    %c0_i32_1 = arith.constant 0 : i32
    return %c0_i32, %c0_i32_0 : i32, i32
  }
  func.func @transform_7(%arg0: i32) -> (i32, i32) {
    %c0_i32 = arith.constant 0 : i32
    %c0_i32_0 = arith.constant 0 : i32
    %c0_i32_1 = arith.constant 0 : i32
    return %c0_i32, %c0_i32_0 : i32, i32
  }
  func.func @transform_8(%arg0: i32) -> (i32, i32) {
    %c0_i32 = arith.constant 0 : i32
    %c0_i32_0 = arith.constant 0 : i32
    %c0_i32_1 = arith.constant 0 : i32
    return %c0_i32, %c0_i32_0 : i32, i32
  }
  func.func @transform_9(%arg0: i32) -> (i32, i32) {
    %c0_i32 = arith.constant 0 : i32
    %c0_i32_0 = arith.constant 0 : i32
    %c0_i32_1 = arith.constant 0 : i32
    return %c0_i32, %c0_i32_0 : i32, i32
  }
  func.func @transform_10(%arg0: i32) -> (i32, i32) {
    %c0_i32 = arith.constant 0 : i32
    %c0_i32_0 = arith.constant 0 : i32
    return %arg0, %c0_i32 : i32, i32
  }
}

module attributes {stable_mosaic.version = 14 : i64} {
  func.func @_update_body(%arg0: memref<10000x16xf32, #tpu.memory_space<vmem>>, %arg1: memref<10000x16xf32, #tpu.memory_space<vmem>>, %arg2: memref<10000x16xf32, #tpu.memory_space<vmem>>, %arg3: memref<10000x16xf32, #tpu.memory_space<vmem>>, %arg4: memref<10000x16xf32, #tpu.memory_space<vmem>>, %arg5: memref<16x16xf32, #tpu.memory_space<vmem>>, %arg6: memref<1x16xf32, #tpu.memory_space<vmem>>, %arg7: memref<10000x16xf32, #tpu.memory_space<vmem>>) attributes {dimension_semantics = [], scalar_prefetch = 0 : i64, scratch_operands = 0 : i64, tpu.core_type = #tpu.core_type<tc>} {
    %get3A = arith.constant 0 : index
    %get3A_0 = arith.constant 0 : index
    %get3A_1 = vector.load %arg2[%get3A, %get3A_0] : memref<10000x16xf32, #tpu.memory_space<vmem>>, vector<10000x1xf32>
    %get3A_2 = arith.constant 0 : index
    %get3A_3 = arith.constant 0 : index
    %get3A_4 = vector.load %arg3[%get3A_2, %get3A_3] : memref<10000x16xf32, #tpu.memory_space<vmem>>, vector<10000x1xf32>
    %add3A = arith.addf %get3A_1, %get3A_4 : vector<10000x1xf32>
    %max3A = arith.constant 1.000000e+00 : f32
    %max3A_5 = vector.broadcast %max3A : f32 to vector<10000x1xf32>
    %max3A_6 = arith.maximumf %add3A, %max3A_5 : vector<10000x1xf32>
    %get3A_7 = arith.constant 0 : index
    %get3A_8 = arith.constant 0 : index
    %get3A_9 = vector.load %arg0[%get3A_7, %get3A_8] : memref<10000x16xf32, #tpu.memory_space<vmem>>, vector<10000x16xf32>
    %get3A_10 = arith.constant 0 : index
    %get3A_11 = arith.constant 0 : index
    %get3A_12 = vector.load %arg1[%get3A_10, %get3A_11] : memref<10000x16xf32, #tpu.memory_space<vmem>>, vector<10000x16xf32>
    %add3A_13 = arith.addf %get3A_9, %get3A_12 : vector<10000x16xf32>
    %div3A = vector.broadcast %max3A_6 : vector<10000x1xf32> to vector<10000x16xf32>
    %div3A_14 = arith.divf %add3A_13, %div3A : vector<10000x16xf32>
    %get3A_15 = arith.constant 0 : index
    %get3A_16 = arith.constant 0 : index
    %get3A_17 = vector.load %arg4[%get3A_15, %get3A_16] : memref<10000x16xf32, #tpu.memory_space<vmem>>, vector<10000x16xf32>
    %get3A_18 = arith.constant 0 : index
    %get3A_19 = arith.constant 0 : index
    %get3A_20 = vector.load %arg5[%get3A_18, %get3A_19] : memref<16x16xf32, #tpu.memory_space<vmem>>, vector<16x16xf32>
    %dot_general3A = arith.constant dense<0.000000e+00> : vector<10000x16xf32>
    %dot_general3A_21 = tpu.matmul %get3A_17, %get3A_20, %dot_general3A {dimension_numbers = #tpu.dot_dimension_numbers<[1], [0], [0], [1], [0, 0, 1, 1], [], []>, transpose_lhs_hint = false} : vector<10000x16xf32>, vector<16x16xf32>, vector<10000x16xf32> -> vector<10000x16xf32>
    %add3A_22 = arith.addf %div3A_14, %dot_general3A_21 : vector<10000x16xf32>
    %get3A_23 = arith.constant 0 : index
    %get3A_24 = arith.constant 0 : index
    %get3A_25 = vector.load %arg6[%get3A_23, %get3A_24] : memref<1x16xf32, #tpu.memory_space<vmem>>, vector<1x16xf32>
    %add3A_26 = vector.broadcast %get3A_25 : vector<1x16xf32> to vector<10000x16xf32>
    %add3A_27 = arith.addf %add3A_22, %add3A_26 : vector<10000x16xf32>
    %max3A_28 = arith.constant 0.000000e+00 : f32
    %max3A_29 = vector.broadcast %max3A_28 : f32 to vector<10000x16xf32>
    %max3A_30 = arith.maximumf %add3A_27, %max3A_29 : vector<10000x16xf32>
    %swap3A = arith.constant 0 : index
    %swap3A_31 = arith.constant 0 : index
    %swap3A_32 = vector.load %arg7[%swap3A, %swap3A_31] : memref<10000x16xf32, #tpu.memory_space<vmem>>, vector<10000x16xf32>
    tpu.vector_store %arg7[%swap3A, %swap3A_31], %max3A_30 {strides = array<i32>} : memref<10000x16xf32, #tpu.memory_space<vmem>>, vector<10000x16xf32>,
    return
  }
}

module attributes {stable_mosaic.version = 14 : i64} {
  func.func @_updfc2_body(%arg0: memref<10000x16xf32, #tpu.memory_space<vmem>>, %arg1: memref<10000x16xf32, #tpu.memory_space<vmem>>, %arg2: memref<10000x16xf32, #tpu.memory_space<vmem>>, %arg3: memref<10000x16xf32, #tpu.memory_space<vmem>>, %arg4: memref<10000x16xf32, #tpu.memory_space<vmem>>, %arg5: memref<16x16xf32, #tpu.memory_space<vmem>>, %arg6: memref<1x16xf32, #tpu.memory_space<vmem>>, %arg7: memref<16x1xf32, #tpu.memory_space<vmem>>, %arg8: memref<1x1xf32, #tpu.memory_space<vmem>>, %arg9: memref<10000x1xf32, #tpu.memory_space<vmem>>) attributes {dimension_semantics = [], scalar_prefetch = 0 : i64, scratch_operands = 0 : i64, tpu.core_type = #tpu.core_type<tc>} {
    %get3A = arith.constant 0 : index
    %get3A_0 = arith.constant 0 : index
    %get3A_1 = vector.load %arg2[%get3A, %get3A_0] : memref<10000x16xf32, #tpu.memory_space<vmem>>, vector<10000x1xf32>
    %get3A_2 = arith.constant 0 : index
    %get3A_3 = arith.constant 0 : index
    %get3A_4 = vector.load %arg3[%get3A_2, %get3A_3] : memref<10000x16xf32, #tpu.memory_space<vmem>>, vector<10000x1xf32>
    %add3A = arith.addf %get3A_1, %get3A_4 : vector<10000x1xf32>
    %max3A = arith.constant 1.000000e+00 : f32
    %max3A_5 = vector.broadcast %max3A : f32 to vector<10000x1xf32>
    %max3A_6 = arith.maximumf %add3A, %max3A_5 : vector<10000x1xf32>
    %get3A_7 = arith.constant 0 : index
    %get3A_8 = arith.constant 0 : index
    %get3A_9 = vector.load %arg0[%get3A_7, %get3A_8] : memref<10000x16xf32, #tpu.memory_space<vmem>>, vector<10000x16xf32>
    %get3A_10 = arith.constant 0 : index
    %get3A_11 = arith.constant 0 : index
    %get3A_12 = vector.load %arg1[%get3A_10, %get3A_11] : memref<10000x16xf32, #tpu.memory_space<vmem>>, vector<10000x16xf32>
    %add3A_13 = arith.addf %get3A_9, %get3A_12 : vector<10000x16xf32>
    %div3A = vector.broadcast %max3A_6 : vector<10000x1xf32> to vector<10000x16xf32>
    %div3A_14 = arith.divf %add3A_13, %div3A : vector<10000x16xf32>
    %get3A_15 = arith.constant 0 : index
    %get3A_16 = arith.constant 0 : index
    %get3A_17 = vector.load %arg4[%get3A_15, %get3A_16] : memref<10000x16xf32, #tpu.memory_space<vmem>>, vector<10000x16xf32>
    %get3A_18 = arith.constant 0 : index
    %get3A_19 = arith.constant 0 : index
    %get3A_20 = vector.load %arg5[%get3A_18, %get3A_19] : memref<16x16xf32, #tpu.memory_space<vmem>>, vector<16x16xf32>
    %dot_general3A = arith.constant dense<0.000000e+00> : vector<10000x16xf32>
    %dot_general3A_21 = tpu.matmul %get3A_17, %get3A_20, %dot_general3A {dimension_numbers = #tpu.dot_dimension_numbers<[1], [0], [0], [1], [0, 0, 1, 1], [], []>, transpose_lhs_hint = false} : vector<10000x16xf32>, vector<16x16xf32>, vector<10000x16xf32> -> vector<10000x16xf32>
    %add3A_22 = arith.addf %div3A_14, %dot_general3A_21 : vector<10000x16xf32>
    %get3A_23 = arith.constant 0 : index
    %get3A_24 = arith.constant 0 : index
    %get3A_25 = vector.load %arg6[%get3A_23, %get3A_24] : memref<1x16xf32, #tpu.memory_space<vmem>>, vector<1x16xf32>
    %add3A_26 = vector.broadcast %get3A_25 : vector<1x16xf32> to vector<10000x16xf32>
    %add3A_27 = arith.addf %add3A_22, %add3A_26 : vector<10000x16xf32>
    %max3A_28 = arith.constant 0.000000e+00 : f32
    %max3A_29 = vector.broadcast %max3A_28 : f32 to vector<10000x16xf32>
    %max3A_30 = arith.maximumf %add3A_27, %max3A_29 : vector<10000x16xf32>
    %get3A_31 = arith.constant 0 : index
    %get3A_32 = arith.constant 0 : index
    %get3A_33 = vector.load %arg7[%get3A_31, %get3A_32] : memref<16x1xf32, #tpu.memory_space<vmem>>, vector<16x1xf32>
    %dot_general3A_34 = arith.constant dense<0.000000e+00> : vector<10000x1xf32>
    %dot_general3A_35 = tpu.matmul %max3A_30, %get3A_33, %dot_general3A_34 {dimension_numbers = #tpu.dot_dimension_numbers<[1], [0], [0], [1], [0, 0, 1, 1], [], []>, transpose_lhs_hint = false} : vector<10000x16xf32>, vector<16x1xf32>, vector<10000x1xf32> -> vector<10000x1xf32>
    %get3A_36 = arith.constant 0 : index
    %get3A_37 = arith.constant 0 : index
    %get3A_38 = vector.load %arg8[%get3A_36, %get3A_37] : memref<1x1xf32, #tpu.memory_space<vmem>>, vector<1x1xf32>
    %add3A_39 = vector.broadcast %get3A_38 : vector<1x1xf32> to vector<10000x1xf32>
    %add3A_40 = arith.addf %dot_general3A_35, %add3A_39 : vector<10000x1xf32>
    %swap3A = arith.constant 0 : index
    %swap3A_41 = arith.constant 0 : index
    %swap3A_42 = vector.load %arg9[%swap3A, %swap3A_41] : memref<10000x1xf32, #tpu.memory_space<vmem>>, vector<10000x1xf32>
    tpu.vector_store %arg9[%swap3A, %swap3A_41], %add3A_40 {strides = array<i32>} : memref<10000x1xf32, #tpu.memory_space<vmem>>, vector<10000x1xf32>,
    return
  }
}

</mosaic_0001>

<sc_bundles>
// kernel: kernel.11.cloned.1.call-start
scs
__scs_entry_jumppad:
0x0: {  	(pc) =	sbr.rel $0x88, $3  }
0x1: {  	(tag) =	ssettag $0x0;
	lr =	simm.s32 $0x1  }
0x2: {  	[smem:$0x3F92] =	sst lr;
	_ =	strace $0xD0000000  }
0x3: {  	_ = 	snop  }
0x4: {  	_ = 	snop  }
0x5: {  	_ = 	snop  }
0x6: {  	_ = 	snop  }
0x7: {  	_ = 	snop  }
__scs_overlays_trampoline_lowered:
0x8: {  	[smem:$0x3FA1] =	sst s0  }
0x9: {  	[smem:$0x3FA2] =	sst s1  }
0xa: {  	[smem:$0x3FA3] =	sst s2  }
0xb: {  	[smem:$0x3FA4] =	sst s3  }
0xc: {  	[smem:$0x3FA5] =	sst s4  }
0xd: {  	[smem:$0x3FA6] =	sst s5  }
0xe: {  	[smem:$0x3FA7] =	sst s6  }
0xf: {  	[smem:$0x3FA8] =	sst s7  }
0x10: {  	[smem:$0x3FA9] =	sst s8  }
0x11: {  	[smem:$0x3FAA] =	sst s9;
	s0 =	simm.s32 @!p0 $0x0  }
0x12: {  	s1 =	sld [smem:$0x3F90];
	s0 =	simm.s32 @p0 $0x1  }
0x13: {  	[smem:$0x3FAB] =	sst s0;
	s0 =	simm.s32 @!p1 $0x0  }
0x14: {  	s2 =	sld [smem:$0x3F8F];
	s0 =	simm.s32 @p1 $0x1  }
0x15: {  	[smem:$0x3FAC] =	sst s0;
	s0 =	simm.s32 @!p2 $0x0  }
0x16: {  	s3 =	sld [smem:$0x3FDB];
	s0 =	simm.s32 @p2 $0x1  }
0x17: {  	s4 =	simm.s32 $0x1BF5;
	[smem:$0x3FAE] =	sst s0  }
0x18: {  	s0 =	sld [smem:$0x3F91];
	_ =	swait.ge [sflag:s4], $0x0  }
0x19: {  	s7 =	sld [smem:$0x3F92]  }
0x1a: {  	s8 =	sadd.s32 $0xFFFFE003, lr  }
0x1b: {  	s9 =	sadd.s32 $0xFFFFFEF7, lr;
	s5 =	simm.s32 $0xFFFFFFFF;
	p2 =	slt.u32 s8, $0xFFFFF086  }
0x1c: {  	p1 =	slt.u32 s9, $0xF7A;
	s5 =	simm.s32 @!p2 $0x0  }
0x1d: {  	s5 =	simm.s32 @p1 $0x1;
	p0 =	seq.s32 s7, s2  }
0x1e: {  	s7 =	smul.u32 @!p0 $0xF7A, s2;
	p2 =	seq.s32 @!p0 s5, $0x0  }
0x1f: {  	s9 =	smul.u32 $0xF7A, s1;
	s8 =	simm.s32 @!p0 $0x1BF5;
	p2 =	por !p2, p0  }
0x20: {  	[sflag:s8] =	ssyncset.s32 @!p0 $0xFFFFF086;
	s6 =	sadd.s32 @!p0 s3, s7;
	s7 =	simm.s32 @!p0 $0x108  }
0x21: {  	s3 =	sadd.s32 s3, s9;
	s6 =	sadd.s32 @!p0 $0x88, s6;
	s7 =	simm.s32 @p2 $0x1082  }
0x22: {  	[simem:s7], [sflag:s8] =	dma.local @!p0 [hbm:s6], $0xF7A  }
0x23: {  	s9 =	sor.u32 $0xD0000000, s2;
	s6 =	simm.s32 $0x108;
	_ =	swait.ge @!p0 [sflag:s8], $0x0  }
0x24: {  	s3 =	sadd.s32 $0x88, s3;
	s6 =	simm.s32 @!p1 $0x1082;
	[sflag:s4] =	ssyncset.s32 $0xFFFFF086  }
0x25: {  	[simem:s6], [sflag:s4] =	dma.local [hbm:s3], $0xF7A  }
0x26: {  	[smem:$0x3F92] =	sst s1;
	(tag) =	ssettag s2;
	_ =	strace s9  }
0x27: {  	s1 =	sld [smem:$0x3FA2]  }
0x28: {  	s2 =	sld [smem:$0x3FA3]  }
0x29: {  	s4 =	sld [smem:$0x3FA5]  }
0x2a: {  	p0 =	seq.s32 s5, $0x0;
	s5 =	sld [smem:$0x3FA6]  }
0x2b: {  	s6 =	sld [smem:$0x3FA7]  }
0x2c: {  	s7 =	sld [smem:$0x3FA8]  }
0x2d: {  	s3 =	simm.s32 $0x108;
	s8 =	sld [smem:$0x3FA9]  }
0x2e: {  	s3 =	simm.s32 @!p0 $0x1082;
	s9 =	sld [smem:$0x3FAA]  }
0x2f: {  	lr =	sadd.s32 s0, s3;
	s0 =	sld [smem:$0x3FA1]  }
0x30: {  	s3 =	sld [smem:$0x3FA4]  }
0x31: {  	[smem:$0x3FAD] =	sst s10  }
0x32: {  	s10 =	sld [smem:$0x3FAB];
	_ =	sdelay $0x3  }
0x33: {  	p0 =	seq.s32 s10, $0x1;
	s10 =	sld [smem:$0x3FAD];
	_ =	sdelay $0x3  }
0x34: {  	[smem:$0x3FAD] =	sst s10  }
0x35: {  	s10 =	sld [smem:$0x3FAC];
	_ =	sdelay $0x3  }
0x36: {  	p1 =	seq.s32 s10, $0x1;
	s10 =	sld [smem:$0x3FAD];
	_ =	sdelay $0x3  }
0x37: {  	[smem:$0x3FAD] =	sst s10  }
0x38: {  	s10 =	sld [smem:$0x3FAE]  }
0x39: {  	_ = 	snop;
	(pc) =	sbr.ind lr, $3  }
0x3a: {  	_ = 	snop  }
0x3b: {  	_ = 	snop  }
0x3c: {  	p2 =	seq.s32 s10, $0x1;
	s10 =	sld [smem:$0x3FAD]  }
0x3d: {  	_ =	shalt  }
0x3e: {  	_ =	shalt  }
0x3f: {  	_ =	shalt  }
0x40: {  	_ =	shalt  }
0x41: {  	_ =	shalt  }
0x42: {  	_ =	shalt  }
0x43: {  	_ =	shalt  }
0x44: {  	_ =	shalt  }
0x45: {  	_ =	shalt  }
0x46: {  	_ =	shalt  }
0x47: {  	_ =	shalt  }
0x48: {  	_ =	shalt  }
0x49: {  	_ =	shalt  }
0x4a: {  	_ =	shalt  }
0x4b: {  	_ =	shalt  }
0x4c: {  	_ =	shalt  }
0x4d: {  	_ =	shalt  }
0x4e: {  	_ =	shalt  }
0x4f: {  	_ =	shalt  }
0x50: {  	_ =	shalt  }
0x51: {  	_ =	shalt  }
0x52: {  	_ =	shalt  }
0x53: {  	_ =	shalt  }
0x54: {  	_ =	shalt  }
0x55: {  	_ =	shalt  }
0x56: {  	_ =	shalt  }
0x57: {  	_ =	shalt  }
0x58: {  	_ =	shalt  }
0x59: {  	_ =	shalt  }
0x5a: {  	_ =	shalt  }
0x5b: {  	_ =	shalt  }
0x5c: {  	_ =	shalt  }
0x5d: {  	_ =	shalt  }
0x5e: {  	_ =	shalt  }
0x5f: {  	_ =	shalt  }
0x60: {  	_ =	shalt  }
0x61: {  	_ =	shalt  }
0x62: {  	_ =	shalt  }
0x63: {  	_ =	shalt  }
0x64: {  	_ =	shalt  }
0x65: {  	_ =	shalt  }
0x66: {  	_ =	shalt  }
0x67: {  	_ =	shalt  }
0x68: {  	_ =	shalt  }
0x69: {  	_ =	shalt  }
0x6a: {  	_ =	shalt  }
0x6b: {  	_ =	shalt  }
0x6c: {  	_ =	shalt  }
0x6d: {  	_ =	shalt  }
0x6e: {  	_ =	shalt  }
0x6f: {  	_ =	shalt  }
0x70: {  	_ =	shalt  }
0x71: {  	_ =	shalt  }
0x72: {  	_ =	shalt  }
0x73: {  	_ =	shalt  }
0x74: {  	_ =	shalt  }
0x75: {  	_ =	shalt  }
0x76: {  	_ =	shalt  }
0x77: {  	_ =	shalt  }
0x78: {  	_ =	shalt  }
0x79: {  	_ =	shalt  }
0x7a: {  	_ =	shalt  }
0x7b: {  	_ =	shalt  }
0x7c: {  	_ =	shalt  }
0x7d: {  	_ =	shalt  }
0x7e: {  	_ =	shalt  }
0x7f: {  	_ =	shalt  }
0x80: {  	_ =	shalt  }
0x81: {  	_ =	shalt  }
0x82: {  	_ =	shalt  }
0x83: {  	_ =	shalt  }
0x84: {  	_ =	shalt  }
0x85: {  	_ =	shalt  }
0x86: {  	_ =	shalt  }
0x87: {  	_ =	shalt  }
.Lfunc_end0:
.L_simem_size_0:
called_computation_lowered:
.L_overlay_start_0:
0x88: {  	s2 =	sld [smem:$0x3FD9]  }
0x89: {  	s3 =	sld [smem:$0x3FFE];
	_ =	sdelay $0x1  }
0x8a: {  	s1 =	srdreg.scid  }
0x8b: {  	s0 =	sand.u32 $0x1, s1  }
0x8c: {  	s16 =	sshll.u32 s0, $0xA;
	s2 =	sadd.s32 s3, s2  }
0x8d: {  	s2 =	sadd.s32 s2, s16  }
0x8e: {  	[smem:$0x3FB9] =	sst s2  }
0x8f: {  	_ = 	snop  }
0x90: {  	(tm) =	ssettm $0x1  }
0x91: {  	s17 =	sld [smem:$0x3FFB];
	_ =	sdelay $0x3  }
0x92: {  	_ =	strace s17  }
0x93: {  	s2 =	sld [smem:$0x3FFC];
	_ =	sdelay $0x3  }
0x94: {  	_ =	strace s2  }
0x95: {  	s2 =	sld [smem:$0x3FFD];
	_ =	sdelay $0x3  }
0x96: {  	_ =	strace s2  }
0x97: {  	_ =	strace $0x8FFFFFFF  }
0x98: {  	s18 =	sld [smem:$0x3FDB];
	_ =	sdelay $0x1  }
0x99: {  	s19 =	simm.s32 $_scs_section_size  }
0x9a: {  	s4 =	simm.s32 $_size__tile_overlayer_lowered;
	s5 =	simm.s32 $_tile_overlayer_lowered  }
0x9b: {  	s22 =	simm.s32 $0x1BFF;
	s21 =	sshll.u32 s5, $0x1;
	s2 =	sadd.s32 s19, s18  }
0x9c: {  	s6 =	simm.s32 $0x0;
	s20 =	sshll.u32 s4, $0x1;
	s4 =	sadd.s32 s21, s2  }
0x9d: {  	[timem:s6], [sflag:s22] =	dma.local [hbm:s4], s20  }
0x9e: {  	_ =	swait.ge [sflag:s22], s20  }
0x9f: {  	s3 =	ssub.s32 $0x0, s20;
	[sflag:s22] =	ssyncset.done $0x0  }
0xa0: {  	[sflag:s22] =	ssyncadd.s32 s3;
	_ =	sdelay $0x1  }
0xa1: {  	s23 =	simm.s32 $0x1B8B  }
0xa2: {  	_ =	swait.ge [sflag:s23], $0x1  }
0xa3: {  	[sflag:s23] =	ssyncset.done $0x0  }
0xa4: {  	s25 =	simm.s32 $0x1B8E;
	s24 =	sld [smem:$0x3FFE];
	[sflag:s23] =	ssyncadd.s32 $0xFFFFFFFF  }
0xa5: {  	s26 =	simm.s32 $execute0_lowered;
	[smem:$0x3FD2] =	sst s25  }
0xa6: {  	s4 =	sshll.u32 s26, $0x1;
	_ =	strace $0x80000046;
	[dreg:$0x1] =	wrdreg $0xFFFFFFFF  }
0xa7: {  	s28 =	simm.s32 $_size_execute0_lowered;
	s2 =	sadd.s32 s2, s4;
	[dreg:$0x0] =	wrdreg $0x0  }
0xa8: {  	s4 =	sshll.u32 s28, $0x1;
	[dreg:$0x2] =	wrdreg s2  }
0xa9: {  	[dreg:$0x3] =	wrdreg s4  }
0xaa: {  	[dreg:$0x4] =	wrdreg $0xC0  }
0xab: {  	_ =	task [dreg:s6], $0x5FFFF  }
0xac: {  	[dreg:$0x1] =	wrdreg $0xFFFFFFFF  }
0xad: {  	[dreg:$0x0] =	wrdreg $0x60  }
0xae: {  	[dreg:$0x2] =	wrdreg s24  }
0xaf: {  	[dreg:$0x3] =	wrdreg $0x9  }
0xb0: {  	_ =	task.clear_ibuf [dreg:s6], $0x4FFFF;
	_ =	strace $0x90000046  }
0xb1: {  	s29 =	simm.s32 $0x9;
	_ =	strace $0x80000048  }
0xb2: {  	_ =	swait.ge [sflag:s29], $0x1  }
0xb3: {  	[sflag:s29] =	ssyncadd.s32 $0xFFFFFFFF  }
0xb4: {  	_ =	strace $0x90000048  }
0xb5: {  	_ =	sfence  }
0xb6: {  	s30 =	sld [smem:$0x0];
	_ =	sdelay $0x2  }
0xb7: {  	s31 =	sshll.u32 s1, $0xD;
	s1 =	sshrl.u32 s1, $0x2  }
0xb8: {  	s3 =	sand.u32 $0x4000, s31;
	s1 =	sadd.s32 s1, s30  }
0xb9: {  	s0 =	sor.u32 s3, s0;
	s1 =	sshll.u32 s1, $0x11  }
0xba: {  	s0 =	sor.u32 s1, s0  }
0xbb: {  	s0 =	sadd.s32 $0x8F2B, s0  }
0xbc: {  	[sflag:s0] =	ssyncadd.remote.s32 $0x1  }
0xbd: {  	_ =	sfence.sel $0xFFFF  }
0xbe: {  	[dreg:$0x0] =	wrdreg $0xFFFFFFFF;
	(pc) =	sbr.abs _section_cstart, $3  }
0xbf: {  	[dreg:$0x1] =	wrdreg $0xFFFFFFFF  }
0xc0: {  	_ =	task.clear_ibuf [dreg:s6], $0x2FFFF;
	_ =	strace $0x9FFFFFFF  }
0xc1: {  	(tm) =	ssettm $0x7FFFFFFF  }
tec
execute0_lowered:
.L_overlay_start_1:
0x0: {  	(tag) =	ssettag $0x1  }
0x1: {  	s1 =	srdreg.scid;
	s0 =	stileid.u32  }
0x2: {  	s5 =	rddreg [dreg:$0x0];
	s2 =	simm.s32 $0x0;
	s8 =	simm.s32 $0x28  }
0x3: {  	s9 =	simm.s32 $0x1;
	s4 =	sand.u32 $0x1, s1;
	s30 =	sshll.u32 s0, $0x1  }
0x4: {  	s10 =	simm.s32 $0x1388;
	s1 =	rddreg [dreg:$0x1];
	s3 =	sor.u32 s4, s30  }
0x5: {  	s11 =	simm.s32 $0x0;
	[smem:$0x7FF] =	sst s2;
	s6 =	smul.u32 $0x271, s3  }
0x6: {  	_ =	strace $0x80000047;
	s4 =	ssub.s32 $0x2, s4;
	s7 =	smul.u32 $0x2710, s3  }
0x7: {  	s3 =	sadd.s32 $0x32200, s5;
	s31 =	sshrl.u32 s4, $0x1;
	s6 =	sadd.s32 s6, s5  }
0x8: {  	s5 =	sadd.s32 s7, s5;
	s7 =	ssub.s32 s4, s31;
	s4 =	sadd.s32 $0x6000, s6  }
0x9: {  	s5 =	sadd.s32 $0x37200, s5;
	s6 =	smax.u32 s7, $0x1;
	s7 =	simm.s32 $0x2  }
.LBB2_1:
0xa: {  	[tilespmem:s2], [sflag:$0x2] =	stream.linear.gather [hbm4b:s4+s2], $0x1388, $0x38;
	[tilespmem:$0x14C08] =	vst v63  }
0xb: {  	_ =	swait.ge [sflag:s7], $0x1388  }
0xc: {  	[sflag:s7] =	ssyncset.done $0x0  }
0xd: {  	s12 =	simm.s32 $0x0;
	s13 =	simm.s32 $0x1388;
	[sflag:s7] =	ssyncadd.s32 $0xFFFFEC78  }
0xe: {  	[tilespmem:s13], [sflag:$0x1] =	stream.indirect.gather [hbm4b:s3+s8], $0x10, s12, s8, $0xb8;
	[tilespmem:$0x14C08] =	vst v63  }
0xf: {  	s23 =	simm.s32 $0x1608;
	s24 =	simm.s32 $0x28  }
0x10: {  	[tilespmem:s23], [sflag:$0x1] =	stream.indirect.gather [hbm4b:s3+s8], $0x10, s24, s8, $0xb8;
	[tilespmem:$0x14C08] =	vst v63  }
0x11: {  	s25 =	simm.s32 $0x1888;
	s26 =	simm.s32 $0x50  }
0x12: {  	[tilespmem:s25], [sflag:$0x1] =	stream.indirect.gather [hbm4b:s3+s8], $0x10, s26, s8, $0xb8;
	[tilespmem:$0x14C08] =	vst v63  }
0x13: {  	s28 =	simm.s32 $0x1B08;
	s29 =	simm.s32 $0x78  }
0x14: {  	[tilespmem:s28], [sflag:$0x1] =	stream.indirect.gather [hbm4b:s3+s8], $0x10, s29, s8, $0xb8;
	[tilespmem:$0x14C08] =	vst v63  }
0x15: {  	s30 =	simm.s32 $0xA0;
	s31 =	simm.s32 $0x1D88  }
0x16: {  	[tilespmem:s31], [sflag:$0x1] =	stream.indirect.gather [hbm4b:s3+s8], $0x10, s30, s8, $0xb8;
	[tilespmem:$0x14C08] =	vst v63  }
0x17: {  	_ =	swait.ge [sflag:s9], $0x280  }
0x18: {  	[sflag:s9] =	ssyncset.done $0x0  }
0x19: {  	[sflag:s9] =	ssyncadd.s32 $0xFFFFFD80  }
0x1a: {  	_ =	swait.ge [sflag:s9], $0x280  }
0x1b: {  	[sflag:s9] =	ssyncset.done $0x0  }
0x1c: {  	[sflag:s9] =	ssyncadd.s32 $0xFFFFFD80  }
0x1d: {  	_ =	swait.ge [sflag:s9], $0x280  }
0x1e: {  	[sflag:s9] =	ssyncset.done $0x0  }
0x1f: {  	[sflag:s9] =	ssyncadd.s32 $0xFFFFFD80  }
0x20: {  	_ =	swait.ge [sflag:s9], $0x280  }
0x21: {  	[sflag:s9] =	ssyncset.done $0x0  }
0x22: {  	s14 =	simm.s32 $0xC8;
	[sflag:s9] =	ssyncadd.s32 $0xFFFFFD80  }
0x23: {  	s16 =	simm.s32 $0x6400;
	s15 =	simm.s32 $0xC80;
	_ =	swait.ge [sflag:s9], $0x280  }
0x24: {  	s12 =	simm.s32 $0x168;
	s13 =	simm.s32 $0x230;
	[sflag:s9] =	ssyncset.done $0x0  }
.LBB2_2:
0x25: {  	s17 =	sadd.s32 $0xFFFFFF60, s13  }
0x26: {  	s18 =	sadd.s32 $0x1388, s15;
	[sflag:s9] =	ssyncadd.s32 $0xFFFFFD80;
	s19 =	smov.u32 s16  }
0x27: {  	[tilespmem:s18], [sflag:$0x1] =	stream.indirect.gather [hbm4b:s3+s8], $0x10, s14, s8, $0xb8;
	[tilespmem:$0x14C08] =	vst v63  }
0x28: {  	s20 =	sadd.s32 $0xFFFFFF88, s12;
	s18 =	sadd.s32 $0x3200, s16;
	s14 =	sadd.s32 $0x1608, s15  }
0x29: {  	[tilespmem:s14], [sflag:$0x1] =	stream.indirect.gather [hbm4b:s3+s8], $0x10, s20, s8, $0xb8;
	[tilespmem:$0x14C08] =	vst v63  }
0x2a: {  	p0 =	sne.s32 s16, $0x4B000;
	s16 =	sadd.s32 $0xFFFFFFB0, s12;
	s14 =	sadd.s32 $0x1888, s15  }
0x2b: {  	[tilespmem:s14], [sflag:$0x1] =	stream.indirect.gather [hbm4b:s3+s8], $0x10, s16, s8, $0xb8;
	[tilespmem:$0x14C08] =	vst v63  }
0x2c: {  	s20 =	sadd.s32 $0xFFFFFFD8, s12;
	s16 =	sadd.s32 $0x1B08, s15;
	s14 =	smov.u32 s17  }
0x2d: {  	[tilespmem:s16], [sflag:$0x1] =	stream.indirect.gather [hbm4b:s3+s8], $0x10, s20, s8, $0xb8;
	[tilespmem:$0x14C08] =	vst v63  }
0x2e: {  	s15 =	sadd.s32 $0x1D88, s15  }
0x2f: {  	[tilespmem:s15], [sflag:$0x1] =	stream.indirect.gather [hbm4b:s3+s8], $0x10, s12, s8, $0xb8;
	[tilespmem:$0x14C08] =	vst v63  }
0x30: {  	s12 =	smov.u32 s13;
	_ =	swait.ge [sflag:s9], $0x280  }
0x31: {  	[sflag:s9] =	ssyncset.done $0x0  }
0x32: {  	[sflag:s9] =	ssyncadd.s32 $0xFFFFFD80  }
0x33: {  	_ =	swait.ge [sflag:s9], $0x280  }
0x34: {  	[sflag:s9] =	ssyncset.done $0x0  }
0x35: {  	[sflag:s9] =	ssyncadd.s32 $0xFFFFFD80  }
0x36: {  	_ =	swait.ge [sflag:s9], $0x280  }
0x37: {  	[sflag:s9] =	ssyncset.done $0x0  }
0x38: {  	[sflag:s9] =	ssyncadd.s32 $0xFFFFFD80  }
.Ltmp0:
0x39: {  	_ =	swait.ge [sflag:s9], $0x280;
	(pc) =	sbr.rel @p0 .LBB2_2-.Ltmp0, $4  }
0x3a: {  	[sflag:s9] =	ssyncset.done $0x0  }
0x3b: {  	[sflag:s9] =	ssyncadd.s32 $0xFFFFFD80  }
0x3c: {  	s16 =	smov.u32 s18;
	_ =	swait.ge [sflag:s9], $0x280  }
0x3d: {  	s15 =	sshra.s32 s19, $0x2;
	s13 =	sadd.s32 $0xC8, s13;
	[sflag:s9] =	ssyncset.done $0x0  }
0x3e: {  	s13 =	sadd.s32 $0x1388, s15;
	[sflag:s9] =	ssyncadd.s32 $0xFFFFFD80  }
0x3f: {  	[tilespmem:s13], [sflag:$0x1] =	stream.indirect.gather [hbm4b:s3+s8], $0x10, s14, s8, $0xb8;
	[tilespmem:$0x14C08] =	vst v63  }
0x40: {  	s24 =	sadd.s32 $0x1608, s15;
	s25 =	sadd.s32 $0xFFFFFF88, s12  }
0x41: {  	[tilespmem:s24], [sflag:$0x1] =	stream.indirect.gather [hbm4b:s3+s8], $0x10, s25, s8, $0xb8;
	[tilespmem:$0x14C08] =	vst v63  }
0x42: {  	s26 =	sadd.s32 $0x1888, s15;
	s28 =	sadd.s32 $0xFFFFFFB0, s12  }
0x43: {  	[tilespmem:s26], [sflag:$0x1] =	stream.indirect.gather [hbm4b:s3+s8], $0x10, s28, s8, $0xb8;
	[tilespmem:$0x14C08] =	vst v63  }
0x44: {  	s29 =	sadd.s32 $0x1B08, s15;
	s30 =	sadd.s32 $0xFFFFFFD8, s12  }
0x45: {  	[tilespmem:s29], [sflag:$0x1] =	stream.indirect.gather [hbm4b:s3+s8], $0x10, s30, s8, $0xb8;
	[tilespmem:$0x14C08] =	vst v63  }
0x46: {  	s31 =	sadd.s32 $0x1D88, s15  }
0x47: {  	[tilespmem:s31], [sflag:$0x1] =	stream.indirect.gather [hbm4b:s3+s8], $0x10, s12, s8, $0xb8;
	[tilespmem:$0x14C08] =	vst v63  }
0x48: {  	_ =	swait.ge [sflag:s9], $0x280  }
0x49: {  	[sflag:s9] =	ssyncset.done $0x0  }
0x4a: {  	[sflag:s9] =	ssyncadd.s32 $0xFFFFFD80  }
0x4b: {  	_ =	swait.ge [sflag:s9], $0x280  }
0x4c: {  	[sflag:s9] =	ssyncset.done $0x0  }
0x4d: {  	[sflag:s9] =	ssyncadd.s32 $0xFFFFFD80  }
0x4e: {  	_ =	swait.ge [sflag:s9], $0x280  }
0x4f: {  	[sflag:s9] =	ssyncset.done $0x0  }
0x50: {  	[sflag:s9] =	ssyncadd.s32 $0xFFFFFD80  }
0x51: {  	_ =	swait.ge [sflag:s9], $0x280  }
0x52: {  	[sflag:s9] =	ssyncset.done $0x0  }
0x53: {  	[sflag:s9] =	ssyncadd.s32 $0xFFFFFD80  }
0x54: {  	s11 =	sadd.s32 $0x1, s11;
	_ =	swait.ge [sflag:s9], $0x280  }
0x55: {  	p0 =	sne.s32 s11, s6;
	[sflag:s9] =	ssyncset.done $0x0  }
.Ltmp1:
0x56: {  	[sflag:s9] =	ssyncadd.s32 $0xFFFFFD80;
	(pc) =	sbr.rel @p0 .LBB2_1-.Ltmp1, $4  }
0x57: {  	[hbm4b:s5+s2] =	stream.linear.scatter [tilespmem:s10], [sflag:$0x2], $0x13880, $0x38;
	[tilespmem:$0x14C08] =	vst v63  }
0x58: {  	_ =	swait.ge [sflag:s7], $0x13880  }
0x59: {  	[sflag:s7] =	ssyncset.done $0x0  }
0x5a: {  	[sflag:s7] =	ssyncadd.s32 $0xFFFEC780  }
0x5b: {  	_ =	sfence.sel $0x180000  }
0x5c: {  	[bflag:$0x0] =	sbarrier.arrive $0xFFFF  }
0x5d: {  	p0 =	sne.s32 s0, $0x0;
	_ =	strace $0x90000047  }
0x5e: {  	s0 =	sadd.s32 @!p0 $0x100000, s1;
	[bflag:$0x2] =	sbarrier.arrive $0xFFFF  }
0x5f: {  	[sflag:s0] =	ssyncadd.tile.s32 @!p0 $0x1;
	_ =	shalt  }
.Lfunc_end2:
_tile_overlayer_lowered:
.L_overlay_start_2:
0x60: {  	(tag) =	ssettag $0x2  }
0x61: {  	s0 =	rddreg [dreg:$0x0];
	s2 =	stileid.u32  }
0x62: {  	s1 =	rddreg [dreg:$0x1];
	p0 =	sne.s32 s2, $0x0  }
0x63: {  	s3 =	rddreg [dreg:$0x2];
	[bflag:$0x3] =	sbarrier.arrive $0xFFFF;
	s2 =	simm.s32 @!p0 $0x1C02  }
0x64: {  	[timem:s3], [sflag:s2] =	dma.local @!p0 [hbm:s0], s1  }
0x65: {  	s0 =	simm.s32 @!p0 $0x2  }
0x66: {  	_ =	swait.ge @!p0 [sflag:s0], s1  }
0x67: {  	s1 =	ssub.s32 @!p0 $0x0, s1;
	[sflag:s0] =	ssyncset.done @!p0 $0x0  }
0x68: {  	[sflag:s0] =	ssyncadd.s32 @!p0 s1  }
0x69: {  	[bflag:$0x3] =	sbarrier.arrive $0xFFFF  }
0x6a: {  	_ =	shalt  }

// kernel: kernel.14.cloned.1.call-start
scs
__scs_entry_jumppad:
0x0: {  	(pc) =	sbr.rel $0x88, $3  }
0x1: {  	(tag) =	ssettag $0x0;
	lr =	simm.s32 $0x1  }
0x2: {  	[smem:$0x3F92] =	sst lr;
	_ =	strace $0xD0000000  }
0x3: {  	_ = 	snop  }
0x4: {  	_ = 	snop  }
0x5: {  	_ = 	snop  }
0x6: {  	_ = 	snop  }
0x7: {  	_ = 	snop  }
__scs_overlays_trampoline_lowered:
0x8: {  	[smem:$0x3FA1] =	sst s0  }
0x9: {  	[smem:$0x3FA2] =	sst s1  }
0xa: {  	[smem:$0x3FA3] =	sst s2  }
0xb: {  	[smem:$0x3FA4] =	sst s3  }
0xc: {  	[smem:$0x3FA5] =	sst s4  }
0xd: {  	[smem:$0x3FA6] =	sst s5  }
0xe: {  	[smem:$0x3FA7] =	sst s6  }
0xf: {  	[smem:$0x3FA8] =	sst s7  }
0x10: {  	[smem:$0x3FA9] =	sst s8  }
0x11: {  	[smem:$0x3FAA] =	sst s9;
	s0 =	simm.s32 @!p0 $0x0  }
0x12: {  	s1 =	sld [smem:$0x3F90];
	s0 =	simm.s32 @p0 $0x1  }
0x13: {  	[smem:$0x3FAB] =	sst s0;
	s0 =	simm.s32 @!p1 $0x0  }
0x14: {  	s2 =	sld [smem:$0x3F8F];
	s0 =	simm.s32 @p1 $0x1  }
0x15: {  	[smem:$0x3FAC] =	sst s0;
	s0 =	simm.s32 @!p2 $0x0  }
0x16: {  	s3 =	sld [smem:$0x3FDB];
	s0 =	simm.s32 @p2 $0x1  }
0x17: {  	s4 =	simm.s32 $0x1BF5;
	[smem:$0x3FAE] =	sst s0  }
0x18: {  	s0 =	sld [smem:$0x3F91];
	_ =	swait.ge [sflag:s4], $0x0  }
0x19: {  	s7 =	sld [smem:$0x3F92]  }
0x1a: {  	s8 =	sadd.s32 $0xFFFFE003, lr  }
0x1b: {  	s9 =	sadd.s32 $0xFFFFFEF7, lr;
	s5 =	simm.s32 $0xFFFFFFFF;
	p2 =	slt.u32 s8, $0xFFFFF086  }
0x1c: {  	p1 =	slt.u32 s9, $0xF7A;
	s5 =	simm.s32 @!p2 $0x0  }
0x1d: {  	s5 =	simm.s32 @p1 $0x1;
	p0 =	seq.s32 s7, s2  }
0x1e: {  	s7 =	smul.u32 @!p0 $0xF7A, s2;
	p2 =	seq.s32 @!p0 s5, $0x0  }
0x1f: {  	s9 =	smul.u32 $0xF7A, s1;
	s8 =	simm.s32 @!p0 $0x1BF5;
	p2 =	por !p2, p0  }
0x20: {  	[sflag:s8] =	ssyncset.s32 @!p0 $0xFFFFF086;
	s6 =	sadd.s32 @!p0 s3, s7;
	s7 =	simm.s32 @!p0 $0x108  }
0x21: {  	s3 =	sadd.s32 s3, s9;
	s6 =	sadd.s32 @!p0 $0x88, s6;
	s7 =	simm.s32 @p2 $0x1082  }
0x22: {  	[simem:s7], [sflag:s8] =	dma.local @!p0 [hbm:s6], $0xF7A  }
0x23: {  	s9 =	sor.u32 $0xD0000000, s2;
	s6 =	simm.s32 $0x108;
	_ =	swait.ge @!p0 [sflag:s8], $0x0  }
0x24: {  	s3 =	sadd.s32 $0x88, s3;
	s6 =	simm.s32 @!p1 $0x1082;
	[sflag:s4] =	ssyncset.s32 $0xFFFFF086  }
0x25: {  	[simem:s6], [sflag:s4] =	dma.local [hbm:s3], $0xF7A  }
0x26: {  	[smem:$0x3F92] =	sst s1;
	(tag) =	ssettag s2;
	_ =	strace s9  }
0x27: {  	s1 =	sld [smem:$0x3FA2]  }
0x28: {  	s2 =	sld [smem:$0x3FA3]  }
0x29: {  	s4 =	sld [smem:$0x3FA5]  }
0x2a: {  	p0 =	seq.s32 s5, $0x0;
	s5 =	sld [smem:$0x3FA6]  }
0x2b: {  	s6 =	sld [smem:$0x3FA7]  }
0x2c: {  	s7 =	sld [smem:$0x3FA8]  }
0x2d: {  	s3 =	simm.s32 $0x108;
	s8 =	sld [smem:$0x3FA9]  }
0x2e: {  	s3 =	simm.s32 @!p0 $0x1082;
	s9 =	sld [smem:$0x3FAA]  }
0x2f: {  	lr =	sadd.s32 s0, s3;
	s0 =	sld [smem:$0x3FA1]  }
0x30: {  	s3 =	sld [smem:$0x3FA4]  }
0x31: {  	[smem:$0x3FAD] =	sst s10  }
0x32: {  	s10 =	sld [smem:$0x3FAB];
	_ =	sdelay $0x3  }
0x33: {  	p0 =	seq.s32 s10, $0x1;
	s10 =	sld [smem:$0x3FAD];
	_ =	sdelay $0x3  }
0x34: {  	[smem:$0x3FAD] =	sst s10  }
0x35: {  	s10 =	sld [smem:$0x3FAC];
	_ =	sdelay $0x3  }
0x36: {  	p1 =	seq.s32 s10, $0x1;
	s10 =	sld [smem:$0x3FAD];
	_ =	sdelay $0x3  }
0x37: {  	[smem:$0x3FAD] =	sst s10  }
0x38: {  	s10 =	sld [smem:$0x3FAE]  }
0x39: {  	_ = 	snop;
	(pc) =	sbr.ind lr, $3  }
0x3a: {  	_ = 	snop  }
0x3b: {  	_ = 	snop  }
0x3c: {  	p2 =	seq.s32 s10, $0x1;
	s10 =	sld [smem:$0x3FAD]  }
0x3d: {  	_ =	shalt  }
0x3e: {  	_ =	shalt  }
0x3f: {  	_ =	shalt  }
0x40: {  	_ =	shalt  }
0x41: {  	_ =	shalt  }
0x42: {  	_ =	shalt  }
0x43: {  	_ =	shalt  }
0x44: {  	_ =	shalt  }
0x45: {  	_ =	shalt  }
0x46: {  	_ =	shalt  }
0x47: {  	_ =	shalt  }
0x48: {  	_ =	shalt  }
0x49: {  	_ =	shalt  }
0x4a: {  	_ =	shalt  }
0x4b: {  	_ =	shalt  }
0x4c: {  	_ =	shalt  }
0x4d: {  	_ =	shalt  }
0x4e: {  	_ =	shalt  }
0x4f: {  	_ =	shalt  }
0x50: {  	_ =	shalt  }
0x51: {  	_ =	shalt  }
0x52: {  	_ =	shalt  }
0x53: {  	_ =	shalt  }
0x54: {  	_ =	shalt  }
0x55: {  	_ =	shalt  }
0x56: {  	_ =	shalt  }
0x57: {  	_ =	shalt  }
0x58: {  	_ =	shalt  }
0x59: {  	_ =	shalt  }
0x5a: {  	_ =	shalt  }
0x5b: {  	_ =	shalt  }
0x5c: {  	_ =	shalt  }
0x5d: {  	_ =	shalt  }
0x5e: {  	_ =	shalt  }
0x5f: {  	_ =	shalt  }
0x60: {  	_ =	shalt  }
0x61: {  	_ =	shalt  }
0x62: {  	_ =	shalt  }
0x63: {  	_ =	shalt  }
0x64: {  	_ =	shalt  }
0x65: {  	_ =	shalt  }
0x66: {  	_ =	shalt  }
0x67: {  	_ =	shalt  }
0x68: {  	_ =	shalt  }
0x69: {  	_ =	shalt  }
0x6a: {  	_ =	shalt  }
0x6b: {  	_ =	shalt  }
0x6c: {  	_ =	shalt  }
0x6d: {  	_ =	shalt  }
0x6e: {  	_ =	shalt  }
0x6f: {  	_ =	shalt  }
0x70: {  	_ =	shalt  }
0x71: {  	_ =	shalt  }
0x72: {  	_ =	shalt  }
0x73: {  	_ =	shalt  }
0x74: {  	_ =	shalt  }
0x75: {  	_ =	shalt  }
0x76: {  	_ =	shalt  }
0x77: {  	_ =	shalt  }
0x78: {  	_ =	shalt  }
0x79: {  	_ =	shalt  }
0x7a: {  	_ =	shalt  }
0x7b: {  	_ =	shalt  }
0x7c: {  	_ =	shalt  }
0x7d: {  	_ =	shalt  }
0x7e: {  	_ =	shalt  }
0x7f: {  	_ =	shalt  }
0x80: {  	_ =	shalt  }
0x81: {  	_ =	shalt  }
0x82: {  	_ =	shalt  }
0x83: {  	_ =	shalt  }
0x84: {  	_ =	shalt  }
0x85: {  	_ =	shalt  }
0x86: {  	_ =	shalt  }
0x87: {  	_ =	shalt  }
.Lfunc_end0:
.L_simem_size_0:
called_computation.1_lowered:
.L_overlay_start_0:
0x88: {  	s2 =	sld [smem:$0x3FD9]  }
0x89: {  	s3 =	sld [smem:$0x3FFE];
	_ =	sdelay $0x1  }
0x8a: {  	s1 =	srdreg.scid  }
0x8b: {  	s0 =	sand.u32 $0x1, s1  }
0x8c: {  	s17 =	sshll.u32 s0, $0xA;
	s2 =	sadd.s32 s3, s2  }
0x8d: {  	s2 =	sadd.s32 s2, s17  }
0x8e: {  	[smem:$0x3FB9] =	sst s2  }
0x8f: {  	_ = 	snop  }
0x90: {  	s2 =	sld [smem:$0x3FD0];
	(tm) =	ssettm $0x1  }
0x91: {  	s18 =	sld [smem:$0x3FFB];
	_ =	sdelay $0x3  }
0x92: {  	_ =	strace s18  }
0x93: {  	s3 =	sld [smem:$0x3FFC];
	_ =	sdelay $0x3  }
0x94: {  	_ =	strace s3  }
0x95: {  	s3 =	sld [smem:$0x3FFD];
	_ =	sdelay $0x3  }
0x96: {  	_ =	strace s3  }
0x97: {  	_ =	strace $0x8FFFFFFF  }
0x98: {  	s19 =	sld [smem:$0x3FDB];
	_ =	sdelay $0x1  }
0x99: {  	s4 =	simm.s32 $_scs_section_size  }
0x9a: {  	s5 =	simm.s32 $_size__tile_overlayer_lowered;
	s6 =	simm.s32 $_tile_overlayer_lowered  }
0x9b: {  	s22 =	simm.s32 $0x1BFF;
	s21 =	sshll.u32 s6, $0x1;
	s3 =	sadd.s32 s4, s19  }
0x9c: {  	s7 =	simm.s32 $0x0;
	s20 =	sshll.u32 s5, $0x1;
	s5 =	sadd.s32 s21, s3  }
0x9d: {  	[timem:s7], [sflag:s22] =	dma.local [hbm:s5], s20  }
0x9e: {  	_ =	swait.ge [sflag:s22], s20  }
0x9f: {  	s4 =	ssub.s32 $0x0, s20;
	[sflag:s22] =	ssyncset.done $0x0  }
0xa0: {  	[sflag:s22] =	ssyncadd.s32 s4;
	_ =	sdelay $0x1  }
0xa1: {  	s23 =	simm.s32 $0x1B8B  }
0xa2: {  	_ =	swait.ge [sflag:s23], $0x1  }
0xa3: {  	[sflag:s23] =	ssyncset.done $0x0  }
0xa4: {  	s25 =	simm.s32 $0x1B8E;
	s24 =	sld [smem:$0x3FFE];
	[sflag:s23] =	ssyncadd.s32 $0xFFFFFFFF  }
0xa5: {  	s26 =	simm.s32 $execute0_lowered;
	[smem:$0x3FD2] =	sst s25  }
0xa6: {  	s5 =	sshll.u32 s26, $0x1;
	_ =	strace $0x80000049;
	[dreg:$0x1] =	wrdreg $0xFFFFFFFF  }
0xa7: {  	s28 =	simm.s32 $_size_execute0_lowered;
	s3 =	sadd.s32 s3, s5;
	[dreg:$0x0] =	wrdreg $0x0  }
0xa8: {  	s5 =	sshll.u32 s28, $0x1;
	[dreg:$0x2] =	wrdreg s3  }
0xa9: {  	[dreg:$0x3] =	wrdreg s5  }
0xaa: {  	[dreg:$0x4] =	wrdreg $0xC0  }
0xab: {  	_ =	task [dreg:s7], $0x5FFFF  }
0xac: {  	[dreg:$0x1] =	wrdreg $0xFFFFFFFF  }
0xad: {  	[dreg:$0x0] =	wrdreg $0x60  }
0xae: {  	[dreg:$0x2] =	wrdreg s24  }
0xaf: {  	[dreg:$0x3] =	wrdreg s2  }
0xb0: {  	[dreg:$0x4] =	wrdreg $0x14E880  }
0xb1: {  	[dreg:$0x5] =	wrdreg $0x175980  }
0xb2: {  	[dreg:$0x6] =	wrdreg $0x9  }
0xb3: {  	_ =	task.clear_ibuf [dreg:s7], $0x7FFFF;
	_ =	strace $0x90000049  }
0xb4: {  	s29 =	simm.s32 $0x9;
	_ =	strace $0x8000004B  }
0xb5: {  	_ =	swait.ge [sflag:s29], $0x1  }
0xb6: {  	[sflag:s29] =	ssyncadd.s32 $0xFFFFFFFF  }
0xb7: {  	_ =	strace $0x9000004B  }
0xb8: {  	_ =	sfence  }
0xb9: {  	s30 =	sld [smem:$0x0];
	_ =	sdelay $0x2  }
0xba: {  	s31 =	sshll.u32 s1, $0xD;
	s1 =	sshrl.u32 s1, $0x2  }
0xbb: {  	s3 =	sand.u32 $0x4000, s31;
	s1 =	sadd.s32 s1, s30  }
0xbc: {  	s0 =	sor.u32 s3, s0;
	s1 =	sshll.u32 s1, $0x11  }
0xbd: {  	s0 =	sor.u32 s1, s0  }
0xbe: {  	s0 =	sadd.s32 $0x8F2B, s0  }
0xbf: {  	[sflag:s0] =	ssyncadd.remote.s32 $0x1  }
0xc0: {  	_ =	sfence.sel $0xFFFF  }
0xc1: {  	[dreg:$0x0] =	wrdreg $0xFFFFFFFF;
	(pc) =	sbr.abs _section_cstart, $3  }
0xc2: {  	[dreg:$0x1] =	wrdreg $0xFFFFFFFF  }
0xc3: {  	_ =	task.clear_ibuf [dreg:s7], $0x2FFFF;
	_ =	strace $0x9FFFFFFF  }
0xc4: {  	(tm) =	ssettm $0x7FFFFFFF  }
0xc5: {  	_ =	shalt  }
tec
execute0_lowered:
.L_overlay_start_1:
0x0: {  	(tag) =	ssettag $0x1  }
0x1: {  	s6 =	rddreg [dreg:$0x0]  }
0x2: {  	s2 =	rddreg [dreg:$0x1]  }
0x3: {  	s1 =	srdreg.scid;
	s3 =	rddreg [dreg:$0x2]  }
0x4: {  	s0 =	stileid.u32;
	s4 =	rddreg [dreg:$0x3]  }
0x5: {  	s5 =	simm.s32 $0x0;
	s17 =	simm.s32 $0x1388;
	s18 =	simm.s32 $0x28  }
0x6: {  	s7 =	sand.u32 $0x1, s1;
	s26 =	sshll.u32 s0, $0x1;
	s10 =	smul.u32 $0x2710, s0  }
0x7: {  	s19 =	simm.s32 $0x1;
	s1 =	sor.u32 s7, s26;
	s11 =	smul.u32 $0x27100, s7  }
0x8: {  	s20 =	simm.s32 $0x0;
	[smem:$0x7FF] =	sst s5;
	s8 =	smul.u32 $0x2710, s1  }
0x9: {  	s31 =	sshll.u32 s0, $0x6;
	s7 =	ssub.s32 $0x2, s7;
	s9 =	smul.u32 $0x271, s1  }
0xa: {  	s1 =	rddreg [dreg:$0x4];
	_ =	strace $0x8000004A;
	s30 =	sshrl.u32 s10, $0x3  }
0xb: {  	s13 =	sshrl.u32 s7, $0x1;
	s15 =	sadd.s32 s10, s3;
	s16 =	sadd.s32 s10, s4  }
0xc: {  	s29 =	sadd.s32 s10, s11;
	s11 =	sadd.s32 s30, s6;
	s13 =	ssub.s32 s7, s13  }
0xd: {  	s7 =	sor.u32 $0x1C02, s31;
	s28 =	sadd.s32 s9, s6;
	s9 =	sshrl.u32 s29, $0x3  }
0xe: {  	s12 =	sadd.s32 s8, s6;
	s14 =	sadd.s32 s9, s6;
	s6 =	sadd.s32 $0x80400, s11  }
0xf: {  	s8 =	sadd.s32 $0x85400, s28;
	s9 =	sadd.s32 $0x32200, s12;
	s12 =	smax.u32 s13, $0x1  }
0x10: {  	s13 =	sshrl.u32 s15, $0x3;
	s15 =	sshrl.u32 s16, $0x3;
	s16 =	simm.s32 $0x14C08  }
0x11: {  	s10 =	sadd.s32 $0x94200, s14;
	s11 =	sadd.s32 $0x8A400, s14;
	s14 =	simm.s32 $0x2  }
.LBB2_1:
0x12: {  	[spmem:s13], [sflag:s7] =	dma.local [hbm:s6], $0x4E2  }
0x13: {  	_ =	swait.ge [sflag:s14], $0x4E2  }
0x14: {  	[sflag:s14] =	ssyncset.done $0x0  }
0x15: {  	[sflag:s14] =	ssyncadd.s32 $0xFFFFFB1E  }
0x16: {  	[spmem:s15], [sflag:s7] =	dma.local [hbm:s6], $0x4E2  }
0x17: {  	_ =	swait.ge [sflag:s14], $0x4E2  }
0x18: {  	[sflag:s14] =	ssyncset.done $0x0  }
0x19: {  	[sflag:s14] =	ssyncadd.s32 $0xFFFFFB1E  }
0x1a: {  	[tilespmem:s5], [sflag:$0x2] =	stream.linear.gather [hbm4b:s8+s5], $0x1388, $0x38;
	[tilespmem:$0x19CA8] =	vst v63  }
0x1b: {  	_ =	swait.ge [sflag:s14], $0x1388  }
0x1c: {  	[sflag:s14] =	ssyncset.done $0x0  }
0x1d: {  	[sflag:s14] =	ssyncadd.s32 $0xFFFFEC78  }
0x1e: {  	[tilespmem:s16], [sflag:$0x2] =	stream.linear.gather [hbm4b:s2+s5], $0x280, $0x38;
	[tilespmem:$0x19CA8] =	vst v63  }
0x1f: {  	_ =	swait.ge [sflag:s14], $0x280  }
0x20: {  	[sflag:s14] =	ssyncset.done $0x0  }
0x21: {  	[sflag:s14] =	ssyncadd.s32 $0xFFFFFD80  }
0x22: {  	[tilespmem:s17], [sflag:$0x2] =	stream.linear.gather [hbm4b:s9+s5], $0x13880, $0x38;
	[tilespmem:$0x19CA8] =	vst v63  }
0x23: {  	_ =	swait.ge [sflag:s14], $0x13880  }
0x24: {  	[sflag:s14] =	ssyncset.done $0x0  }
0x25: {  	[sflag:s14] =	ssyncadd.s32 $0xFFFEC780  }
0x26: {  	s21 =	simm.s32 $0x0;
	s22 =	simm.s32 $0x1388;
	[bflag:$0x0] =	sbarrier.arrive $0xFFFF  }
0x27: {  	[spmem:s3] =	stream.indirect.scatter.add.f32 [tilespmem:s22], [sflag:$0x1], $0x10, s21, s18, $0xb8;
	[tilespmem:$0x19CA8] =	vst v63  }
0x28: {  	_ = 	snop  }
0x29: {  	[spmem:s4] =	stream.indirect.scatter.add.f32 [tilespmem:s16], [sflag:$0x1], $0x10, s21, s18, $0xb8;
	[tilespmem:$0x19CA8] =	vst v63  }
0x2a: {  	s23 =	simm.s32 $0x1608;
	s24 =	simm.s32 $0x28  }
0x2b: {  	[spmem:s3] =	stream.indirect.scatter.add.f32 [tilespmem:s23], [sflag:$0x1], $0x10, s24, s18, $0xb8;
	[tilespmem:$0x19CA8] =	vst v63  }
0x2c: {  	_ = 	snop  }
0x2d: {  	[spmem:s4] =	stream.indirect.scatter.add.f32 [tilespmem:s16], [sflag:$0x1], $0x10, s24, s18, $0xb8;
	[tilespmem:$0x19CA8] =	vst v63  }
0x2e: {  	s25 =	simm.s32 $0x1888;
	s26 =	simm.s32 $0x50  }
0x2f: {  	[spmem:s3] =	stream.indirect.scatter.add.f32 [tilespmem:s25], [sflag:$0x1], $0x10, s26, s18, $0xb8;
	[tilespmem:$0x19CA8] =	vst v63  }
0x30: {  	_ = 	snop  }
0x31: {  	[spmem:s4] =	stream.indirect.scatter.add.f32 [tilespmem:s16], [sflag:$0x1], $0x10, s26, s18, $0xb8;
	[tilespmem:$0x19CA8] =	vst v63  }
0x32: {  	s28 =	simm.s32 $0x1B08;
	s29 =	simm.s32 $0x78  }
0x33: {  	[spmem:s3] =	stream.indirect.scatter.add.f32 [tilespmem:s28], [sflag:$0x1], $0x10, s29, s18, $0xb8;
	[tilespmem:$0x19CA8] =	vst v63  }
0x34: {  	_ = 	snop  }
0x35: {  	[spmem:s4] =	stream.indirect.scatter.add.f32 [tilespmem:s16], [sflag:$0x1], $0x10, s29, s18, $0xb8;
	[tilespmem:$0x19CA8] =	vst v63  }
0x36: {  	s30 =	simm.s32 $0xA0;
	s31 =	simm.s32 $0x1D88  }
0x37: {  	[spmem:s3] =	stream.indirect.scatter.add.f32 [tilespmem:s31], [sflag:$0x1], $0x10, s30, s18, $0xb8;
	[tilespmem:$0x19CA8] =	vst v63  }
0x38: {  	_ = 	snop  }
0x39: {  	[spmem:s4] =	stream.indirect.scatter.add.f32 [tilespmem:s16], [sflag:$0x1], $0x10, s30, s18, $0xb8;
	[tilespmem:$0x19CA8] =	vst v63  }
0x3a: {  	_ =	swait.ge [sflag:s19], $0x280  }
0x3b: {  	[sflag:s19] =	ssyncset.done $0x0  }
0x3c: {  	[sflag:s19] =	ssyncadd.s32 $0xFFFFFD80  }
0x3d: {  	_ =	swait.ge [sflag:s19], $0x280  }
0x3e: {  	[sflag:s19] =	ssyncset.done $0x0  }
0x3f: {  	[sflag:s19] =	ssyncadd.s32 $0xFFFFFD80  }
0x40: {  	_ =	swait.ge [sflag:s19], $0x280  }
0x41: {  	[sflag:s19] =	ssyncset.done $0x0  }
0x42: {  	[sflag:s19] =	ssyncadd.s32 $0xFFFFFD80  }
0x43: {  	_ =	swait.ge [sflag:s19], $0x280  }
0x44: {  	[sflag:s19] =	ssyncset.done $0x0  }
0x45: {  	[sflag:s19] =	ssyncadd.s32 $0xFFFFFD80  }
0x46: {  	_ =	swait.ge [sflag:s19], $0x280  }
0x47: {  	[sflag:s19] =	ssyncset.done $0x0  }
0x48: {  	[sflag:s19] =	ssyncadd.s32 $0xFFFFFD80  }
0x49: {  	_ =	swait.ge [sflag:s19], $0x280  }
0x4a: {  	[sflag:s19] =	ssyncset.done $0x0  }
0x4b: {  	[sflag:s19] =	ssyncadd.s32 $0xFFFFFD80  }
0x4c: {  	_ =	swait.ge [sflag:s19], $0x280  }
0x4d: {  	[sflag:s19] =	ssyncset.done $0x0  }
0x4e: {  	[sflag:s19] =	ssyncadd.s32 $0xFFFFFD80  }
0x4f: {  	_ =	swait.ge [sflag:s19], $0x280  }
0x50: {  	[sflag:s19] =	ssyncset.done $0x0  }
0x51: {  	[sflag:s19] =	ssyncadd.s32 $0xFFFFFD80  }
0x52: {  	_ =	swait.ge [sflag:s19], $0x280  }
0x53: {  	[sflag:s19] =	ssyncset.done $0x0  }
0x54: {  	s22 =	simm.s32 $0xC8;
	[sflag:s19] =	ssyncadd.s32 $0xFFFFFD80  }
0x55: {  	s21 =	simm.s32 $0x168;
	s23 =	simm.s32 $0x6400;
	_ =	swait.ge [sflag:s19], $0x280  }
0x56: {  	s24 =	simm.s32 $0x230;
	s26 =	simm.s32 $0xC80;
	[sflag:s19] =	ssyncset.done $0x0  }
.LBB2_2:
0x57: {  	s28 =	sadd.s32 $0xFFFFFF60, s24;
	s25 =	sadd.s32 $0x1388, s26;
	[sflag:s19] =	ssyncadd.s32 $0xFFFFFD80  }
0x58: {  	[spmem:s3] =	stream.indirect.scatter.add.f32 [tilespmem:s25], [sflag:$0x1], $0x10, s22, s18, $0xb8;
	[tilespmem:$0x19CA8] =	vst v63  }
0x59: {  	p0 =	sne.s32 s23, $0x4B000;
	s25 =	smov.u32 s23;
	s23 =	sadd.s32 $0x3200, s23  }
0x5a: {  	[spmem:s4] =	stream.indirect.scatter.add.f32 [tilespmem:s16], [sflag:$0x1], $0x10, s22, s18, $0xb8;
	[tilespmem:$0x19CA8] =	vst v63  }
0x5b: {  	s29 =	sadd.s32 $0x1608, s26;
	s30 =	sadd.s32 $0xFFFFFF88, s21;
	s22 =	smov.u32 s28  }
0x5c: {  	[spmem:s3] =	stream.indirect.scatter.add.f32 [tilespmem:s29], [sflag:$0x1], $0x10, s30, s18, $0xb8;
	[tilespmem:$0x19CA8] =	vst v63  }
0x5d: {  	_ = 	snop  }
0x5e: {  	[spmem:s4] =	stream.indirect.scatter.add.f32 [tilespmem:s16], [sflag:$0x1], $0x10, s30, s18, $0xb8;
	[tilespmem:$0x19CA8] =	vst v63  }
0x5f: {  	s28 =	sadd.s32 $0x1888, s26;
	s29 =	sadd.s32 $0xFFFFFFB0, s21  }
0x60: {  	[spmem:s3] =	stream.indirect.scatter.add.f32 [tilespmem:s28], [sflag:$0x1], $0x10, s29, s18, $0xb8;
	[tilespmem:$0x19CA8] =	vst v63  }
0x61: {  	_ = 	snop  }
0x62: {  	[spmem:s4] =	stream.indirect.scatter.add.f32 [tilespmem:s16], [sflag:$0x1], $0x10, s29, s18, $0xb8;
	[tilespmem:$0x19CA8] =	vst v63  }
0x63: {  	s28 =	sadd.s32 $0x1B08, s26;
	s29 =	sadd.s32 $0xFFFFFFD8, s21  }
0x64: {  	[spmem:s3] =	stream.indirect.scatter.add.f32 [tilespmem:s28], [sflag:$0x1], $0x10, s29, s18, $0xb8;
	[tilespmem:$0x19CA8] =	vst v63  }
0x65: {  	_ = 	snop  }
0x66: {  	[spmem:s4] =	stream.indirect.scatter.add.f32 [tilespmem:s16], [sflag:$0x1], $0x10, s29, s18, $0xb8;
	[tilespmem:$0x19CA8] =	vst v63  }
0x67: {  	s26 =	sadd.s32 $0x1D88, s26  }
0x68: {  	[spmem:s3] =	stream.indirect.scatter.add.f32 [tilespmem:s26], [sflag:$0x1], $0x10, s21, s18, $0xb8;
	[tilespmem:$0x19CA8] =	vst v63  }
0x69: {  	_ = 	snop  }
0x6a: {  	[spmem:s4] =	stream.indirect.scatter.add.f32 [tilespmem:s16], [sflag:$0x1], $0x10, s21, s18, $0xb8;
	[tilespmem:$0x19CA8] =	vst v63  }
0x6b: {  	s21 =	smov.u32 s24;
	_ =	swait.ge [sflag:s19], $0x280  }
0x6c: {  	[sflag:s19] =	ssyncset.done $0x0  }
0x6d: {  	[sflag:s19] =	ssyncadd.s32 $0xFFFFFD80  }
0x6e: {  	_ =	swait.ge [sflag:s19], $0x280  }
0x6f: {  	[sflag:s19] =	ssyncset.done $0x0  }
0x70: {  	[sflag:s19] =	ssyncadd.s32 $0xFFFFFD80  }
0x71: {  	_ =	swait.ge [sflag:s19], $0x280  }
0x72: {  	[sflag:s19] =	ssyncset.done $0x0  }
0x73: {  	[sflag:s19] =	ssyncadd.s32 $0xFFFFFD80  }
0x74: {  	_ =	swait.ge [sflag:s19], $0x280  }
0x75: {  	[sflag:s19] =	ssyncset.done $0x0  }
0x76: {  	[sflag:s19] =	ssyncadd.s32 $0xFFFFFD80  }
0x77: {  	_ =	swait.ge [sflag:s19], $0x280  }
0x78: {  	[sflag:s19] =	ssyncset.done $0x0  }
0x79: {  	[sflag:s19] =	ssyncadd.s32 $0xFFFFFD80  }
0x7a: {  	_ =	swait.ge [sflag:s19], $0x280  }
0x7b: {  	[sflag:s19] =	ssyncset.done $0x0  }
0x7c: {  	[sflag:s19] =	ssyncadd.s32 $0xFFFFFD80  }
0x7d: {  	_ =	swait.ge [sflag:s19], $0x280  }
0x7e: {  	[sflag:s19] =	ssyncset.done $0x0  }
0x7f: {  	[sflag:s19] =	ssyncadd.s32 $0xFFFFFD80  }
0x80: {  	_ =	swait.ge [sflag:s19], $0x280  }
0x81: {  	[sflag:s19] =	ssyncset.done $0x0  }
0x82: {  	[sflag:s19] =	ssyncadd.s32 $0xFFFFFD80  }
.Ltmp0:
0x83: {  	_ =	swait.ge [sflag:s19], $0x280;
	(pc) =	sbr.rel @p0 .LBB2_2-.Ltmp0, $4  }
0x84: {  	[sflag:s19] =	ssyncset.done $0x0  }
0x85: {  	[sflag:s19] =	ssyncadd.s32 $0xFFFFFD80  }
0x86: {  	_ =	swait.ge [sflag:s19], $0x280  }
0x87: {  	s26 =	sshra.s32 s25, $0x2;
	s24 =	sadd.s32 $0xC8, s24;
	[sflag:s19] =	ssyncset.done $0x0  }
0x88: {  	s23 =	sadd.s32 $0x1388, s26;
	[sflag:s19] =	ssyncadd.s32 $0xFFFFFD80  }
0x89: {  	[spmem:s3] =	stream.indirect.scatter.add.f32 [tilespmem:s23], [sflag:$0x1], $0x10, s22, s18, $0xb8;
	[tilespmem:$0x19CA8] =	vst v63  }
0x8a: {  	_ = 	snop  }
0x8b: {  	[spmem:s4] =	stream.indirect.scatter.add.f32 [tilespmem:s16], [sflag:$0x1], $0x10, s22, s18, $0xb8;
	[tilespmem:$0x19CA8] =	vst v63  }
0x8c: {  	s24 =	sadd.s32 $0xFFFFFF88, s21;
	s23 =	sadd.s32 $0x1608, s26  }
0x8d: {  	[spmem:s3] =	stream.indirect.scatter.add.f32 [tilespmem:s23], [sflag:$0x1], $0x10, s24, s18, $0xb8;
	[tilespmem:$0x19CA8] =	vst v63  }
0x8e: {  	_ = 	snop  }
0x8f: {  	[spmem:s4] =	stream.indirect.scatter.add.f32 [tilespmem:s16], [sflag:$0x1], $0x10, s24, s18, $0xb8;
	[tilespmem:$0x19CA8] =	vst v63  }
0x90: {  	s25 =	sadd.s32 $0x1888, s26;
	s28 =	sadd.s32 $0xFFFFFFB0, s21  }
0x91: {  	[spmem:s3] =	stream.indirect.scatter.add.f32 [tilespmem:s25], [sflag:$0x1], $0x10, s28, s18, $0xb8;
	[tilespmem:$0x19CA8] =	vst v63  }
0x92: {  	_ = 	snop  }
0x93: {  	[spmem:s4] =	stream.indirect.scatter.add.f32 [tilespmem:s16], [sflag:$0x1], $0x10, s28, s18, $0xb8;
	[tilespmem:$0x19CA8] =	vst v63  }
0x94: {  	s29 =	sadd.s32 $0x1B08, s26;
	s30 =	sadd.s32 $0xFFFFFFD8, s21  }
0x95: {  	[spmem:s3] =	stream.indirect.scatter.add.f32 [tilespmem:s29], [sflag:$0x1], $0x10, s30, s18, $0xb8;
	[tilespmem:$0x19CA8] =	vst v63  }
0x96: {  	_ = 	snop  }
0x97: {  	[spmem:s4] =	stream.indirect.scatter.add.f32 [tilespmem:s16], [sflag:$0x1], $0x10, s30, s18, $0xb8;
	[tilespmem:$0x19CA8] =	vst v63  }
0x98: {  	s31 =	sadd.s32 $0x1D88, s26  }
0x99: {  	[spmem:s3] =	stream.indirect.scatter.add.f32 [tilespmem:s31], [sflag:$0x1], $0x10, s21, s18, $0xb8;
	[tilespmem:$0x19CA8] =	vst v63  }
0x9a: {  	_ = 	snop  }
0x9b: {  	[spmem:s4] =	stream.indirect.scatter.add.f32 [tilespmem:s16], [sflag:$0x1], $0x10, s21, s18, $0xb8;
	[tilespmem:$0x19CA8] =	vst v63  }
0x9c: {  	_ =	swait.ge [sflag:s19], $0x280  }
0x9d: {  	[sflag:s19] =	ssyncset.done $0x0  }
0x9e: {  	[sflag:s19] =	ssyncadd.s32 $0xFFFFFD80  }
0x9f: {  	_ =	swait.ge [sflag:s19], $0x280  }
0xa0: {  	[sflag:s19] =	ssyncset.done $0x0  }
0xa1: {  	[sflag:s19] =	ssyncadd.s32 $0xFFFFFD80  }
0xa2: {  	_ =	swait.ge [sflag:s19], $0x280  }
0xa3: {  	[sflag:s19] =	ssyncset.done $0x0  }
0xa4: {  	[sflag:s19] =	ssyncadd.s32 $0xFFFFFD80  }
0xa5: {  	_ =	swait.ge [sflag:s19], $0x280  }
0xa6: {  	[sflag:s19] =	ssyncset.done $0x0  }
0xa7: {  	[sflag:s19] =	ssyncadd.s32 $0xFFFFFD80  }
0xa8: {  	_ =	swait.ge [sflag:s19], $0x280  }
0xa9: {  	[sflag:s19] =	ssyncset.done $0x0  }
0xaa: {  	[sflag:s19] =	ssyncadd.s32 $0xFFFFFD80  }
0xab: {  	_ =	swait.ge [sflag:s19], $0x280  }
0xac: {  	[sflag:s19] =	ssyncset.done $0x0  }
0xad: {  	[sflag:s19] =	ssyncadd.s32 $0xFFFFFD80  }
0xae: {  	_ =	swait.ge [sflag:s19], $0x280  }
0xaf: {  	[sflag:s19] =	ssyncset.done $0x0  }
0xb0: {  	[sflag:s19] =	ssyncadd.s32 $0xFFFFFD80  }
0xb1: {  	_ =	swait.ge [sflag:s19], $0x280  }
0xb2: {  	[sflag:s19] =	ssyncset.done $0x0  }
0xb3: {  	[sflag:s19] =	ssyncadd.s32 $0xFFFFFD80  }
0xb4: {  	_ =	swait.ge [sflag:s19], $0x280  }
0xb5: {  	[sflag:s19] =	ssyncset.done $0x0  }
0xb6: {  	[sflag:s19] =	ssyncadd.s32 $0xFFFFFD80  }
0xb7: {  	_ =	swait.ge [sflag:s19], $0x280  }
0xb8: {  	[sflag:s19] =	ssyncset.done $0x0  }
0xb9: {  	[sflag:s19] =	ssyncadd.s32 $0xFFFFFD80  }
0xba: {  	[bflag:$0x0] =	sbarrier.arrive $0xFFFF  }
0xbb: {  	[hbm:s10], [sflag:s7] =	dma.local [spmem:s13], $0x4E2  }
0xbc: {  	s20 =	sadd.s32 $0x1, s20;
	_ =	swait.ge [sflag:s14], $0x4E2  }
0xbd: {  	p0 =	sne.s32 s20, s12;
	[sflag:s14] =	ssyncset.done $0x0  }
.Ltmp1:
0xbe: {  	[sflag:s14] =	ssyncadd.s32 $0xFFFFFB1E;
	(pc) =	sbr.rel @p0 .LBB2_1-.Ltmp1, $4  }
0xbf: {  	[hbm:s11], [sflag:s7] =	dma.local [spmem:s15], $0x4E2  }
0xc0: {  	_ =	swait.ge [sflag:s14], $0x4E2  }
0xc1: {  	[sflag:s14] =	ssyncset.done $0x0  }
0xc2: {  	[sflag:s14] =	ssyncadd.s32 $0xFFFFFB1E  }
0xc3: {  	_ =	sfence.sel $0x180000  }
0xc4: {  	[bflag:$0x0] =	sbarrier.arrive $0xFFFF  }
0xc5: {  	p0 =	sne.s32 s0, $0x0;
	_ =	strace $0x9000004A  }
0xc6: {  	s0 =	sadd.s32 @!p0 $0x100000, s1;
	[bflag:$0x2] =	sbarrier.arrive $0xFFFF  }
0xc7: {  	[sflag:s0] =	ssyncadd.tile.s32 @!p0 $0x1;
	_ =	shalt  }
.Lfunc_end2:
_tile_overlayer_lowered:
.L_overlay_start_2:
0xc8: {  	(tag) =	ssettag $0x2  }
0xc9: {  	s0 =	rddreg [dreg:$0x0];
	s2 =	stileid.u32  }
0xca: {  	s1 =	rddreg [dreg:$0x1];
	p0 =	sne.s32 s2, $0x0  }
0xcb: {  	s3 =	rddreg [dreg:$0x2];
	[bflag:$0x3] =	sbarrier.arrive $0xFFFF;
	s2 =	simm.s32 @!p0 $0x1C02  }
0xcc: {  	[timem:s3], [sflag:s2] =	dma.local @!p0 [hbm:s0], s1  }
0xcd: {  	s0 =	simm.s32 @!p0 $0x2  }
0xce: {  	_ =	swait.ge @!p0 [sflag:s0], s1  }
0xcf: {  	s1 =	ssub.s32 @!p0 $0x0, s1;
	[sflag:s0] =	ssyncset.done @!p0 $0x0  }
0xd0: {  	[sflag:s0] =	ssyncadd.s32 @!p0 s1  }
0xd1: {  	[bflag:$0x3] =	sbarrier.arrive $0xFFFF  }
0xd2: {  	_ =	shalt  }

// kernel: kernel.17.cloned.1.call-start
scs
__scs_entry_jumppad:
0x0: {  	(pc) =	sbr.rel $0x88, $3  }
0x1: {  	(tag) =	ssettag $0x0;
	lr =	simm.s32 $0x1  }
0x2: {  	[smem:$0x3F92] =	sst lr;
	_ =	strace $0xD0000000  }
0x3: {  	_ = 	snop  }
0x4: {  	_ = 	snop  }
0x5: {  	_ = 	snop  }
0x6: {  	_ = 	snop  }
0x7: {  	_ = 	snop  }
__scs_overlays_trampoline_lowered:
0x8: {  	[smem:$0x3FA1] =	sst s0  }
0x9: {  	[smem:$0x3FA2] =	sst s1  }
0xa: {  	[smem:$0x3FA3] =	sst s2  }
0xb: {  	[smem:$0x3FA4] =	sst s3  }
0xc: {  	[smem:$0x3FA5] =	sst s4  }
0xd: {  	[smem:$0x3FA6] =	sst s5  }
0xe: {  	[smem:$0x3FA7] =	sst s6  }
0xf: {  	[smem:$0x3FA8] =	sst s7  }
0x10: {  	[smem:$0x3FA9] =	sst s8  }
0x11: {  	[smem:$0x3FAA] =	sst s9;
	s0 =	simm.s32 @!p0 $0x0  }
0x12: {  	s1 =	sld [smem:$0x3F90];
	s0 =	simm.s32 @p0 $0x1  }
0x13: {  	[smem:$0x3FAB] =	sst s0;
	s0 =	simm.s32 @!p1 $0x0  }
0x14: {  	s2 =	sld [smem:$0x3F8F];
	s0 =	simm.s32 @p1 $0x1  }
0x15: {  	[smem:$0x3FAC] =	sst s0;
	s0 =	simm.s32 @!p2 $0x0  }
0x16: {  	s3 =	sld [smem:$0x3FDB];
	s0 =	simm.s32 @p2 $0x1  }
0x17: {  	s4 =	simm.s32 $0x1BF5;
	[smem:$0x3FAE] =	sst s0  }
0x18: {  	s0 =	sld [smem:$0x3F91];
	_ =	swait.ge [sflag:s4], $0x0  }
0x19: {  	s7 =	sld [smem:$0x3F92]  }
0x1a: {  	s8 =	sadd.s32 $0xFFFFE003, lr  }
0x1b: {  	s9 =	sadd.s32 $0xFFFFFEF7, lr;
	s5 =	simm.s32 $0xFFFFFFFF;
	p2 =	slt.u32 s8, $0xFFFFF086  }
0x1c: {  	p1 =	slt.u32 s9, $0xF7A;
	s5 =	simm.s32 @!p2 $0x0  }
0x1d: {  	s5 =	simm.s32 @p1 $0x1;
	p0 =	seq.s32 s7, s2  }
0x1e: {  	s7 =	smul.u32 @!p0 $0xF7A, s2;
	p2 =	seq.s32 @!p0 s5, $0x0  }
0x1f: {  	s9 =	smul.u32 $0xF7A, s1;
	s8 =	simm.s32 @!p0 $0x1BF5;
	p2 =	por !p2, p0  }
0x20: {  	[sflag:s8] =	ssyncset.s32 @!p0 $0xFFFFF086;
	s6 =	sadd.s32 @!p0 s3, s7;
	s7 =	simm.s32 @!p0 $0x108  }
0x21: {  	s3 =	sadd.s32 s3, s9;
	s6 =	sadd.s32 @!p0 $0x88, s6;
	s7 =	simm.s32 @p2 $0x1082  }
0x22: {  	[simem:s7], [sflag:s8] =	dma.local @!p0 [hbm:s6], $0xF7A  }
0x23: {  	s9 =	sor.u32 $0xD0000000, s2;
	s6 =	simm.s32 $0x108;
	_ =	swait.ge @!p0 [sflag:s8], $0x0  }
0x24: {  	s3 =	sadd.s32 $0x88, s3;
	s6 =	simm.s32 @!p1 $0x1082;
	[sflag:s4] =	ssyncset.s32 $0xFFFFF086  }
0x25: {  	[simem:s6], [sflag:s4] =	dma.local [hbm:s3], $0xF7A  }
0x26: {  	[smem:$0x3F92] =	sst s1;
	(tag) =	ssettag s2;
	_ =	strace s9  }
0x27: {  	s1 =	sld [smem:$0x3FA2]  }
0x28: {  	s2 =	sld [smem:$0x3FA3]  }
0x29: {  	s4 =	sld [smem:$0x3FA5]  }
0x2a: {  	p0 =	seq.s32 s5, $0x0;
	s5 =	sld [smem:$0x3FA6]  }
0x2b: {  	s6 =	sld [smem:$0x3FA7]  }
0x2c: {  	s7 =	sld [smem:$0x3FA8]  }
0x2d: {  	s3 =	simm.s32 $0x108;
	s8 =	sld [smem:$0x3FA9]  }
0x2e: {  	s3 =	simm.s32 @!p0 $0x1082;
	s9 =	sld [smem:$0x3FAA]  }
0x2f: {  	lr =	sadd.s32 s0, s3;
	s0 =	sld [smem:$0x3FA1]  }
0x30: {  	s3 =	sld [smem:$0x3FA4]  }
0x31: {  	[smem:$0x3FAD] =	sst s10  }
0x32: {  	s10 =	sld [smem:$0x3FAB];
	_ =	sdelay $0x3  }
0x33: {  	p0 =	seq.s32 s10, $0x1;
	s10 =	sld [smem:$0x3FAD];
	_ =	sdelay $0x3  }
0x34: {  	[smem:$0x3FAD] =	sst s10  }
0x35: {  	s10 =	sld [smem:$0x3FAC];
	_ =	sdelay $0x3  }
0x36: {  	p1 =	seq.s32 s10, $0x1;
	s10 =	sld [smem:$0x3FAD];
	_ =	sdelay $0x3  }
0x37: {  	[smem:$0x3FAD] =	sst s10  }
0x38: {  	s10 =	sld [smem:$0x3FAE]  }
0x39: {  	_ = 	snop;
	(pc) =	sbr.ind lr, $3  }
0x3a: {  	_ = 	snop  }
0x3b: {  	_ = 	snop  }
0x3c: {  	p2 =	seq.s32 s10, $0x1;
	s10 =	sld [smem:$0x3FAD]  }
0x3d: {  	_ =	shalt  }
0x3e: {  	_ =	shalt  }
0x3f: {  	_ =	shalt  }
0x40: {  	_ =	shalt  }
0x41: {  	_ =	shalt  }
0x42: {  	_ =	shalt  }
0x43: {  	_ =	shalt  }
0x44: {  	_ =	shalt  }
0x45: {  	_ =	shalt  }
0x46: {  	_ =	shalt  }
0x47: {  	_ =	shalt  }
0x48: {  	_ =	shalt  }
0x49: {  	_ =	shalt  }
0x4a: {  	_ =	shalt  }
0x4b: {  	_ =	shalt  }
0x4c: {  	_ =	shalt  }
0x4d: {  	_ =	shalt  }
0x4e: {  	_ =	shalt  }
0x4f: {  	_ =	shalt  }
0x50: {  	_ =	shalt  }
0x51: {  	_ =	shalt  }
0x52: {  	_ =	shalt  }
0x53: {  	_ =	shalt  }
0x54: {  	_ =	shalt  }
0x55: {  	_ =	shalt  }
0x56: {  	_ =	shalt  }
0x57: {  	_ =	shalt  }
0x58: {  	_ =	shalt  }
0x59: {  	_ =	shalt  }
0x5a: {  	_ =	shalt  }
0x5b: {  	_ =	shalt  }
0x5c: {  	_ =	shalt  }
0x5d: {  	_ =	shalt  }
0x5e: {  	_ =	shalt  }
0x5f: {  	_ =	shalt  }
0x60: {  	_ =	shalt  }
0x61: {  	_ =	shalt  }
0x62: {  	_ =	shalt  }
0x63: {  	_ =	shalt  }
0x64: {  	_ =	shalt  }
0x65: {  	_ =	shalt  }
0x66: {  	_ =	shalt  }
0x67: {  	_ =	shalt  }
0x68: {  	_ =	shalt  }
0x69: {  	_ =	shalt  }
0x6a: {  	_ =	shalt  }
0x6b: {  	_ =	shalt  }
0x6c: {  	_ =	shalt  }
0x6d: {  	_ =	shalt  }
0x6e: {  	_ =	shalt  }
0x6f: {  	_ =	shalt  }
0x70: {  	_ =	shalt  }
0x71: {  	_ =	shalt  }
0x72: {  	_ =	shalt  }
0x73: {  	_ =	shalt  }
0x74: {  	_ =	shalt  }
0x75: {  	_ =	shalt  }
0x76: {  	_ =	shalt  }
0x77: {  	_ =	shalt  }
0x78: {  	_ =	shalt  }
0x79: {  	_ =	shalt  }
0x7a: {  	_ =	shalt  }
0x7b: {  	_ =	shalt  }
0x7c: {  	_ =	shalt  }
0x7d: {  	_ =	shalt  }
0x7e: {  	_ =	shalt  }
0x7f: {  	_ =	shalt  }
0x80: {  	_ =	shalt  }
0x81: {  	_ =	shalt  }
0x82: {  	_ =	shalt  }
0x83: {  	_ =	shalt  }
0x84: {  	_ =	shalt  }
0x85: {  	_ =	shalt  }
0x86: {  	_ =	shalt  }
0x87: {  	_ =	shalt  }
.Lfunc_end0:
.L_simem_size_0:
called_computation.2_lowered:
.L_overlay_start_0:
0x88: {  	s2 =	sld [smem:$0x3FD9]  }
0x89: {  	s3 =	sld [smem:$0x3FFE];
	_ =	sdelay $0x1  }
0x8a: {  	s1 =	srdreg.scid  }
0x8b: {  	s0 =	sand.u32 $0x1, s1  }
0x8c: {  	s16 =	sshll.u32 s0, $0xA;
	s2 =	sadd.s32 s3, s2  }
0x8d: {  	s2 =	sadd.s32 s2, s16  }
0x8e: {  	[smem:$0x3FB9] =	sst s2  }
0x8f: {  	_ = 	snop  }
0x90: {  	(tm) =	ssettm $0x1  }
0x91: {  	s17 =	sld [smem:$0x3FFB];
	_ =	sdelay $0x3  }
0x92: {  	_ =	strace s17  }
0x93: {  	s2 =	sld [smem:$0x3FFC];
	_ =	sdelay $0x3  }
0x94: {  	_ =	strace s2  }
0x95: {  	s2 =	sld [smem:$0x3FFD];
	_ =	sdelay $0x3  }
0x96: {  	_ =	strace s2  }
0x97: {  	_ =	strace $0x8FFFFFFF  }
0x98: {  	s18 =	sld [smem:$0x3FDB];
	_ =	sdelay $0x1  }
0x99: {  	s19 =	simm.s32 $_scs_section_size  }
0x9a: {  	s4 =	simm.s32 $_size__tile_overlayer_lowered;
	s5 =	simm.s32 $_tile_overlayer_lowered  }
0x9b: {  	s22 =	simm.s32 $0x1BFF;
	s21 =	sshll.u32 s5, $0x1;
	s2 =	sadd.s32 s19, s18  }
0x9c: {  	s6 =	simm.s32 $0x0;
	s20 =	sshll.u32 s4, $0x1;
	s4 =	sadd.s32 s21, s2  }
0x9d: {  	[timem:s6], [sflag:s22] =	dma.local [hbm:s4], s20  }
0x9e: {  	_ =	swait.ge [sflag:s22], s20  }
0x9f: {  	s3 =	ssub.s32 $0x0, s20;
	[sflag:s22] =	ssyncset.done $0x0  }
0xa0: {  	[sflag:s22] =	ssyncadd.s32 s3;
	_ =	sdelay $0x1  }
0xa1: {  	s23 =	simm.s32 $0x1B8B  }
0xa2: {  	_ =	swait.ge [sflag:s23], $0x1  }
0xa3: {  	[sflag:s23] =	ssyncset.done $0x0  }
0xa4: {  	s25 =	simm.s32 $0x1B8E;
	s24 =	sld [smem:$0x3FFE];
	[sflag:s23] =	ssyncadd.s32 $0xFFFFFFFF  }
0xa5: {  	s26 =	simm.s32 $execute0_lowered;
	[smem:$0x3FD2] =	sst s25  }
0xa6: {  	s4 =	sshll.u32 s26, $0x1;
	_ =	strace $0x8000004C;
	[dreg:$0x1] =	wrdreg $0xFFFFFFFF  }
0xa7: {  	s28 =	simm.s32 $_size_execute0_lowered;
	s2 =	sadd.s32 s2, s4;
	[dreg:$0x0] =	wrdreg $0x0  }
0xa8: {  	s4 =	sshll.u32 s28, $0x1;
	[dreg:$0x2] =	wrdreg s2  }
0xa9: {  	[dreg:$0x3] =	wrdreg s4  }
0xaa: {  	[dreg:$0x4] =	wrdreg $0xC0  }
0xab: {  	_ =	task [dreg:s6], $0x5FFFF  }
0xac: {  	[dreg:$0x1] =	wrdreg $0xFFFFFFFF  }
0xad: {  	[dreg:$0x0] =	wrdreg $0x60  }
0xae: {  	[dreg:$0x2] =	wrdreg s24  }
0xaf: {  	[dreg:$0x3] =	wrdreg $0x9  }
0xb0: {  	_ =	task.clear_ibuf [dreg:s6], $0x4FFFF;
	_ =	strace $0x9000004C  }
0xb1: {  	s29 =	simm.s32 $0x9;
	_ =	strace $0x8000004E  }
0xb2: {  	_ =	swait.ge [sflag:s29], $0x1  }
0xb3: {  	[sflag:s29] =	ssyncadd.s32 $0xFFFFFFFF  }
0xb4: {  	_ =	strace $0x9000004E  }
0xb5: {  	_ =	sfence  }
0xb6: {  	s30 =	sld [smem:$0x0];
	_ =	sdelay $0x2  }
0xb7: {  	s31 =	sshll.u32 s1, $0xD;
	s1 =	sshrl.u32 s1, $0x2  }
0xb8: {  	s3 =	sand.u32 $0x4000, s31;
	s1 =	sadd.s32 s1, s30  }
0xb9: {  	s0 =	sor.u32 s3, s0;
	s1 =	sshll.u32 s1, $0x11  }
0xba: {  	s0 =	sor.u32 s1, s0  }
0xbb: {  	s0 =	sadd.s32 $0x8F2B, s0  }
0xbc: {  	[sflag:s0] =	ssyncadd.remote.s32 $0x1  }
0xbd: {  	_ =	sfence.sel $0xFFFF  }
0xbe: {  	[dreg:$0x0] =	wrdreg $0xFFFFFFFF;
	(pc) =	sbr.abs _section_cstart, $3  }
0xbf: {  	[dreg:$0x1] =	wrdreg $0xFFFFFFFF  }
0xc0: {  	_ =	task.clear_ibuf [dreg:s6], $0x2FFFF;
	_ =	strace $0x9FFFFFFF  }
0xc1: {  	(tm) =	ssettm $0x7FFFFFFF  }
tec
execute0_lowered:
.L_overlay_start_1:
0x0: {  	(tag) =	ssettag $0x1  }
0x1: {  	s1 =	srdreg.scid;
	s0 =	stileid.u32  }
0x2: {  	s5 =	rddreg [dreg:$0x0];
	s2 =	simm.s32 $0x0;
	s8 =	simm.s32 $0x28  }
0x3: {  	s9 =	simm.s32 $0x1;
	s4 =	sand.u32 $0x1, s1;
	s30 =	sshll.u32 s0, $0x1  }
0x4: {  	s10 =	simm.s32 $0x1388;
	s1 =	rddreg [dreg:$0x1];
	s3 =	sor.u32 s4, s30  }
0x5: {  	s11 =	simm.s32 $0x0;
	[smem:$0x7FF] =	sst s2;
	s6 =	smul.u32 $0x271, s3  }
0x6: {  	_ =	strace $0x8000004D;
	s4 =	ssub.s32 $0x2, s4;
	s7 =	smul.u32 $0x2710, s3  }
0x7: {  	s3 =	sadd.s32 $0x32200, s5;
	s31 =	sshrl.u32 s4, $0x1;
	s6 =	sadd.s32 s6, s5  }
0x8: {  	s5 =	sadd.s32 s7, s5;
	s7 =	ssub.s32 s4, s31;
	s4 =	sadd.s32 $0x6000, s6  }
0x9: {  	s5 =	sadd.s32 $0xB1600, s5;
	s6 =	smax.u32 s7, $0x1;
	s7 =	simm.s32 $0x2  }
.LBB2_1:
0xa: {  	[tilespmem:s2], [sflag:$0x2] =	stream.linear.gather [hbm4b:s4+s2], $0x1388, $0x38;
	[tilespmem:$0x14C08] =	vst v63  }
0xb: {  	_ =	swait.ge [sflag:s7], $0x1388  }
0xc: {  	[sflag:s7] =	ssyncset.done $0x0  }
0xd: {  	s12 =	simm.s32 $0x0;
	s13 =	simm.s32 $0x1388;
	[sflag:s7] =	ssyncadd.s32 $0xFFFFEC78  }
0xe: {  	[tilespmem:s13], [sflag:$0x1] =	stream.indirect.gather [hbm4b:s3+s8], $0x10, s12, s8, $0xb8;
	[tilespmem:$0x14C08] =	vst v63  }
0xf: {  	s23 =	simm.s32 $0x1608;
	s24 =	simm.s32 $0x28  }
0x10: {  	[tilespmem:s23], [sflag:$0x1] =	stream.indirect.gather [hbm4b:s3+s8], $0x10, s24, s8, $0xb8;
	[tilespmem:$0x14C08] =	vst v63  }
0x11: {  	s25 =	simm.s32 $0x1888;
	s26 =	simm.s32 $0x50  }
0x12: {  	[tilespmem:s25], [sflag:$0x1] =	stream.indirect.gather [hbm4b:s3+s8], $0x10, s26, s8, $0xb8;
	[tilespmem:$0x14C08] =	vst v63  }
0x13: {  	s28 =	simm.s32 $0x1B08;
	s29 =	simm.s32 $0x78  }
0x14: {  	[tilespmem:s28], [sflag:$0x1] =	stream.indirect.gather [hbm4b:s3+s8], $0x10, s29, s8, $0xb8;
	[tilespmem:$0x14C08] =	vst v63  }
0x15: {  	s30 =	simm.s32 $0xA0;
	s31 =	simm.s32 $0x1D88  }
0x16: {  	[tilespmem:s31], [sflag:$0x1] =	stream.indirect.gather [hbm4b:s3+s8], $0x10, s30, s8, $0xb8;
	[tilespmem:$0x14C08] =	vst v63  }
0x17: {  	_ =	swait.ge [sflag:s9], $0x280  }
0x18: {  	[sflag:s9] =	ssyncset.done $0x0  }
0x19: {  	[sflag:s9] =	ssyncadd.s32 $0xFFFFFD80  }
0x1a: {  	_ =	swait.ge [sflag:s9], $0x280  }
0x1b: {  	[sflag:s9] =	ssyncset.done $0x0  }
0x1c: {  	[sflag:s9] =	ssyncadd.s32 $0xFFFFFD80  }
0x1d: {  	_ =	swait.ge [sflag:s9], $0x280  }
0x1e: {  	[sflag:s9] =	ssyncset.done $0x0  }
0x1f: {  	[sflag:s9] =	ssyncadd.s32 $0xFFFFFD80  }
0x20: {  	_ =	swait.ge [sflag:s9], $0x280  }
0x21: {  	[sflag:s9] =	ssyncset.done $0x0  }
0x22: {  	s14 =	simm.s32 $0xC8;
	[sflag:s9] =	ssyncadd.s32 $0xFFFFFD80  }
0x23: {  	s16 =	simm.s32 $0x6400;
	s15 =	simm.s32 $0xC80;
	_ =	swait.ge [sflag:s9], $0x280  }
0x24: {  	s12 =	simm.s32 $0x168;
	s13 =	simm.s32 $0x230;
	[sflag:s9] =	ssyncset.done $0x0  }
.LBB2_2:
0x25: {  	s17 =	sadd.s32 $0xFFFFFF60, s13  }
0x26: {  	s18 =	sadd.s32 $0x1388, s15;
	[sflag:s9] =	ssyncadd.s32 $0xFFFFFD80;
	s19 =	smov.u32 s16  }
0x27: {  	[tilespmem:s18], [sflag:$0x1] =	stream.indirect.gather [hbm4b:s3+s8], $0x10, s14, s8, $0xb8;
	[tilespmem:$0x14C08] =	vst v63  }
0x28: {  	s20 =	sadd.s32 $0xFFFFFF88, s12;
	s18 =	sadd.s32 $0x3200, s16;
	s14 =	sadd.s32 $0x1608, s15  }
0x29: {  	[tilespmem:s14], [sflag:$0x1] =	stream.indirect.gather [hbm4b:s3+s8], $0x10, s20, s8, $0xb8;
	[tilespmem:$0x14C08] =	vst v63  }
0x2a: {  	p0 =	sne.s32 s16, $0x4B000;
	s16 =	sadd.s32 $0xFFFFFFB0, s12;
	s14 =	sadd.s32 $0x1888, s15  }
0x2b: {  	[tilespmem:s14], [sflag:$0x1] =	stream.indirect.gather [hbm4b:s3+s8], $0x10, s16, s8, $0xb8;
	[tilespmem:$0x14C08] =	vst v63  }
0x2c: {  	s20 =	sadd.s32 $0xFFFFFFD8, s12;
	s16 =	sadd.s32 $0x1B08, s15;
	s14 =	smov.u32 s17  }
0x2d: {  	[tilespmem:s16], [sflag:$0x1] =	stream.indirect.gather [hbm4b:s3+s8], $0x10, s20, s8, $0xb8;
	[tilespmem:$0x14C08] =	vst v63  }
0x2e: {  	s15 =	sadd.s32 $0x1D88, s15  }
0x2f: {  	[tilespmem:s15], [sflag:$0x1] =	stream.indirect.gather [hbm4b:s3+s8], $0x10, s12, s8, $0xb8;
	[tilespmem:$0x14C08] =	vst v63  }
0x30: {  	s12 =	smov.u32 s13;
	_ =	swait.ge [sflag:s9], $0x280  }
0x31: {  	[sflag:s9] =	ssyncset.done $0x0  }
0x32: {  	[sflag:s9] =	ssyncadd.s32 $0xFFFFFD80  }
0x33: {  	_ =	swait.ge [sflag:s9], $0x280  }
0x34: {  	[sflag:s9] =	ssyncset.done $0x0  }
0x35: {  	[sflag:s9] =	ssyncadd.s32 $0xFFFFFD80  }
0x36: {  	_ =	swait.ge [sflag:s9], $0x280  }
0x37: {  	[sflag:s9] =	ssyncset.done $0x0  }
0x38: {  	[sflag:s9] =	ssyncadd.s32 $0xFFFFFD80  }
.Ltmp0:
0x39: {  	_ =	swait.ge [sflag:s9], $0x280;
	(pc) =	sbr.rel @p0 .LBB2_2-.Ltmp0, $4  }
0x3a: {  	[sflag:s9] =	ssyncset.done $0x0  }
0x3b: {  	[sflag:s9] =	ssyncadd.s32 $0xFFFFFD80  }
0x3c: {  	s16 =	smov.u32 s18;
	_ =	swait.ge [sflag:s9], $0x280  }
0x3d: {  	s15 =	sshra.s32 s19, $0x2;
	s13 =	sadd.s32 $0xC8, s13;
	[sflag:s9] =	ssyncset.done $0x0  }
0x3e: {  	s13 =	sadd.s32 $0x1388, s15;
	[sflag:s9] =	ssyncadd.s32 $0xFFFFFD80  }
0x3f: {  	[tilespmem:s13], [sflag:$0x1] =	stream.indirect.gather [hbm4b:s3+s8], $0x10, s14, s8, $0xb8;
	[tilespmem:$0x14C08] =	vst v63  }
0x40: {  	s24 =	sadd.s32 $0x1608, s15;
	s25 =	sadd.s32 $0xFFFFFF88, s12  }
0x41: {  	[tilespmem:s24], [sflag:$0x1] =	stream.indirect.gather [hbm4b:s3+s8], $0x10, s25, s8, $0xb8;
	[tilespmem:$0x14C08] =	vst v63  }
0x42: {  	s26 =	sadd.s32 $0x1888, s15;
	s28 =	sadd.s32 $0xFFFFFFB0, s12  }
0x43: {  	[tilespmem:s26], [sflag:$0x1] =	stream.indirect.gather [hbm4b:s3+s8], $0x10, s28, s8, $0xb8;
	[tilespmem:$0x14C08] =	vst v63  }
0x44: {  	s29 =	sadd.s32 $0x1B08, s15;
	s30 =	sadd.s32 $0xFFFFFFD8, s12  }
0x45: {  	[tilespmem:s29], [sflag:$0x1] =	stream.indirect.gather [hbm4b:s3+s8], $0x10, s30, s8, $0xb8;
	[tilespmem:$0x14C08] =	vst v63  }
0x46: {  	s31 =	sadd.s32 $0x1D88, s15  }
0x47: {  	[tilespmem:s31], [sflag:$0x1] =	stream.indirect.gather [hbm4b:s3+s8], $0x10, s12, s8, $0xb8;
	[tilespmem:$0x14C08] =	vst v63  }
0x48: {  	_ =	swait.ge [sflag:s9], $0x280  }
0x49: {  	[sflag:s9] =	ssyncset.done $0x0  }
0x4a: {  	[sflag:s9] =	ssyncadd.s32 $0xFFFFFD80  }
0x4b: {  	_ =	swait.ge [sflag:s9], $0x280  }
0x4c: {  	[sflag:s9] =	ssyncset.done $0x0  }
0x4d: {  	[sflag:s9] =	ssyncadd.s32 $0xFFFFFD80  }
0x4e: {  	_ =	swait.ge [sflag:s9], $0x280  }
0x4f: {  	[sflag:s9] =	ssyncset.done $0x0  }
0x50: {  	[sflag:s9] =	ssyncadd.s32 $0xFFFFFD80  }
0x51: {  	_ =	swait.ge [sflag:s9], $0x280  }
0x52: {  	[sflag:s9] =	ssyncset.done $0x0  }
0x53: {  	[sflag:s9] =	ssyncadd.s32 $0xFFFFFD80  }
0x54: {  	s11 =	sadd.s32 $0x1, s11;
	_ =	swait.ge [sflag:s9], $0x280  }
0x55: {  	p0 =	sne.s32 s11, s6;
	[sflag:s9] =	ssyncset.done $0x0  }
.Ltmp1:
0x56: {  	[sflag:s9] =	ssyncadd.s32 $0xFFFFFD80;
	(pc) =	sbr.rel @p0 .LBB2_1-.Ltmp1, $4  }
0x57: {  	[hbm4b:s5+s2] =	stream.linear.scatter [tilespmem:s10], [sflag:$0x2], $0x13880, $0x38;
	[tilespmem:$0x14C08] =	vst v63  }
0x58: {  	_ =	swait.ge [sflag:s7], $0x13880  }
0x59: {  	[sflag:s7] =	ssyncset.done $0x0  }
0x5a: {  	[sflag:s7] =	ssyncadd.s32 $0xFFFEC780  }
0x5b: {  	_ =	sfence.sel $0x180000  }
0x5c: {  	[bflag:$0x0] =	sbarrier.arrive $0xFFFF  }
0x5d: {  	p0 =	sne.s32 s0, $0x0;
	_ =	strace $0x9000004D  }
0x5e: {  	s0 =	sadd.s32 @!p0 $0x100000, s1;
	[bflag:$0x2] =	sbarrier.arrive $0xFFFF  }
0x5f: {  	[sflag:s0] =	ssyncadd.tile.s32 @!p0 $0x1;
	_ =	shalt  }
.Lfunc_end2:
_tile_overlayer_lowered:
.L_overlay_start_2:
0x60: {  	(tag) =	ssettag $0x2  }
0x61: {  	s0 =	rddreg [dreg:$0x0];
	s2 =	stileid.u32  }
0x62: {  	s1 =	rddreg [dreg:$0x1];
	p0 =	sne.s32 s2, $0x0  }
0x63: {  	s3 =	rddreg [dreg:$0x2];
	[bflag:$0x3] =	sbarrier.arrive $0xFFFF;
	s2 =	simm.s32 @!p0 $0x1C02  }
0x64: {  	[timem:s3], [sflag:s2] =	dma.local @!p0 [hbm:s0], s1  }
0x65: {  	s0 =	simm.s32 @!p0 $0x2  }
0x66: {  	_ =	swait.ge @!p0 [sflag:s0], s1  }
0x67: {  	s1 =	ssub.s32 @!p0 $0x0, s1;
	[sflag:s0] =	ssyncset.done @!p0 $0x0  }
0x68: {  	[sflag:s0] =	ssyncadd.s32 @!p0 s1  }
0x69: {  	[bflag:$0x3] =	sbarrier.arrive $0xFFFF  }
0x6a: {  	_ =	shalt  }

// kernel: kernel.20.cloned.1.call-start
scs
__scs_entry_jumppad:
0x0: {  	(pc) =	sbr.rel $0x88, $3  }
0x1: {  	(tag) =	ssettag $0x0;
	lr =	simm.s32 $0x1  }
0x2: {  	[smem:$0x3F92] =	sst lr;
	_ =	strace $0xD0000000  }
0x3: {  	_ = 	snop  }
0x4: {  	_ = 	snop  }
0x5: {  	_ = 	snop  }
0x6: {  	_ = 	snop  }
0x7: {  	_ = 	snop  }
__scs_overlays_trampoline_lowered:
0x8: {  	[smem:$0x3FA1] =	sst s0  }
0x9: {  	[smem:$0x3FA2] =	sst s1  }
0xa: {  	[smem:$0x3FA3] =	sst s2  }
0xb: {  	[smem:$0x3FA4] =	sst s3  }
0xc: {  	[smem:$0x3FA5] =	sst s4  }
0xd: {  	[smem:$0x3FA6] =	sst s5  }
0xe: {  	[smem:$0x3FA7] =	sst s6  }
0xf: {  	[smem:$0x3FA8] =	sst s7  }
0x10: {  	[smem:$0x3FA9] =	sst s8  }
0x11: {  	[smem:$0x3FAA] =	sst s9;
	s0 =	simm.s32 @!p0 $0x0  }
0x12: {  	s1 =	sld [smem:$0x3F90];
	s0 =	simm.s32 @p0 $0x1  }
0x13: {  	[smem:$0x3FAB] =	sst s0;
	s0 =	simm.s32 @!p1 $0x0  }
0x14: {  	s2 =	sld [smem:$0x3F8F];
	s0 =	simm.s32 @p1 $0x1  }
0x15: {  	[smem:$0x3FAC] =	sst s0;
	s0 =	simm.s32 @!p2 $0x0  }
0x16: {  	s3 =	sld [smem:$0x3FDB];
	s0 =	simm.s32 @p2 $0x1  }
0x17: {  	s4 =	simm.s32 $0x1BF5;
	[smem:$0x3FAE] =	sst s0  }
0x18: {  	s0 =	sld [smem:$0x3F91];
	_ =	swait.ge [sflag:s4], $0x0  }
0x19: {  	s7 =	sld [smem:$0x3F92]  }
0x1a: {  	s8 =	sadd.s32 $0xFFFFE003, lr  }
0x1b: {  	s9 =	sadd.s32 $0xFFFFFEF7, lr;
	s5 =	simm.s32 $0xFFFFFFFF;
	p2 =	slt.u32 s8, $0xFFFFF086  }
0x1c: {  	p1 =	slt.u32 s9, $0xF7A;
	s5 =	simm.s32 @!p2 $0x0  }
0x1d: {  	s5 =	simm.s32 @p1 $0x1;
	p0 =	seq.s32 s7, s2  }
0x1e: {  	s7 =	smul.u32 @!p0 $0xF7A, s2;
	p2 =	seq.s32 @!p0 s5, $0x0  }
0x1f: {  	s9 =	smul.u32 $0xF7A, s1;
	s8 =	simm.s32 @!p0 $0x1BF5;
	p2 =	por !p2, p0  }
0x20: {  	[sflag:s8] =	ssyncset.s32 @!p0 $0xFFFFF086;
	s6 =	sadd.s32 @!p0 s3, s7;
	s7 =	simm.s32 @!p0 $0x108  }
0x21: {  	s3 =	sadd.s32 s3, s9;
	s6 =	sadd.s32 @!p0 $0x88, s6;
	s7 =	simm.s32 @p2 $0x1082  }
0x22: {  	[simem:s7], [sflag:s8] =	dma.local @!p0 [hbm:s6], $0xF7A  }
0x23: {  	s9 =	sor.u32 $0xD0000000, s2;
	s6 =	simm.s32 $0x108;
	_ =	swait.ge @!p0 [sflag:s8], $0x0  }
0x24: {  	s3 =	sadd.s32 $0x88, s3;
	s6 =	simm.s32 @!p1 $0x1082;
	[sflag:s4] =	ssyncset.s32 $0xFFFFF086  }
0x25: {  	[simem:s6], [sflag:s4] =	dma.local [hbm:s3], $0xF7A  }
0x26: {  	[smem:$0x3F92] =	sst s1;
	(tag) =	ssettag s2;
	_ =	strace s9  }
0x27: {  	s1 =	sld [smem:$0x3FA2]  }
0x28: {  	s2 =	sld [smem:$0x3FA3]  }
0x29: {  	s4 =	sld [smem:$0x3FA5]  }
0x2a: {  	p0 =	seq.s32 s5, $0x0;
	s5 =	sld [smem:$0x3FA6]  }
0x2b: {  	s6 =	sld [smem:$0x3FA7]  }
0x2c: {  	s7 =	sld [smem:$0x3FA8]  }
0x2d: {  	s3 =	simm.s32 $0x108;
	s8 =	sld [smem:$0x3FA9]  }
0x2e: {  	s3 =	simm.s32 @!p0 $0x1082;
	s9 =	sld [smem:$0x3FAA]  }
0x2f: {  	lr =	sadd.s32 s0, s3;
	s0 =	sld [smem:$0x3FA1]  }
0x30: {  	s3 =	sld [smem:$0x3FA4]  }
0x31: {  	[smem:$0x3FAD] =	sst s10  }
0x32: {  	s10 =	sld [smem:$0x3FAB];
	_ =	sdelay $0x3  }
0x33: {  	p0 =	seq.s32 s10, $0x1;
	s10 =	sld [smem:$0x3FAD];
	_ =	sdelay $0x3  }
0x34: {  	[smem:$0x3FAD] =	sst s10  }
0x35: {  	s10 =	sld [smem:$0x3FAC];
	_ =	sdelay $0x3  }
0x36: {  	p1 =	seq.s32 s10, $0x1;
	s10 =	sld [smem:$0x3FAD];
	_ =	sdelay $0x3  }
0x37: {  	[smem:$0x3FAD] =	sst s10  }
0x38: {  	s10 =	sld [smem:$0x3FAE]  }
0x39: {  	_ = 	snop;
	(pc) =	sbr.ind lr, $3  }
0x3a: {  	_ = 	snop  }
0x3b: {  	_ = 	snop  }
0x3c: {  	p2 =	seq.s32 s10, $0x1;
	s10 =	sld [smem:$0x3FAD]  }
0x3d: {  	_ =	shalt  }
0x3e: {  	_ =	shalt  }
0x3f: {  	_ =	shalt  }
0x40: {  	_ =	shalt  }
0x41: {  	_ =	shalt  }
0x42: {  	_ =	shalt  }
0x43: {  	_ =	shalt  }
0x44: {  	_ =	shalt  }
0x45: {  	_ =	shalt  }
0x46: {  	_ =	shalt  }
0x47: {  	_ =	shalt  }
0x48: {  	_ =	shalt  }
0x49: {  	_ =	shalt  }
0x4a: {  	_ =	shalt  }
0x4b: {  	_ =	shalt  }
0x4c: {  	_ =	shalt  }
0x4d: {  	_ =	shalt  }
0x4e: {  	_ =	shalt  }
0x4f: {  	_ =	shalt  }
0x50: {  	_ =	shalt  }
0x51: {  	_ =	shalt  }
0x52: {  	_ =	shalt  }
0x53: {  	_ =	shalt  }
0x54: {  	_ =	shalt  }
0x55: {  	_ =	shalt  }
0x56: {  	_ =	shalt  }
0x57: {  	_ =	shalt  }
0x58: {  	_ =	shalt  }
0x59: {  	_ =	shalt  }
0x5a: {  	_ =	shalt  }
0x5b: {  	_ =	shalt  }
0x5c: {  	_ =	shalt  }
0x5d: {  	_ =	shalt  }
0x5e: {  	_ =	shalt  }
0x5f: {  	_ =	shalt  }
0x60: {  	_ =	shalt  }
0x61: {  	_ =	shalt  }
0x62: {  	_ =	shalt  }
0x63: {  	_ =	shalt  }
0x64: {  	_ =	shalt  }
0x65: {  	_ =	shalt  }
0x66: {  	_ =	shalt  }
0x67: {  	_ =	shalt  }
0x68: {  	_ =	shalt  }
0x69: {  	_ =	shalt  }
0x6a: {  	_ =	shalt  }
0x6b: {  	_ =	shalt  }
0x6c: {  	_ =	shalt  }
0x6d: {  	_ =	shalt  }
0x6e: {  	_ =	shalt  }
0x6f: {  	_ =	shalt  }
0x70: {  	_ =	shalt  }
0x71: {  	_ =	shalt  }
0x72: {  	_ =	shalt  }
0x73: {  	_ =	shalt  }
0x74: {  	_ =	shalt  }
0x75: {  	_ =	shalt  }
0x76: {  	_ =	shalt  }
0x77: {  	_ =	shalt  }
0x78: {  	_ =	shalt  }
0x79: {  	_ =	shalt  }
0x7a: {  	_ =	shalt  }
0x7b: {  	_ =	shalt  }
0x7c: {  	_ =	shalt  }
0x7d: {  	_ =	shalt  }
0x7e: {  	_ =	shalt  }
0x7f: {  	_ =	shalt  }
0x80: {  	_ =	shalt  }
0x81: {  	_ =	shalt  }
0x82: {  	_ =	shalt  }
0x83: {  	_ =	shalt  }
0x84: {  	_ =	shalt  }
0x85: {  	_ =	shalt  }
0x86: {  	_ =	shalt  }
0x87: {  	_ =	shalt  }
.Lfunc_end0:
.L_simem_size_0:
called_computation.3_lowered:
.L_overlay_start_0:
0x88: {  	s2 =	sld [smem:$0x3FD9]  }
0x89: {  	s3 =	sld [smem:$0x3FFE];
	_ =	sdelay $0x1  }
0x8a: {  	s1 =	srdreg.scid  }
0x8b: {  	s0 =	sand.u32 $0x1, s1  }
0x8c: {  	s16 =	sshll.u32 s0, $0xA;
	s2 =	sadd.s32 s3, s2  }
0x8d: {  	s2 =	sadd.s32 s2, s16  }
0x8e: {  	[smem:$0x3FB9] =	sst s2  }
0x8f: {  	_ = 	snop  }
0x90: {  	(tm) =	ssettm $0x1  }
0x91: {  	s17 =	sld [smem:$0x3FFB];
	_ =	sdelay $0x3  }
0x92: {  	_ =	strace s17  }
0x93: {  	s2 =	sld [smem:$0x3FFC];
	_ =	sdelay $0x3  }
0x94: {  	_ =	strace s2  }
0x95: {  	s2 =	sld [smem:$0x3FFD];
	_ =	sdelay $0x3  }
0x96: {  	_ =	strace s2  }
0x97: {  	_ =	strace $0x8FFFFFFF  }
0x98: {  	s18 =	sld [smem:$0x3FDB];
	_ =	sdelay $0x1  }
0x99: {  	s19 =	simm.s32 $_scs_section_size  }
0x9a: {  	s4 =	simm.s32 $_size__tile_overlayer_lowered;
	s5 =	simm.s32 $_tile_overlayer_lowered  }
0x9b: {  	s22 =	simm.s32 $0x1BFF;
	s21 =	sshll.u32 s5, $0x1;
	s2 =	sadd.s32 s19, s18  }
0x9c: {  	s6 =	simm.s32 $0x0;
	s20 =	sshll.u32 s4, $0x1;
	s4 =	sadd.s32 s21, s2  }
0x9d: {  	[timem:s6], [sflag:s22] =	dma.local [hbm:s4], s20  }
0x9e: {  	_ =	swait.ge [sflag:s22], s20  }
0x9f: {  	s3 =	ssub.s32 $0x0, s20;
	[sflag:s22] =	ssyncset.done $0x0  }
0xa0: {  	[sflag:s22] =	ssyncadd.s32 s3;
	_ =	sdelay $0x1  }
0xa1: {  	s23 =	simm.s32 $0x1B8B  }
0xa2: {  	_ =	swait.ge [sflag:s23], $0x1  }
0xa3: {  	[sflag:s23] =	ssyncset.done $0x0  }
0xa4: {  	s25 =	simm.s32 $0x1B8E;
	s24 =	sld [smem:$0x3FFE];
	[sflag:s23] =	ssyncadd.s32 $0xFFFFFFFF  }
0xa5: {  	s26 =	simm.s32 $execute0_lowered;
	[smem:$0x3FD2] =	sst s25  }
0xa6: {  	s4 =	sshll.u32 s26, $0x1;
	_ =	strace $0x8000004F;
	[dreg:$0x1] =	wrdreg $0xFFFFFFFF  }
0xa7: {  	s28 =	simm.s32 $_size_execute0_lowered;
	s2 =	sadd.s32 s2, s4;
	[dreg:$0x0] =	wrdreg $0x0  }
0xa8: {  	s4 =	sshll.u32 s28, $0x1;
	[dreg:$0x2] =	wrdreg s2  }
0xa9: {  	[dreg:$0x3] =	wrdreg s4  }
0xaa: {  	[dreg:$0x4] =	wrdreg $0xC0  }
0xab: {  	_ =	task [dreg:s6], $0x5FFFF  }
0xac: {  	[dreg:$0x1] =	wrdreg $0xFFFFFFFF  }
0xad: {  	[dreg:$0x0] =	wrdreg $0x60  }
0xae: {  	[dreg:$0x2] =	wrdreg s24  }
0xaf: {  	[dreg:$0x3] =	wrdreg $0x14C080  }
0xb0: {  	[dreg:$0x4] =	wrdreg $0x9  }
0xb1: {  	_ =	task.clear_ibuf [dreg:s6], $0x5FFFF;
	_ =	strace $0x9000004F  }
0xb2: {  	s29 =	simm.s32 $0x9;
	_ =	strace $0x80000051  }
0xb3: {  	_ =	swait.ge [sflag:s29], $0x1  }
0xb4: {  	[sflag:s29] =	ssyncadd.s32 $0xFFFFFFFF  }
0xb5: {  	_ =	strace $0x90000051  }
0xb6: {  	_ =	sfence  }
0xb7: {  	s30 =	sld [smem:$0x0];
	_ =	sdelay $0x2  }
0xb8: {  	s31 =	sshll.u32 s1, $0xD;
	s1 =	sshrl.u32 s1, $0x2  }
0xb9: {  	s3 =	sand.u32 $0x4000, s31;
	s1 =	sadd.s32 s1, s30  }
0xba: {  	s0 =	sor.u32 s3, s0;
	s1 =	sshll.u32 s1, $0x11  }
0xbb: {  	s0 =	sor.u32 s1, s0  }
0xbc: {  	s0 =	sadd.s32 $0x8F2B, s0  }
0xbd: {  	[sflag:s0] =	ssyncadd.remote.s32 $0x1  }
0xbe: {  	_ =	sfence.sel $0xFFFF  }
0xbf: {  	[dreg:$0x0] =	wrdreg $0xFFFFFFFF;
	(pc) =	sbr.abs _section_cstart, $3  }
0xc0: {  	[dreg:$0x1] =	wrdreg $0xFFFFFFFF  }
0xc1: {  	_ =	task.clear_ibuf [dreg:s6], $0x2FFFF;
	_ =	strace $0x9FFFFFFF  }
0xc2: {  	(tm) =	ssettm $0x7FFFFFFF  }
0xc3: {  	_ =	shalt  }
tec
execute0_lowered:
.L_overlay_start_1:
0x0: {  	(tag) =	ssettag $0x1  }
0x1: {  	s1 =	srdreg.scid  }
0x2: {  	s0 =	stileid.u32;
	s5 =	rddreg [dreg:$0x0]  }
0x3: {  	s2 =	rddreg [dreg:$0x1];
	s3 =	simm.s32 $0x0;
	s14 =	simm.s32 $0x1  }
0x4: {  	s4 =	sand.u32 $0x1, s1;
	s25 =	sshll.u32 s0, $0x1;
	s8 =	smul.u32 $0x2710, s0  }
0x5: {  	s15 =	simm.s32 $0x0;
	s1 =	sor.u32 s4, s25;
	s9 =	smul.u32 $0x27100, s4  }
0x6: {  	[smem:$0x7FF] =	sst s3;
	s31 =	sshll.u32 s0, $0x6;
	s6 =	smul.u32 $0x2710, s1  }
0x7: {  	s4 =	ssub.s32 $0x2, s4;
	s7 =	smul.u32 $0x271, s1;
	s1 =	rddreg [dreg:$0x2]  }
0x8: {  	_ =	strace $0x80000050;
	s29 =	sshrl.u32 s8, $0x3;
	s30 =	sshrl.u32 s4, $0x1  }
0x9: {  	s13 =	sadd.s32 s8, s2;
	s28 =	sadd.s32 s8, s9;
	s9 =	sadd.s32 s29, s5  }
0xa: {  	s12 =	ssub.s32 s4, s30;
	s10 =	sadd.s32 s6, s5;
	s26 =	sadd.s32 s7, s5  }
0xb: {  	s7 =	sshrl.u32 s28, $0x3;
	s4 =	sadd.s32 $0x80400, s9;
	s9 =	smax.u32 s12, $0x1  }
0xc: {  	s12 =	simm.s32 $0x1388;
	s11 =	sadd.s32 s7, s5;
	s5 =	sor.u32 $0x1C02, s31  }
0xd: {  	s6 =	sadd.s32 $0x85400, s26;
	s7 =	sadd.s32 $0x32200, s10;
	s10 =	sshrl.u32 s13, $0x3  }
0xe: {  	s13 =	simm.s32 $0x28;
	s8 =	sadd.s32 $0xB1600, s11;
	s11 =	simm.s32 $0x2  }
.LBB2_1:
0xf: {  	[spmem:s10], [sflag:s5] =	dma.local [hbm:s4], $0x4E2  }
0x10: {  	_ =	swait.ge [sflag:s11], $0x4E2  }
0x11: {  	[sflag:s11] =	ssyncset.done $0x0  }
0x12: {  	[sflag:s11] =	ssyncadd.s32 $0xFFFFFB1E  }
0x13: {  	[tilespmem:s3], [sflag:$0x2] =	stream.linear.gather [hbm4b:s6+s3], $0x1388, $0x38;
	[tilespmem:$0x17318] =	vst v63  }
0x14: {  	_ =	swait.ge [sflag:s11], $0x1388  }
0x15: {  	[sflag:s11] =	ssyncset.done $0x0  }
0x16: {  	[sflag:s11] =	ssyncadd.s32 $0xFFFFEC78  }
0x17: {  	[tilespmem:s12], [sflag:$0x2] =	stream.linear.gather [hbm4b:s7+s3], $0x13880, $0x38;
	[tilespmem:$0x17318] =	vst v63  }
0x18: {  	_ =	swait.ge [sflag:s11], $0x13880  }
0x19: {  	[sflag:s11] =	ssyncset.done $0x0  }
0x1a: {  	[sflag:s11] =	ssyncadd.s32 $0xFFFEC780  }
0x1b: {  	s16 =	simm.s32 $0x0;
	s17 =	simm.s32 $0x1388;
	[bflag:$0x0] =	sbarrier.arrive $0xFFFF  }
0x1c: {  	[spmem:s2] =	stream.indirect.scatter.add.f32 [tilespmem:s17], [sflag:$0x1], $0x10, s16, s13, $0xb8;
	[tilespmem:$0x17318] =	vst v63  }
0x1d: {  	s23 =	simm.s32 $0x1608;
	s24 =	simm.s32 $0x28  }
0x1e: {  	[spmem:s2] =	stream.indirect.scatter.add.f32 [tilespmem:s23], [sflag:$0x1], $0x10, s24, s13, $0xb8;
	[tilespmem:$0x17318] =	vst v63  }
0x1f: {  	s25 =	simm.s32 $0x1888;
	s26 =	simm.s32 $0x50  }
0x20: {  	[spmem:s2] =	stream.indirect.scatter.add.f32 [tilespmem:s25], [sflag:$0x1], $0x10, s26, s13, $0xb8;
	[tilespmem:$0x17318] =	vst v63  }
0x21: {  	s28 =	simm.s32 $0x1B08;
	s29 =	simm.s32 $0x78  }
0x22: {  	[spmem:s2] =	stream.indirect.scatter.add.f32 [tilespmem:s28], [sflag:$0x1], $0x10, s29, s13, $0xb8;
	[tilespmem:$0x17318] =	vst v63  }
0x23: {  	s30 =	simm.s32 $0xA0;
	s31 =	simm.s32 $0x1D88  }
0x24: {  	[spmem:s2] =	stream.indirect.scatter.add.f32 [tilespmem:s31], [sflag:$0x1], $0x10, s30, s13, $0xb8;
	[tilespmem:$0x17318] =	vst v63  }
0x25: {  	_ =	swait.ge [sflag:s14], $0x280  }
0x26: {  	[sflag:s14] =	ssyncset.done $0x0  }
0x27: {  	[sflag:s14] =	ssyncadd.s32 $0xFFFFFD80  }
0x28: {  	_ =	swait.ge [sflag:s14], $0x280  }
0x29: {  	[sflag:s14] =	ssyncset.done $0x0  }
0x2a: {  	[sflag:s14] =	ssyncadd.s32 $0xFFFFFD80  }
0x2b: {  	_ =	swait.ge [sflag:s14], $0x280  }
0x2c: {  	[sflag:s14] =	ssyncset.done $0x0  }
0x2d: {  	[sflag:s14] =	ssyncadd.s32 $0xFFFFFD80  }
0x2e: {  	_ =	swait.ge [sflag:s14], $0x280  }
0x2f: {  	[sflag:s14] =	ssyncset.done $0x0  }
0x30: {  	s18 =	simm.s32 $0xC8;
	[sflag:s14] =	ssyncadd.s32 $0xFFFFFD80  }
0x31: {  	s20 =	simm.s32 $0x6400;
	s19 =	simm.s32 $0xC80;
	_ =	swait.ge [sflag:s14], $0x280  }
0x32: {  	s16 =	simm.s32 $0x168;
	s17 =	simm.s32 $0x230;
	[sflag:s14] =	ssyncset.done $0x0  }
.LBB2_2:
0x33: {  	s21 =	sadd.s32 $0xFFFFFF60, s17  }
0x34: {  	s22 =	sadd.s32 $0x1388, s19;
	[sflag:s14] =	ssyncadd.s32 $0xFFFFFD80;
	s23 =	smov.u32 s20  }
0x35: {  	[spmem:s2] =	stream.indirect.scatter.add.f32 [tilespmem:s22], [sflag:$0x1], $0x10, s18, s13, $0xb8;
	[tilespmem:$0x17318] =	vst v63  }
0x36: {  	s24 =	sadd.s32 $0xFFFFFF88, s16;
	s22 =	sadd.s32 $0x3200, s20;
	s18 =	sadd.s32 $0x1608, s19  }
0x37: {  	[spmem:s2] =	stream.indirect.scatter.add.f32 [tilespmem:s18], [sflag:$0x1], $0x10, s24, s13, $0xb8;
	[tilespmem:$0x17318] =	vst v63  }
0x38: {  	p0 =	sne.s32 s20, $0x4B000;
	s20 =	sadd.s32 $0xFFFFFFB0, s16;
	s18 =	sadd.s32 $0x1888, s19  }
0x39: {  	[spmem:s2] =	stream.indirect.scatter.add.f32 [tilespmem:s18], [sflag:$0x1], $0x10, s20, s13, $0xb8;
	[tilespmem:$0x17318] =	vst v63  }
0x3a: {  	s24 =	sadd.s32 $0xFFFFFFD8, s16;
	s20 =	sadd.s32 $0x1B08, s19;
	s18 =	smov.u32 s21  }
0x3b: {  	[spmem:s2] =	stream.indirect.scatter.add.f32 [tilespmem:s20], [sflag:$0x1], $0x10, s24, s13, $0xb8;
	[tilespmem:$0x17318] =	vst v63  }
0x3c: {  	s19 =	sadd.s32 $0x1D88, s19  }
0x3d: {  	[spmem:s2] =	stream.indirect.scatter.add.f32 [tilespmem:s19], [sflag:$0x1], $0x10, s16, s13, $0xb8;
	[tilespmem:$0x17318] =	vst v63  }
0x3e: {  	s16 =	smov.u32 s17;
	_ =	swait.ge [sflag:s14], $0x280  }
0x3f: {  	[sflag:s14] =	ssyncset.done $0x0  }
0x40: {  	[sflag:s14] =	ssyncadd.s32 $0xFFFFFD80  }
0x41: {  	_ =	swait.ge [sflag:s14], $0x280  }
0x42: {  	[sflag:s14] =	ssyncset.done $0x0  }
0x43: {  	[sflag:s14] =	ssyncadd.s32 $0xFFFFFD80  }
0x44: {  	_ =	swait.ge [sflag:s14], $0x280  }
0x45: {  	[sflag:s14] =	ssyncset.done $0x0  }
0x46: {  	[sflag:s14] =	ssyncadd.s32 $0xFFFFFD80  }
.Ltmp0:
0x47: {  	_ =	swait.ge [sflag:s14], $0x280;
	(pc) =	sbr.rel @p0 .LBB2_2-.Ltmp0, $4  }
0x48: {  	[sflag:s14] =	ssyncset.done $0x0  }
0x49: {  	[sflag:s14] =	ssyncadd.s32 $0xFFFFFD80  }
0x4a: {  	s20 =	smov.u32 s22;
	_ =	swait.ge [sflag:s14], $0x280  }
0x4b: {  	s19 =	sshra.s32 s23, $0x2;
	s17 =	sadd.s32 $0xC8, s17;
	[sflag:s14] =	ssyncset.done $0x0  }
0x4c: {  	s17 =	sadd.s32 $0x1388, s19;
	[sflag:s14] =	ssyncadd.s32 $0xFFFFFD80  }
0x4d: {  	[spmem:s2] =	stream.indirect.scatter.add.f32 [tilespmem:s17], [sflag:$0x1], $0x10, s18, s13, $0xb8;
	[tilespmem:$0x17318] =	vst v63  }
0x4e: {  	s24 =	sadd.s32 $0x1608, s19;
	s25 =	sadd.s32 $0xFFFFFF88, s16  }
0x4f: {  	[spmem:s2] =	stream.indirect.scatter.add.f32 [tilespmem:s24], [sflag:$0x1], $0x10, s25, s13, $0xb8;
	[tilespmem:$0x17318] =	vst v63  }
0x50: {  	s26 =	sadd.s32 $0x1888, s19;
	s28 =	sadd.s32 $0xFFFFFFB0, s16  }
0x51: {  	[spmem:s2] =	stream.indirect.scatter.add.f32 [tilespmem:s26], [sflag:$0x1], $0x10, s28, s13, $0xb8;
	[tilespmem:$0x17318] =	vst v63  }
0x52: {  	s29 =	sadd.s32 $0x1B08, s19;
	s30 =	sadd.s32 $0xFFFFFFD8, s16  }
0x53: {  	[spmem:s2] =	stream.indirect.scatter.add.f32 [tilespmem:s29], [sflag:$0x1], $0x10, s30, s13, $0xb8;
	[tilespmem:$0x17318] =	vst v63  }
0x54: {  	s31 =	sadd.s32 $0x1D88, s19  }
0x55: {  	[spmem:s2] =	stream.indirect.scatter.add.f32 [tilespmem:s31], [sflag:$0x1], $0x10, s16, s13, $0xb8;
	[tilespmem:$0x17318] =	vst v63  }
0x56: {  	_ =	swait.ge [sflag:s14], $0x280  }
0x57: {  	[sflag:s14] =	ssyncset.done $0x0  }
0x58: {  	[sflag:s14] =	ssyncadd.s32 $0xFFFFFD80  }
0x59: {  	_ =	swait.ge [sflag:s14], $0x280  }
0x5a: {  	[sflag:s14] =	ssyncset.done $0x0  }
0x5b: {  	[sflag:s14] =	ssyncadd.s32 $0xFFFFFD80  }
0x5c: {  	_ =	swait.ge [sflag:s14], $0x280  }
0x5d: {  	[sflag:s14] =	ssyncset.done $0x0  }
0x5e: {  	[sflag:s14] =	ssyncadd.s32 $0xFFFFFD80  }
0x5f: {  	_ =	swait.ge [sflag:s14], $0x280  }
0x60: {  	[sflag:s14] =	ssyncset.done $0x0  }
0x61: {  	[sflag:s14] =	ssyncadd.s32 $0xFFFFFD80  }
0x62: {  	_ =	swait.ge [sflag:s14], $0x280  }
0x63: {  	s15 =	sadd.s32 $0x1, s15;
	[sflag:s14] =	ssyncset.done $0x0  }
0x64: {  	p0 =	sne.s32 s15, s9;
	[sflag:s14] =	ssyncadd.s32 $0xFFFFFD80  }
.Ltmp1:
0x65: {  	[bflag:$0x0] =	sbarrier.arrive $0xFFFF;
	(pc) =	sbr.rel @p0 .LBB2_1-.Ltmp1, $4  }
0x66: {  	[hbm:s8], [sflag:s5] =	dma.local [spmem:s10], $0x4E2  }
0x67: {  	_ =	swait.ge [sflag:s11], $0x4E2  }
0x68: {  	[sflag:s11] =	ssyncset.done $0x0  }
0x69: {  	[sflag:s11] =	ssyncadd.s32 $0xFFFFFB1E  }
0x6a: {  	_ =	sfence.sel $0x180000  }
0x6b: {  	[bflag:$0x0] =	sbarrier.arrive $0xFFFF  }
0x6c: {  	p0 =	sne.s32 s0, $0x0;
	_ =	strace $0x90000050  }
0x6d: {  	s0 =	sadd.s32 @!p0 $0x100000, s1;
	[bflag:$0x2] =	sbarrier.arrive $0xFFFF  }
0x6e: {  	[sflag:s0] =	ssyncadd.tile.s32 @!p0 $0x1;
	_ =	shalt  }
.Lfunc_end2:
_tile_overlayer_lowered:
.L_overlay_start_2:
0x6f: {  	(tag) =	ssettag $0x2  }
0x70: {  	s0 =	rddreg [dreg:$0x0];
	s2 =	stileid.u32  }
0x71: {  	s1 =	rddreg [dreg:$0x1];
	p0 =	sne.s32 s2, $0x0  }
0x72: {  	s3 =	rddreg [dreg:$0x2];
	[bflag:$0x3] =	sbarrier.arrive $0xFFFF;
	s2 =	simm.s32 @!p0 $0x1C02  }
0x73: {  	[timem:s3], [sflag:s2] =	dma.local @!p0 [hbm:s0], s1  }
0x74: {  	s0 =	simm.s32 @!p0 $0x2  }
0x75: {  	_ =	swait.ge @!p0 [sflag:s0], s1  }
0x76: {  	s1 =	ssub.s32 @!p0 $0x0, s1;
	[sflag:s0] =	ssyncset.done @!p0 $0x0  }
0x77: {  	[sflag:s0] =	ssyncadd.s32 @!p0 s1  }
0x78: {  	[bflag:$0x3] =	sbarrier.arrive $0xFFFF  }
0x79: {  	_ =	shalt  }

</sc_bundles>
